<compile_context>
chip_gen: v7x
topology: tpu7x:2x2x1
jax: 0.10.2.dev20260603
libtpu: 0.0.44.dev20260713+nightly
codegen_flags: <defaults>
</compile_context>

<pallas_src>
import functools

import jax
import jax.numpy as jnp
from jax import lax
from jax.experimental import pallas as pl
from jax.experimental.pallas import tpu as pltpu
from jax.experimental.pallas import tpu_sc as plsc


def kernel(x, target, W):
    B, S = x.shape
    V, D = W.shape
    N = B * S

    info = plsc.get_sparse_core_info()
    NC = info.num_cores
    NW = NC * info.num_subcores
    b_per_w = N // NW
    C = 128
    NCHUNK = b_per_w // C
    NBUF = 7
    LA = NBUF - 1

    idx = x.reshape(NW, b_per_w)

    mesh = plsc.VectorSubcoreMesh(core_axis_name="c", subcore_axis_name="s")

    @functools.partial(
        pl.kernel,
        mesh=mesh,
        out_type=jax.ShapeDtypeStruct((N, D), jnp.float32),
        scratch_types=[
            pltpu.VMEM((b_per_w,), jnp.int32),
            pltpu.VMEM((NBUF, C, D), jnp.float32),
            pltpu.SemaphoreType.DMA((NBUF,)),
            pltpu.SemaphoreType.DMA((NBUF,)),
        ],
    )
    def emb(idx_hbm, table_hbm, out_hbm, idx_v, rows_v, gsem, osem):
        wid = lax.axis_index("s") * NC + lax.axis_index("c")
        base = wid * b_per_w
        pltpu.sync_copy(idx_hbm.at[wid], idx_v)

        def gather_start(g, b):
            pltpu.async_copy(table_hbm.at[idx_v.at[pl.ds(g * C, C)]], rows_v.at[b], gsem.at[b])

        def gather_wait(g, b):
            pltpu.make_async_copy(
                table_hbm.at[idx_v.at[pl.ds(g * C, C)]], rows_v.at[b], gsem.at[b]
            ).wait()

        def out_start(g, b):
            pltpu.async_copy(
                rows_v.at[b], out_hbm.at[pl.ds(base + g * C, C)], osem.at[b]
            )

        def out_wait(g, b):
            pltpu.make_async_copy(
                rows_v.at[b], out_hbm.at[pl.ds(base + g * C, C)], osem.at[b]
            ).wait()

        for b in range(LA):
            gather_start(b, b)

        def step(h, b, rearm, wait_prev):
            if rearm:
                bn = (b + LA) % NBUF
                if wait_prev:
                    out_wait(h - (NBUF - LA), bn)
                gather_start(h + LA, bn)
            gather_wait(h, b)
            out_start(h, b)

        for h in range(NBUF):
            step(h, h % NBUF, h + LA < NCHUNK, h - (NBUF - LA) >= 0)

        n_main = NCHUNK - 2 * NBUF
        n_fori = (n_main // NBUF) * NBUF

        def body(i, carry):
            h0 = NBUF + i * NBUF
            for j in range(NBUF):
                step(h0 + j, j, True, True)
            return carry

        lax.fori_loop(0, n_main // NBUF, body, 0)
        for h in range(NBUF + n_fori, NCHUNK):
            step(h, h % NBUF, h + LA < NCHUNK, h - (NBUF - LA) >= 0)

        for h in range(NCHUNK - NBUF, NCHUNK):
            out_wait(h, h % NBUF)

    out = emb(idx, W)
    return out.reshape(B, S, D)

# --- scband reference (transcript-rebuilt; emitter-appended) ---
"""Pipeline reference for scband-word-rep-20083267076945 (READ-ONLY COPY).

The authoritative reference and input builder live on the scoring server;
editing this copy changes nothing except your own understanding.
"""

import jax, jax.numpy as jnp
import numpy as np

VOCAB = 100000  # len(dicts['w2ind']) + 2 modeled as 100000 rows
EMBED_DIM = 128
BATCH = 1024
SEQ = 200

def setup_inputs(seed: int = 0) -> dict:
    key = jax.random.key(seed)
    k1, k2, k3 = jax.random.split(key, 3)
    x = jax.random.randint(k1, (BATCH, SEQ), 0, VOCAB - 2, dtype=jnp.int32)
    target = jax.random.normal(k2, (BATCH, 50), dtype=jnp.float32)
    # Embedding table (padding_idx=0 row zeroed, as nn.Embedding(padding_idx=0) does)
    W = jax.random.normal(k3, (VOCAB, EMBED_DIM), dtype=jnp.float32)
    W = W.at[0].set(0.0)
    return {"x": x, "target": target, "W": W}

def reference(x, target, W):
    # features = [embed(x)]; x = cat(features, dim=2) -> just embed(x)
    feats = jnp.take(W, x, axis=0)  # [B, S, D]
    # embed_drop: dropout treated as identity (eval mode / deterministic reference)
    return feats

if __name__ == "__main__":
    import jax
    _d = setup_inputs()
    print(jax.jit(kernel)(*tuple(_d.values())))

</pallas_src>

<mosaic_0001>
#map = affine_map<(d0, d1) -> (0, 0)>
module attributes {stable_mosaic.version = 14 : i64} {
  func.func @emb(%arg0: i32, %arg1: i32, %arg2: memref<32x6400xi32, #tpu.memory_space<hbm>>, %arg3: memref<100000x128xf32, #tpu.memory_space<hbm>>, %arg4: memref<204800x128xf32, #tpu.memory_space<hbm>>, %arg5: memref<6400xi32, #tpu.memory_space<vmem>>, %arg6: memref<7x128x128xf32, #tpu.memory_space<vmem>>, %arg7: memref<7x!tpu.dma_semaphore, #tpu.memory_space<semaphore_mem>>, %arg8: memref<7x!tpu.dma_semaphore, #tpu.memory_space<semaphore_mem>>) attributes {dimension_semantics = [#tpu.dimension_semantics<core_parallel>, #tpu.dimension_semantics<subcore_parallel>], iteration_bounds = array<i64: 2, 16>, scalar_prefetch = 0 : i64, scratch_operands = 4 : i64, tpu.core_type = #tpu.core_type<sc_vector_subcore>, window_params = [{transform_indices = #map}, {transform_indices = #map}, {transform_indices = #map}]} {
    %mul3A = arith.constant 2 : i32
    %mul3A_0 = arith.muli %arg1, %mul3A : i32
    %add3A = arith.addi %mul3A_0, %arg0 : i32
    %mul3A_1 = arith.constant 6400 : i32
    %mul3A_2 = arith.muli %add3A, %mul3A_1 : i32
    "tpu.region"() ({
      %run_scoped3A = tpu.sem_alloc : memref<!tpu.dma_semaphore, #tpu.memory_space<semaphore_mem>>
      %dma_start3A_936 = arith.constant 0 : i32
      %dma_start3A_937 = tpu.memref_slice %arg2[%add3A, %dma_start3A_936] : memref<32x6400xi32, #tpu.memory_space<hbm>> -> memref<1x6400xi32, #tpu.memory_space<hbm>>
      %dma_start3A_938 = tpu.memref_squeeze %dma_start3A_937 : memref<1x6400xi32, #tpu.memory_space<hbm>> -> memref<6400xi32, #tpu.memory_space<hbm>>
      %dma_start3A_939 = arith.constant 0 : i32
      %dma_start3A_940 = tpu.memref_slice %arg2[%add3A, %dma_start3A_939] : memref<32x6400xi32, #tpu.memory_space<hbm>> -> memref<1x6400xi32, #tpu.memory_space<hbm>>
      %dma_start3A_941 = tpu.memref_squeeze %dma_start3A_940 : memref<1x6400xi32, #tpu.memory_space<hbm>> -> memref<6400xi32, #tpu.memory_space<hbm>>
      tpu.enqueue_dma source(%dma_start3A_941 : memref<6400xi32, #tpu.memory_space<hbm>>) target(%arg5 : memref<6400xi32, #tpu.memory_space<vmem>>) target_semaphore(%run_scoped3A : memref<!tpu.dma_semaphore, #tpu.memory_space<semaphore_mem>>)
      %dma_wait3A_942 = arith.constant 0 : i32
      %dma_wait3A_943 = tpu.memref_slice %arg2[%add3A, %dma_wait3A_942] : memref<32x6400xi32, #tpu.memory_space<hbm>> -> memref<1x6400xi32, #tpu.memory_space<hbm>>
      %dma_wait3A_944 = tpu.memref_squeeze %dma_wait3A_943 : memref<1x6400xi32, #tpu.memory_space<hbm>> -> memref<6400xi32, #tpu.memory_space<hbm>>
      %dma_wait3A_945 = arith.constant 0 : i32
      %dma_wait3A_946 = tpu.memref_slice %arg2[%add3A, %dma_wait3A_945] : memref<32x6400xi32, #tpu.memory_space<hbm>> -> memref<1x6400xi32, #tpu.memory_space<hbm>>
      %dma_wait3A_947 = tpu.memref_squeeze %dma_wait3A_946 : memref<1x6400xi32, #tpu.memory_space<hbm>> -> memref<6400xi32, #tpu.memory_space<hbm>>
      tpu.wait_dma2 semaphore(%run_scoped3A : memref<!tpu.dma_semaphore, #tpu.memory_space<semaphore_mem>>) src(%dma_wait3A_947 : memref<6400xi32, #tpu.memory_space<hbm>>) dst(%arg5 : memref<6400xi32, #tpu.memory_space<vmem>>)
      tpu.yield
    }) : () -> ()
    %dma_start3A = arith.constant 0 : i32
    %dma_start3A_3 = arith.constant 0 : i32
    %dma_start3A_4 = arith.constant 0 : i32
    %dma_start3A_5 = arith.constant 0 : i32
    %dma_start3A_6 = tpu.memref_slice %arg6[%dma_start3A, %dma_start3A_4, %dma_start3A_5] : memref<7x128x128xf32, #tpu.memory_space<vmem>> -> memref<1x128x128xf32, #tpu.memory_space<vmem>>
    %dma_start3A_7 = tpu.memref_squeeze %dma_start3A_6 : memref<1x128x128xf32, #tpu.memory_space<vmem>> -> memref<128x128xf32, #tpu.memory_space<vmem>>
    %dma_start3A_8 = arith.constant 0 : i32
    %dma_start3A_9 = tpu.memref_slice %arg5[%dma_start3A_8] : memref<6400xi32, #tpu.memory_space<vmem>> -> memref<128xi32, #tpu.memory_space<vmem>>
    %dma_start3A_10 = arith.constant 0 : i32
    %dma_start3A_11 = arith.constant 0 : i32
    %dma_start3A_12 = tpu.memref_slice %arg3[%dma_start3A_10, %dma_start3A_11] : memref<100000x128xf32, #tpu.memory_space<hbm>> -> memref<100000x128xf32, #tpu.memory_space<hbm>>
    %dma_start3A_13 = tpu.memref_slice %arg7[%dma_start3A_3] : memref<7x!tpu.dma_semaphore, #tpu.memory_space<semaphore_mem>> -> memref<1x!tpu.dma_semaphore, #tpu.memory_space<semaphore_mem>>
    %dma_start3A_14 = tpu.memref_squeeze %dma_start3A_13 : memref<1x!tpu.dma_semaphore, #tpu.memory_space<semaphore_mem>> -> memref<!tpu.dma_semaphore, #tpu.memory_space<semaphore_mem>>
    tpu.enqueue_indirect_dma source(%dma_start3A_12 : memref<100000x128xf32, #tpu.memory_space<hbm>>) target(%dma_start3A_7 : memref<128x128xf32, #tpu.memory_space<vmem>>) offsets(%dma_start3A_9 : memref<128xi32, #tpu.memory_space<vmem>>) semaphore(%dma_start3A_14 : memref<!tpu.dma_semaphore, #tpu.memory_space<semaphore_mem>>)
    %dma_start3A_15 = arith.constant 1 : i32
    %dma_start3A_16 = arith.constant 1 : i32
    %dma_start3A_17 = arith.constant 0 : i32
    %dma_start3A_18 = arith.constant 0 : i32
    %dma_start3A_19 = tpu.memref_slice %arg6[%dma_start3A_15, %dma_start3A_17, %dma_start3A_18] : memref<7x128x128xf32, #tpu.memory_space<vmem>> -> memref<1x128x128xf32, #tpu.memory_space<vmem>>
    %dma_start3A_20 = tpu.memref_squeeze %dma_start3A_19 : memref<1x128x128xf32, #tpu.memory_space<vmem>> -> memref<128x128xf32, #tpu.memory_space<vmem>>
    %dma_start3A_21 = arith.constant 128 : i32
    %dma_start3A_22 = tpu.memref_slice %arg5[%dma_start3A_21] : memref<6400xi32, #tpu.memory_space<vmem>> -> memref<128xi32, #tpu.memory_space<vmem>>
    %dma_start3A_23 = arith.constant 0 : i32
    %dma_start3A_24 = arith.constant 0 : i32
    %dma_start3A_25 = tpu.memref_slice %arg3[%dma_start3A_23, %dma_start3A_24] : memref<100000x128xf32, #tpu.memory_space<hbm>> -> memref<100000x128xf32, #tpu.memory_space<hbm>>
    %dma_start3A_26 = tpu.memref_slice %arg7[%dma_start3A_16] : memref<7x!tpu.dma_semaphore, #tpu.memory_space<semaphore_mem>> -> memref<1x!tpu.dma_semaphore, #tpu.memory_space<semaphore_mem>>
    %dma_start3A_27 = tpu.memref_squeeze %dma_start3A_26 : memref<1x!tpu.dma_semaphore, #tpu.memory_space<semaphore_mem>> -> memref<!tpu.dma_semaphore, #tpu.memory_space<semaphore_mem>>
    tpu.enqueue_indirect_dma source(%dma_start3A_25 : memref<100000x128xf32, #tpu.memory_space<hbm>>) target(%dma_start3A_20 : memref<128x128xf32, #tpu.memory_space<vmem>>) offsets(%dma_start3A_22 : memref<128xi32, #tpu.memory_space<vmem>>) semaphore(%dma_start3A_27 : memref<!tpu.dma_semaphore, #tpu.memory_space<semaphore_mem>>)
    %dma_start3A_28 = arith.constant 2 : i32
    %dma_start3A_29 = arith.constant 2 : i32
    %dma_start3A_30 = arith.constant 0 : i32
    %dma_start3A_31 = arith.constant 0 : i32
    %dma_start3A_32 = tpu.memref_slice %arg6[%dma_start3A_28, %dma_start3A_30, %dma_start3A_31] : memref<7x128x128xf32, #tpu.memory_space<vmem>> -> memref<1x128x128xf32, #tpu.memory_space<vmem>>
    %dma_start3A_33 = tpu.memref_squeeze %dma_start3A_32 : memref<1x128x128xf32, #tpu.memory_space<vmem>> -> memref<128x128xf32, #tpu.memory_space<vmem>>
    %dma_start3A_34 = arith.constant 256 : i32
    %dma_start3A_35 = tpu.memref_slice %arg5[%dma_start3A_34] : memref<6400xi32, #tpu.memory_space<vmem>> -> memref<128xi32, #tpu.memory_space<vmem>>
    %dma_start3A_36 = arith.constant 0 : i32
    %dma_start3A_37 = arith.constant 0 : i32
    %dma_start3A_38 = tpu.memref_slice %arg3[%dma_start3A_36, %dma_start3A_37] : memref<100000x128xf32, #tpu.memory_space<hbm>> -> memref<100000x128xf32, #tpu.memory_space<hbm>>
    %dma_start3A_39 = tpu.memref_slice %arg7[%dma_start3A_29] : memref<7x!tpu.dma_semaphore, #tpu.memory_space<semaphore_mem>> -> memref<1x!tpu.dma_semaphore, #tpu.memory_space<semaphore_mem>>
    %dma_start3A_40 = tpu.memref_squeeze %dma_start3A_39 : memref<1x!tpu.dma_semaphore, #tpu.memory_space<semaphore_mem>> -> memref<!tpu.dma_semaphore, #tpu.memory_space<semaphore_mem>>
    tpu.enqueue_indirect_dma source(%dma_start3A_38 : memref<100000x128xf32, #tpu.memory_space<hbm>>) target(%dma_start3A_33 : memref<128x128xf32, #tpu.memory_space<vmem>>) offsets(%dma_start3A_35 : memref<128xi32, #tpu.memory_space<vmem>>) semaphore(%dma_start3A_40 : memref<!tpu.dma_semaphore, #tpu.memory_space<semaphore_mem>>)
    %dma_start3A_41 = arith.constant 3 : i32
    %dma_start3A_42 = arith.constant 3 : i32
    %dma_start3A_43 = arith.constant 0 : i32
    %dma_start3A_44 = arith.constant 0 : i32
    %dma_start3A_45 = tpu.memref_slice %arg6[%dma_start3A_41, %dma_start3A_43, %dma_start3A_44] : memref<7x128x128xf32, #tpu.memory_space<vmem>> -> memref<1x128x128xf32, #tpu.memory_space<vmem>>
    %dma_start3A_46 = tpu.memref_squeeze %dma_start3A_45 : memref<1x128x128xf32, #tpu.memory_space<vmem>> -> memref<128x128xf32, #tpu.memory_space<vmem>>
    %dma_start3A_47 = arith.constant 384 : i32
    %dma_start3A_48 = tpu.memref_slice %arg5[%dma_start3A_47] : memref<6400xi32, #tpu.memory_space<vmem>> -> memref<128xi32, #tpu.memory_space<vmem>>
    %dma_start3A_49 = arith.constant 0 : i32
    %dma_start3A_50 = arith.constant 0 : i32
    %dma_start3A_51 = tpu.memref_slice %arg3[%dma_start3A_49, %dma_start3A_50] : memref<100000x128xf32, #tpu.memory_space<hbm>> -> memref<100000x128xf32, #tpu.memory_space<hbm>>
    %dma_start3A_52 = tpu.memref_slice %arg7[%dma_start3A_42] : memref<7x!tpu.dma_semaphore, #tpu.memory_space<semaphore_mem>> -> memref<1x!tpu.dma_semaphore, #tpu.memory_space<semaphore_mem>>
    %dma_start3A_53 = tpu.memref_squeeze %dma_start3A_52 : memref<1x!tpu.dma_semaphore, #tpu.memory_space<semaphore_mem>> -> memref<!tpu.dma_semaphore, #tpu.memory_space<semaphore_mem>>
    tpu.enqueue_indirect_dma source(%dma_start3A_51 : memref<100000x128xf32, #tpu.memory_space<hbm>>) target(%dma_start3A_46 : memref<128x128xf32, #tpu.memory_space<vmem>>) offsets(%dma_start3A_48 : memref<128xi32, #tpu.memory_space<vmem>>) semaphore(%dma_start3A_53 : memref<!tpu.dma_semaphore, #tpu.memory_space<semaphore_mem>>)
    %dma_start3A_54 = arith.constant 4 : i32
    %dma_start3A_55 = arith.constant 4 : i32
    %dma_start3A_56 = arith.constant 0 : i32
    %dma_start3A_57 = arith.constant 0 : i32
    %dma_start3A_58 = tpu.memref_slice %arg6[%dma_start3A_54, %dma_start3A_56, %dma_start3A_57] : memref<7x128x128xf32, #tpu.memory_space<vmem>> -> memref<1x128x128xf32, #tpu.memory_space<vmem>>
    %dma_start3A_59 = tpu.memref_squeeze %dma_start3A_58 : memref<1x128x128xf32, #tpu.memory_space<vmem>> -> memref<128x128xf32, #tpu.memory_space<vmem>>
    %dma_start3A_60 = arith.constant 512 : i32
    %dma_start3A_61 = tpu.memref_slice %arg5[%dma_start3A_60] : memref<6400xi32, #tpu.memory_space<vmem>> -> memref<128xi32, #tpu.memory_space<vmem>>
    %dma_start3A_62 = arith.constant 0 : i32
    %dma_start3A_63 = arith.constant 0 : i32
    %dma_start3A_64 = tpu.memref_slice %arg3[%dma_start3A_62, %dma_start3A_63] : memref<100000x128xf32, #tpu.memory_space<hbm>> -> memref<100000x128xf32, #tpu.memory_space<hbm>>
    %dma_start3A_65 = tpu.memref_slice %arg7[%dma_start3A_55] : memref<7x!tpu.dma_semaphore, #tpu.memory_space<semaphore_mem>> -> memref<1x!tpu.dma_semaphore, #tpu.memory_space<semaphore_mem>>
    %dma_start3A_66 = tpu.memref_squeeze %dma_start3A_65 : memref<1x!tpu.dma_semaphore, #tpu.memory_space<semaphore_mem>> -> memref<!tpu.dma_semaphore, #tpu.memory_space<semaphore_mem>>
    tpu.enqueue_indirect_dma source(%dma_start3A_64 : memref<100000x128xf32, #tpu.memory_space<hbm>>) target(%dma_start3A_59 : memref<128x128xf32, #tpu.memory_space<vmem>>) offsets(%dma_start3A_61 : memref<128xi32, #tpu.memory_space<vmem>>) semaphore(%dma_start3A_66 : memref<!tpu.dma_semaphore, #tpu.memory_space<semaphore_mem>>)
    %dma_start3A_67 = arith.constant 5 : i32
    %dma_start3A_68 = arith.constant 5 : i32
    %dma_start3A_69 = arith.constant 0 : i32
    %dma_start3A_70 = arith.constant 0 : i32
    %dma_start3A_71 = tpu.memref_slice %arg6[%dma_start3A_67, %dma_start3A_69, %dma_start3A_70] : memref<7x128x128xf32, #tpu.memory_space<vmem>> -> memref<1x128x128xf32, #tpu.memory_space<vmem>>
    %dma_start3A_72 = tpu.memref_squeeze %dma_start3A_71 : memref<1x128x128xf32, #tpu.memory_space<vmem>> -> memref<128x128xf32, #tpu.memory_space<vmem>>
    %dma_start3A_73 = arith.constant 640 : i32
    %dma_start3A_74 = tpu.memref_slice %arg5[%dma_start3A_73] : memref<6400xi32, #tpu.memory_space<vmem>> -> memref<128xi32, #tpu.memory_space<vmem>>
    %dma_start3A_75 = arith.constant 0 : i32
    %dma_start3A_76 = arith.constant 0 : i32
    %dma_start3A_77 = tpu.memref_slice %arg3[%dma_start3A_75, %dma_start3A_76] : memref<100000x128xf32, #tpu.memory_space<hbm>> -> memref<100000x128xf32, #tpu.memory_space<hbm>>
    %dma_start3A_78 = tpu.memref_slice %arg7[%dma_start3A_68] : memref<7x!tpu.dma_semaphore, #tpu.memory_space<semaphore_mem>> -> memref<1x!tpu.dma_semaphore, #tpu.memory_space<semaphore_mem>>
    %dma_start3A_79 = tpu.memref_squeeze %dma_start3A_78 : memref<1x!tpu.dma_semaphore, #tpu.memory_space<semaphore_mem>> -> memref<!tpu.dma_semaphore, #tpu.memory_space<semaphore_mem>>
    tpu.enqueue_indirect_dma source(%dma_start3A_77 : memref<100000x128xf32, #tpu.memory_space<hbm>>) target(%dma_start3A_72 : memref<128x128xf32, #tpu.memory_space<vmem>>) offsets(%dma_start3A_74 : memref<128xi32, #tpu.memory_space<vmem>>) semaphore(%dma_start3A_79 : memref<!tpu.dma_semaphore, #tpu.memory_space<semaphore_mem>>)
    %dma_start3A_80 = arith.constant 6 : i32
    %dma_start3A_81 = arith.constant 6 : i32
    %dma_start3A_82 = arith.constant 0 : i32
    %dma_start3A_83 = arith.constant 0 : i32
    %dma_start3A_84 = tpu.memref_slice %arg6[%dma_start3A_80, %dma_start3A_82, %dma_start3A_83] : memref<7x128x128xf32, #tpu.memory_space<vmem>> -> memref<1x128x128xf32, #tpu.memory_space<vmem>>
    %dma_start3A_85 = tpu.memref_squeeze %dma_start3A_84 : memref<1x128x128xf32, #tpu.memory_space<vmem>> -> memref<128x128xf32, #tpu.memory_space<vmem>>
    %dma_start3A_86 = arith.constant 768 : i32
    %dma_start3A_87 = tpu.memref_slice %arg5[%dma_start3A_86] : memref<6400xi32, #tpu.memory_space<vmem>> -> memref<128xi32, #tpu.memory_space<vmem>>
    %dma_start3A_88 = arith.constant 0 : i32
    %dma_start3A_89 = arith.constant 0 : i32
    %dma_start3A_90 = tpu.memref_slice %arg3[%dma_start3A_88, %dma_start3A_89] : memref<100000x128xf32, #tpu.memory_space<hbm>> -> memref<100000x128xf32, #tpu.memory_space<hbm>>
    %dma_start3A_91 = tpu.memref_slice %arg7[%dma_start3A_81] : memref<7x!tpu.dma_semaphore, #tpu.memory_space<semaphore_mem>> -> memref<1x!tpu.dma_semaphore, #tpu.memory_space<semaphore_mem>>
    %dma_start3A_92 = tpu.memref_squeeze %dma_start3A_91 : memref<1x!tpu.dma_semaphore, #tpu.memory_space<semaphore_mem>> -> memref<!tpu.dma_semaphore, #tpu.memory_space<semaphore_mem>>
    tpu.enqueue_indirect_dma source(%dma_start3A_90 : memref<100000x128xf32, #tpu.memory_space<hbm>>) target(%dma_start3A_85 : memref<128x128xf32, #tpu.memory_space<vmem>>) offsets(%dma_start3A_87 : memref<128xi32, #tpu.memory_space<vmem>>) semaphore(%dma_start3A_92 : memref<!tpu.dma_semaphore, #tpu.memory_space<semaphore_mem>>)
    %dma_wait3A = arith.constant 0 : i32
    %dma_wait3A_93 = arith.constant 0 : i32
    %dma_wait3A_94 = arith.constant 0 : i32
    %dma_wait3A_95 = arith.constant 0 : i32
    %dma_wait3A_96 = tpu.memref_slice %arg6[%dma_wait3A, %dma_wait3A_94, %dma_wait3A_95] : memref<7x128x128xf32, #tpu.memory_space<vmem>> -> memref<1x128x128xf32, #tpu.memory_space<vmem>>
    %dma_wait3A_97 = tpu.memref_squeeze %dma_wait3A_96 : memref<1x128x128xf32, #tpu.memory_space<vmem>> -> memref<128x128xf32, #tpu.memory_space<vmem>>
    %dma_wait3A_98 = arith.constant 0 : i32
    %dma_wait3A_99 = tpu.memref_slice %arg5[%dma_wait3A_98] : memref<6400xi32, #tpu.memory_space<vmem>> -> memref<128xi32, #tpu.memory_space<vmem>>
    %dma_wait3A_100 = arith.constant 0 : i32
    %dma_wait3A_101 = arith.constant 0 : i32
    %dma_wait3A_102 = tpu.memref_slice %arg3[%dma_wait3A_100, %dma_wait3A_101] : memref<100000x128xf32, #tpu.memory_space<hbm>> -> memref<100000x128xf32, #tpu.memory_space<hbm>>
    %dma_wait3A_103 = tpu.memref_slice %arg7[%dma_wait3A_93] : memref<7x!tpu.dma_semaphore, #tpu.memory_space<semaphore_mem>> -> memref<1x!tpu.dma_semaphore, #tpu.memory_space<semaphore_mem>>
    %dma_wait3A_104 = tpu.memref_squeeze %dma_wait3A_103 : memref<1x!tpu.dma_semaphore, #tpu.memory_space<semaphore_mem>> -> memref<!tpu.dma_semaphore, #tpu.memory_space<semaphore_mem>>
    tpu.wait_indirect_dma semaphore(%dma_wait3A_104 : memref<!tpu.dma_semaphore, #tpu.memory_space<semaphore_mem>>) src(%dma_wait3A_102 : memref<100000x128xf32, #tpu.memory_space<hbm>>) dst(%dma_wait3A_97 : memref<128x128xf32, #tpu.memory_space<vmem>>)
    %add3A_105 = arith.constant 0 : i32
    %add3A_106 = arith.addi %mul3A_2, %add3A_105 : i32
    %dma_start3A_107 = arith.constant 0 : i32
    %dma_start3A_108 = arith.constant 0 : i32
    %dma_start3A_109 = arith.constant 0 : i32
    %dma_start3A_110 = arith.constant 0 : i32
    %dma_start3A_111 = tpu.memref_slice %arg6[%dma_start3A_107, %dma_start3A_109, %dma_start3A_110] : memref<7x128x128xf32, #tpu.memory_space<vmem>> -> memref<1x128x128xf32, #tpu.memory_space<vmem>>
    %dma_start3A_112 = tpu.memref_squeeze %dma_start3A_111 : memref<1x128x128xf32, #tpu.memory_space<vmem>> -> memref<128x128xf32, #tpu.memory_space<vmem>>
    %dma_start3A_113 = arith.constant 0 : i32
    %dma_start3A_114 = tpu.memref_slice %arg4[%add3A_106, %dma_start3A_113] : memref<204800x128xf32, #tpu.memory_space<hbm>> -> memref<128x128xf32, #tpu.memory_space<hbm>>
    %dma_start3A_115 = tpu.memref_slice %arg8[%dma_start3A_108] : memref<7x!tpu.dma_semaphore, #tpu.memory_space<semaphore_mem>> -> memref<1x!tpu.dma_semaphore, #tpu.memory_space<semaphore_mem>>
    %dma_start3A_116 = tpu.memref_squeeze %dma_start3A_115 : memref<1x!tpu.dma_semaphore, #tpu.memory_space<semaphore_mem>> -> memref<!tpu.dma_semaphore, #tpu.memory_space<semaphore_mem>>
    %dma_start3A_117 = arith.constant 0 : i32
    %dma_start3A_118 = tpu.memref_slice %arg4[%add3A_106, %dma_start3A_117] : memref<204800x128xf32, #tpu.memory_space<hbm>> -> memref<128x128xf32, #tpu.memory_space<hbm>>
    %dma_start3A_119 = arith.constant 0 : i32
    %dma_start3A_120 = arith.constant 0 : i32
    %dma_start3A_121 = tpu.memref_slice %arg6[%dma_start3A_107, %dma_start3A_119, %dma_start3A_120] : memref<7x128x128xf32, #tpu.memory_space<vmem>> -> memref<1x128x128xf32, #tpu.memory_space<vmem>>
    %dma_start3A_122 = tpu.memref_squeeze %dma_start3A_121 : memref<1x128x128xf32, #tpu.memory_space<vmem>> -> memref<128x128xf32, #tpu.memory_space<vmem>>
    tpu.enqueue_dma source(%dma_start3A_122 : memref<128x128xf32, #tpu.memory_space<vmem>>) target(%dma_start3A_118 : memref<128x128xf32, #tpu.memory_space<hbm>>) target_semaphore(%dma_start3A_116 : memref<!tpu.dma_semaphore, #tpu.memory_space<semaphore_mem>>)
    %add3A_123 = arith.constant 0 : i32
    %add3A_124 = arith.addi %mul3A_2, %add3A_123 : i32
    %dma_wait3A_125 = arith.constant 0 : i32
    %dma_wait3A_126 = arith.constant 0 : i32
    %dma_wait3A_127 = arith.constant 0 : i32
    %dma_wait3A_128 = arith.constant 0 : i32
    %dma_wait3A_129 = tpu.memref_slice %arg6[%dma_wait3A_125, %dma_wait3A_127, %dma_wait3A_128] : memref<7x128x128xf32, #tpu.memory_space<vmem>> -> memref<1x128x128xf32, #tpu.memory_space<vmem>>
    %dma_wait3A_130 = tpu.memref_squeeze %dma_wait3A_129 : memref<1x128x128xf32, #tpu.memory_space<vmem>> -> memref<128x128xf32, #tpu.memory_space<vmem>>
    %dma_wait3A_131 = arith.constant 0 : i32
    %dma_wait3A_132 = tpu.memref_slice %arg4[%add3A_124, %dma_wait3A_131] : memref<204800x128xf32, #tpu.memory_space<hbm>> -> memref<128x128xf32, #tpu.memory_space<hbm>>
    %dma_wait3A_133 = tpu.memref_slice %arg8[%dma_wait3A_126] : memref<7x!tpu.dma_semaphore, #tpu.memory_space<semaphore_mem>> -> memref<1x!tpu.dma_semaphore, #tpu.memory_space<semaphore_mem>>
    %dma_wait3A_134 = tpu.memref_squeeze %dma_wait3A_133 : memref<1x!tpu.dma_semaphore, #tpu.memory_space<semaphore_mem>> -> memref<!tpu.dma_semaphore, #tpu.memory_space<semaphore_mem>>
    %dma_wait3A_135 = arith.constant 0 : i32
    %dma_wait3A_136 = tpu.memref_slice %arg4[%add3A_124, %dma_wait3A_135] : memref<204800x128xf32, #tpu.memory_space<hbm>> -> memref<128x128xf32, #tpu.memory_space<hbm>>
    %dma_wait3A_137 = arith.constant 0 : i32
    %dma_wait3A_138 = arith.constant 0 : i32
    %dma_wait3A_139 = tpu.memref_slice %arg6[%dma_wait3A_125, %dma_wait3A_137, %dma_wait3A_138] : memref<7x128x128xf32, #tpu.memory_space<vmem>> -> memref<1x128x128xf32, #tpu.memory_space<vmem>>
    %dma_wait3A_140 = tpu.memref_squeeze %dma_wait3A_139 : memref<1x128x128xf32, #tpu.memory_space<vmem>> -> memref<128x128xf32, #tpu.memory_space<vmem>>
    tpu.wait_dma2 semaphore(%dma_wait3A_134 : memref<!tpu.dma_semaphore, #tpu.memory_space<semaphore_mem>>) src(%dma_wait3A_140 : memref<128x128xf32, #tpu.memory_space<vmem>>) dst(%dma_wait3A_136 : memref<128x128xf32, #tpu.memory_space<hbm>>)
    %dma_start3A_141 = arith.constant 0 : i32
    %dma_start3A_142 = arith.constant 0 : i32
    %dma_start3A_143 = arith.constant 0 : i32
    %dma_start3A_144 = arith.constant 0 : i32
    %dma_start3A_145 = tpu.memref_slice %arg6[%dma_start3A_141, %dma_start3A_143, %dma_start3A_144] : memref<7x128x128xf32, #tpu.memory_space<vmem>> -> memref<1x128x128xf32, #tpu.memory_space<vmem>>
    %dma_start3A_146 = tpu.memref_squeeze %dma_start3A_145 : memref<1x128x128xf32, #tpu.memory_space<vmem>> -> memref<128x128xf32, #tpu.memory_space<vmem>>
    %dma_start3A_147 = arith.constant 896 : i32
    %dma_start3A_148 = tpu.memref_slice %arg5[%dma_start3A_147] : memref<6400xi32, #tpu.memory_space<vmem>> -> memref<128xi32, #tpu.memory_space<vmem>>
    %dma_start3A_149 = arith.constant 0 : i32
    %dma_start3A_150 = arith.constant 0 : i32
    %dma_start3A_151 = tpu.memref_slice %arg3[%dma_start3A_149, %dma_start3A_150] : memref<100000x128xf32, #tpu.memory_space<hbm>> -> memref<100000x128xf32, #tpu.memory_space<hbm>>
    %dma_start3A_152 = tpu.memref_slice %arg7[%dma_start3A_142] : memref<7x!tpu.dma_semaphore, #tpu.memory_space<semaphore_mem>> -> memref<1x!tpu.dma_semaphore, #tpu.memory_space<semaphore_mem>>
    %dma_start3A_153 = tpu.memref_squeeze %dma_start3A_152 : memref<1x!tpu.dma_semaphore, #tpu.memory_space<semaphore_mem>> -> memref<!tpu.dma_semaphore, #tpu.memory_space<semaphore_mem>>
    tpu.enqueue_indirect_dma source(%dma_start3A_151 : memref<100000x128xf32, #tpu.memory_space<hbm>>) target(%dma_start3A_146 : memref<128x128xf32, #tpu.memory_space<vmem>>) offsets(%dma_start3A_148 : memref<128xi32, #tpu.memory_space<vmem>>) semaphore(%dma_start3A_153 : memref<!tpu.dma_semaphore, #tpu.memory_space<semaphore_mem>>)
    %dma_wait3A_154 = arith.constant 1 : i32
    %dma_wait3A_155 = arith.constant 1 : i32
    %dma_wait3A_156 = arith.constant 0 : i32
    %dma_wait3A_157 = arith.constant 0 : i32
    %dma_wait3A_158 = tpu.memref_slice %arg6[%dma_wait3A_154, %dma_wait3A_156, %dma_wait3A_157] : memref<7x128x128xf32, #tpu.memory_space<vmem>> -> memref<1x128x128xf32, #tpu.memory_space<vmem>>
    %dma_wait3A_159 = tpu.memref_squeeze %dma_wait3A_158 : memref<1x128x128xf32, #tpu.memory_space<vmem>> -> memref<128x128xf32, #tpu.memory_space<vmem>>
    %dma_wait3A_160 = arith.constant 128 : i32
    %dma_wait3A_161 = tpu.memref_slice %arg5[%dma_wait3A_160] : memref<6400xi32, #tpu.memory_space<vmem>> -> memref<128xi32, #tpu.memory_space<vmem>>
    %dma_wait3A_162 = arith.constant 0 : i32
    %dma_wait3A_163 = arith.constant 0 : i32
    %dma_wait3A_164 = tpu.memref_slice %arg3[%dma_wait3A_162, %dma_wait3A_163] : memref<100000x128xf32, #tpu.memory_space<hbm>> -> memref<100000x128xf32, #tpu.memory_space<hbm>>
    %dma_wait3A_165 = tpu.memref_slice %arg7[%dma_wait3A_155] : memref<7x!tpu.dma_semaphore, #tpu.memory_space<semaphore_mem>> -> memref<1x!tpu.dma_semaphore, #tpu.memory_space<semaphore_mem>>
    %dma_wait3A_166 = tpu.memref_squeeze %dma_wait3A_165 : memref<1x!tpu.dma_semaphore, #tpu.memory_space<semaphore_mem>> -> memref<!tpu.dma_semaphore, #tpu.memory_space<semaphore_mem>>
    tpu.wait_indirect_dma semaphore(%dma_wait3A_166 : memref<!tpu.dma_semaphore, #tpu.memory_space<semaphore_mem>>) src(%dma_wait3A_164 : memref<100000x128xf32, #tpu.memory_space<hbm>>) dst(%dma_wait3A_159 : memref<128x128xf32, #tpu.memory_space<vmem>>)
    %add3A_167 = arith.constant 128 : i32
    %add3A_168 = arith.addi %mul3A_2, %add3A_167 : i32
    %dma_start3A_169 = arith.constant 1 : i32
    %dma_start3A_170 = arith.constant 1 : i32
    %dma_start3A_171 = arith.constant 0 : i32
    %dma_start3A_172 = arith.constant 0 : i32
    %dma_start3A_173 = tpu.memref_slice %arg6[%dma_start3A_169, %dma_start3A_171, %dma_start3A_172] : memref<7x128x128xf32, #tpu.memory_space<vmem>> -> memref<1x128x128xf32, #tpu.memory_space<vmem>>
    %dma_start3A_174 = tpu.memref_squeeze %dma_start3A_173 : memref<1x128x128xf32, #tpu.memory_space<vmem>> -> memref<128x128xf32, #tpu.memory_space<vmem>>
    %dma_start3A_175 = arith.constant 0 : i32
    %dma_start3A_176 = tpu.memref_slice %arg4[%add3A_168, %dma_start3A_175] : memref<204800x128xf32, #tpu.memory_space<hbm>> -> memref<128x128xf32, #tpu.memory_space<hbm>>
    %dma_start3A_177 = tpu.memref_slice %arg8[%dma_start3A_170] : memref<7x!tpu.dma_semaphore, #tpu.memory_space<semaphore_mem>> -> memref<1x!tpu.dma_semaphore, #tpu.memory_space<semaphore_mem>>
    %dma_start3A_178 = tpu.memref_squeeze %dma_start3A_177 : memref<1x!tpu.dma_semaphore, #tpu.memory_space<semaphore_mem>> -> memref<!tpu.dma_semaphore, #tpu.memory_space<semaphore_mem>>
    %dma_start3A_179 = arith.constant 0 : i32
    %dma_start3A_180 = tpu.memref_slice %arg4[%add3A_168, %dma_start3A_179] : memref<204800x128xf32, #tpu.memory_space<hbm>> -> memref<128x128xf32, #tpu.memory_space<hbm>>
    %dma_start3A_181 = arith.constant 0 : i32
    %dma_start3A_182 = arith.constant 0 : i32
    %dma_start3A_183 = tpu.memref_slice %arg6[%dma_start3A_169, %dma_start3A_181, %dma_start3A_182] : memref<7x128x128xf32, #tpu.memory_space<vmem>> -> memref<1x128x128xf32, #tpu.memory_space<vmem>>
    %dma_start3A_184 = tpu.memref_squeeze %dma_start3A_183 : memref<1x128x128xf32, #tpu.memory_space<vmem>> -> memref<128x128xf32, #tpu.memory_space<vmem>>
    tpu.enqueue_dma source(%dma_start3A_184 : memref<128x128xf32, #tpu.memory_space<vmem>>) target(%dma_start3A_180 : memref<128x128xf32, #tpu.memory_space<hbm>>) target_semaphore(%dma_start3A_178 : memref<!tpu.dma_semaphore, #tpu.memory_space<semaphore_mem>>)
    %add3A_185 = arith.constant 128 : i32
    %add3A_186 = arith.addi %mul3A_2, %add3A_185 : i32
    %dma_wait3A_187 = arith.constant 1 : i32
    %dma_wait3A_188 = arith.constant 1 : i32
    %dma_wait3A_189 = arith.constant 0 : i32
    %dma_wait3A_190 = arith.constant 0 : i32
    %dma_wait3A_191 = tpu.memref_slice %arg6[%dma_wait3A_187, %dma_wait3A_189, %dma_wait3A_190] : memref<7x128x128xf32, #tpu.memory_space<vmem>> -> memref<1x128x128xf32, #tpu.memory_space<vmem>>
    %dma_wait3A_192 = tpu.memref_squeeze %dma_wait3A_191 : memref<1x128x128xf32, #tpu.memory_space<vmem>> -> memref<128x128xf32, #tpu.memory_space<vmem>>
    %dma_wait3A_193 = arith.constant 0 : i32
    %dma_wait3A_194 = tpu.memref_slice %arg4[%add3A_186, %dma_wait3A_193] : memref<204800x128xf32, #tpu.memory_space<hbm>> -> memref<128x128xf32, #tpu.memory_space<hbm>>
    %dma_wait3A_195 = tpu.memref_slice %arg8[%dma_wait3A_188] : memref<7x!tpu.dma_semaphore, #tpu.memory_space<semaphore_mem>> -> memref<1x!tpu.dma_semaphore, #tpu.memory_space<semaphore_mem>>
    %dma_wait3A_196 = tpu.memref_squeeze %dma_wait3A_195 : memref<1x!tpu.dma_semaphore, #tpu.memory_space<semaphore_mem>> -> memref<!tpu.dma_semaphore, #tpu.memory_space<semaphore_mem>>
    %dma_wait3A_197 = arith.constant 0 : i32
    %dma_wait3A_198 = tpu.memref_slice %arg4[%add3A_186, %dma_wait3A_197] : memref<204800x128xf32, #tpu.memory_space<hbm>> -> memref<128x128xf32, #tpu.memory_space<hbm>>
    %dma_wait3A_199 = arith.constant 0 : i32
    %dma_wait3A_200 = arith.constant 0 : i32
    %dma_wait3A_201 = tpu.memref_slice %arg6[%dma_wait3A_187, %dma_wait3A_199, %dma_wait3A_200] : memref<7x128x128xf32, #tpu.memory_space<vmem>> -> memref<1x128x128xf32, #tpu.memory_space<vmem>>
    %dma_wait3A_202 = tpu.memref_squeeze %dma_wait3A_201 : memref<1x128x128xf32, #tpu.memory_space<vmem>> -> memref<128x128xf32, #tpu.memory_space<vmem>>
    tpu.wait_dma2 semaphore(%dma_wait3A_196 : memref<!tpu.dma_semaphore, #tpu.memory_space<semaphore_mem>>) src(%dma_wait3A_202 : memref<128x128xf32, #tpu.memory_space<vmem>>) dst(%dma_wait3A_198 : memref<128x128xf32, #tpu.memory_space<hbm>>)
    %dma_start3A_203 = arith.constant 1 : i32
    %dma_start3A_204 = arith.constant 1 : i32
    %dma_start3A_205 = arith.constant 0 : i32
    %dma_start3A_206 = arith.constant 0 : i32
    %dma_start3A_207 = tpu.memref_slice %arg6[%dma_start3A_203, %dma_start3A_205, %dma_start3A_206] : memref<7x128x128xf32, #tpu.memory_space<vmem>> -> memref<1x128x128xf32, #tpu.memory_space<vmem>>
    %dma_start3A_208 = tpu.memref_squeeze %dma_start3A_207 : memref<1x128x128xf32, #tpu.memory_space<vmem>> -> memref<128x128xf32, #tpu.memory_space<vmem>>
    %dma_start3A_209 = arith.constant 1024 : i32
    %dma_start3A_210 = tpu.memref_slice %arg5[%dma_start3A_209] : memref<6400xi32, #tpu.memory_space<vmem>> -> memref<128xi32, #tpu.memory_space<vmem>>
    %dma_start3A_211 = arith.constant 0 : i32
    %dma_start3A_212 = arith.constant 0 : i32
    %dma_start3A_213 = tpu.memref_slice %arg3[%dma_start3A_211, %dma_start3A_212] : memref<100000x128xf32, #tpu.memory_space<hbm>> -> memref<100000x128xf32, #tpu.memory_space<hbm>>
    %dma_start3A_214 = tpu.memref_slice %arg7[%dma_start3A_204] : memref<7x!tpu.dma_semaphore, #tpu.memory_space<semaphore_mem>> -> memref<1x!tpu.dma_semaphore, #tpu.memory_space<semaphore_mem>>
    %dma_start3A_215 = tpu.memref_squeeze %dma_start3A_214 : memref<1x!tpu.dma_semaphore, #tpu.memory_space<semaphore_mem>> -> memref<!tpu.dma_semaphore, #tpu.memory_space<semaphore_mem>>
    tpu.enqueue_indirect_dma source(%dma_start3A_213 : memref<100000x128xf32, #tpu.memory_space<hbm>>) target(%dma_start3A_208 : memref<128x128xf32, #tpu.memory_space<vmem>>) offsets(%dma_start3A_210 : memref<128xi32, #tpu.memory_space<vmem>>) semaphore(%dma_start3A_215 : memref<!tpu.dma_semaphore, #tpu.memory_space<semaphore_mem>>)
    %dma_wait3A_216 = arith.constant 2 : i32
    %dma_wait3A_217 = arith.constant 2 : i32
    %dma_wait3A_218 = arith.constant 0 : i32
    %dma_wait3A_219 = arith.constant 0 : i32
    %dma_wait3A_220 = tpu.memref_slice %arg6[%dma_wait3A_216, %dma_wait3A_218, %dma_wait3A_219] : memref<7x128x128xf32, #tpu.memory_space<vmem>> -> memref<1x128x128xf32, #tpu.memory_space<vmem>>
    %dma_wait3A_221 = tpu.memref_squeeze %dma_wait3A_220 : memref<1x128x128xf32, #tpu.memory_space<vmem>> -> memref<128x128xf32, #tpu.memory_space<vmem>>
    %dma_wait3A_222 = arith.constant 256 : i32
    %dma_wait3A_223 = tpu.memref_slice %arg5[%dma_wait3A_222] : memref<6400xi32, #tpu.memory_space<vmem>> -> memref<128xi32, #tpu.memory_space<vmem>>
    %dma_wait3A_224 = arith.constant 0 : i32
    %dma_wait3A_225 = arith.constant 0 : i32
    %dma_wait3A_226 = tpu.memref_slice %arg3[%dma_wait3A_224, %dma_wait3A_225] : memref<100000x128xf32, #tpu.memory_space<hbm>> -> memref<100000x128xf32, #tpu.memory_space<hbm>>
    %dma_wait3A_227 = tpu.memref_slice %arg7[%dma_wait3A_217] : memref<7x!tpu.dma_semaphore, #tpu.memory_space<semaphore_mem>> -> memref<1x!tpu.dma_semaphore, #tpu.memory_space<semaphore_mem>>
    %dma_wait3A_228 = tpu.memref_squeeze %dma_wait3A_227 : memref<1x!tpu.dma_semaphore, #tpu.memory_space<semaphore_mem>> -> memref<!tpu.dma_semaphore, #tpu.memory_space<semaphore_mem>>
    tpu.wait_indirect_dma semaphore(%dma_wait3A_228 : memref<!tpu.dma_semaphore, #tpu.memory_space<semaphore_mem>>) src(%dma_wait3A_226 : memref<100000x128xf32, #tpu.memory_space<hbm>>) dst(%dma_wait3A_221 : memref<128x128xf32, #tpu.memory_space<vmem>>)
    %add3A_229 = arith.constant 256 : i32
    %add3A_230 = arith.addi %mul3A_2, %add3A_229 : i32
    %dma_start3A_231 = arith.constant 2 : i32
    %dma_start3A_232 = arith.constant 2 : i32
    %dma_start3A_233 = arith.constant 0 : i32
    %dma_start3A_234 = arith.constant 0 : i32
    %dma_start3A_235 = tpu.memref_slice %arg6[%dma_start3A_231, %dma_start3A_233, %dma_start3A_234] : memref<7x128x128xf32, #tpu.memory_space<vmem>> -> memref<1x128x128xf32, #tpu.memory_space<vmem>>
    %dma_start3A_236 = tpu.memref_squeeze %dma_start3A_235 : memref<1x128x128xf32, #tpu.memory_space<vmem>> -> memref<128x128xf32, #tpu.memory_space<vmem>>
    %dma_start3A_237 = arith.constant 0 : i32
    %dma_start3A_238 = tpu.memref_slice %arg4[%add3A_230, %dma_start3A_237] : memref<204800x128xf32, #tpu.memory_space<hbm>> -> memref<128x128xf32, #tpu.memory_space<hbm>>
    %dma_start3A_239 = tpu.memref_slice %arg8[%dma_start3A_232] : memref<7x!tpu.dma_semaphore, #tpu.memory_space<semaphore_mem>> -> memref<1x!tpu.dma_semaphore, #tpu.memory_space<semaphore_mem>>
    %dma_start3A_240 = tpu.memref_squeeze %dma_start3A_239 : memref<1x!tpu.dma_semaphore, #tpu.memory_space<semaphore_mem>> -> memref<!tpu.dma_semaphore, #tpu.memory_space<semaphore_mem>>
    %dma_start3A_241 = arith.constant 0 : i32
    %dma_start3A_242 = tpu.memref_slice %arg4[%add3A_230, %dma_start3A_241] : memref<204800x128xf32, #tpu.memory_space<hbm>> -> memref<128x128xf32, #tpu.memory_space<hbm>>
    %dma_start3A_243 = arith.constant 0 : i32
    %dma_start3A_244 = arith.constant 0 : i32
    %dma_start3A_245 = tpu.memref_slice %arg6[%dma_start3A_231, %dma_start3A_243, %dma_start3A_244] : memref<7x128x128xf32, #tpu.memory_space<vmem>> -> memref<1x128x128xf32, #tpu.memory_space<vmem>>
    %dma_start3A_246 = tpu.memref_squeeze %dma_start3A_245 : memref<1x128x128xf32, #tpu.memory_space<vmem>> -> memref<128x128xf32, #tpu.memory_space<vmem>>
    tpu.enqueue_dma source(%dma_start3A_246 : memref<128x128xf32, #tpu.memory_space<vmem>>) target(%dma_start3A_242 : memref<128x128xf32, #tpu.memory_space<hbm>>) target_semaphore(%dma_start3A_240 : memref<!tpu.dma_semaphore, #tpu.memory_space<semaphore_mem>>)
    %add3A_247 = arith.constant 256 : i32
    %add3A_248 = arith.addi %mul3A_2, %add3A_247 : i32
    %dma_wait3A_249 = arith.constant 2 : i32
    %dma_wait3A_250 = arith.constant 2 : i32
    %dma_wait3A_251 = arith.constant 0 : i32
    %dma_wait3A_252 = arith.constant 0 : i32
    %dma_wait3A_253 = tpu.memref_slice %arg6[%dma_wait3A_249, %dma_wait3A_251, %dma_wait3A_252] : memref<7x128x128xf32, #tpu.memory_space<vmem>> -> memref<1x128x128xf32, #tpu.memory_space<vmem>>
    %dma_wait3A_254 = tpu.memref_squeeze %dma_wait3A_253 : memref<1x128x128xf32, #tpu.memory_space<vmem>> -> memref<128x128xf32, #tpu.memory_space<vmem>>
    %dma_wait3A_255 = arith.constant 0 : i32
    %dma_wait3A_256 = tpu.memref_slice %arg4[%add3A_248, %dma_wait3A_255] : memref<204800x128xf32, #tpu.memory_space<hbm>> -> memref<128x128xf32, #tpu.memory_space<hbm>>
    %dma_wait3A_257 = tpu.memref_slice %arg8[%dma_wait3A_250] : memref<7x!tpu.dma_semaphore, #tpu.memory_space<semaphore_mem>> -> memref<1x!tpu.dma_semaphore, #tpu.memory_space<semaphore_mem>>
    %dma_wait3A_258 = tpu.memref_squeeze %dma_wait3A_257 : memref<1x!tpu.dma_semaphore, #tpu.memory_space<semaphore_mem>> -> memref<!tpu.dma_semaphore, #tpu.memory_space<semaphore_mem>>
    %dma_wait3A_259 = arith.constant 0 : i32
    %dma_wait3A_260 = tpu.memref_slice %arg4[%add3A_248, %dma_wait3A_259] : memref<204800x128xf32, #tpu.memory_space<hbm>> -> memref<128x128xf32, #tpu.memory_space<hbm>>
    %dma_wait3A_261 = arith.constant 0 : i32
    %dma_wait3A_262 = arith.constant 0 : i32
    %dma_wait3A_263 = tpu.memref_slice %arg6[%dma_wait3A_249, %dma_wait3A_261, %dma_wait3A_262] : memref<7x128x128xf32, #tpu.memory_space<vmem>> -> memref<1x128x128xf32, #tpu.memory_space<vmem>>
    %dma_wait3A_264 = tpu.memref_squeeze %dma_wait3A_263 : memref<1x128x128xf32, #tpu.memory_space<vmem>> -> memref<128x128xf32, #tpu.memory_space<vmem>>
    tpu.wait_dma2 semaphore(%dma_wait3A_258 : memref<!tpu.dma_semaphore, #tpu.memory_space<semaphore_mem>>) src(%dma_wait3A_264 : memref<128x128xf32, #tpu.memory_space<vmem>>) dst(%dma_wait3A_260 : memref<128x128xf32, #tpu.memory_space<hbm>>)
    %dma_start3A_265 = arith.constant 2 : i32
    %dma_start3A_266 = arith.constant 2 : i32
    %dma_start3A_267 = arith.constant 0 : i32
    %dma_start3A_268 = arith.constant 0 : i32
    %dma_start3A_269 = tpu.memref_slice %arg6[%dma_start3A_265, %dma_start3A_267, %dma_start3A_268] : memref<7x128x128xf32, #tpu.memory_space<vmem>> -> memref<1x128x128xf32, #tpu.memory_space<vmem>>
    %dma_start3A_270 = tpu.memref_squeeze %dma_start3A_269 : memref<1x128x128xf32, #tpu.memory_space<vmem>> -> memref<128x128xf32, #tpu.memory_space<vmem>>
    %dma_start3A_271 = arith.constant 1152 : i32
    %dma_start3A_272 = tpu.memref_slice %arg5[%dma_start3A_271] : memref<6400xi32, #tpu.memory_space<vmem>> -> memref<128xi32, #tpu.memory_space<vmem>>
    %dma_start3A_273 = arith.constant 0 : i32
    %dma_start3A_274 = arith.constant 0 : i32
    %dma_start3A_275 = tpu.memref_slice %arg3[%dma_start3A_273, %dma_start3A_274] : memref<100000x128xf32, #tpu.memory_space<hbm>> -> memref<100000x128xf32, #tpu.memory_space<hbm>>
    %dma_start3A_276 = tpu.memref_slice %arg7[%dma_start3A_266] : memref<7x!tpu.dma_semaphore, #tpu.memory_space<semaphore_mem>> -> memref<1x!tpu.dma_semaphore, #tpu.memory_space<semaphore_mem>>
    %dma_start3A_277 = tpu.memref_squeeze %dma_start3A_276 : memref<1x!tpu.dma_semaphore, #tpu.memory_space<semaphore_mem>> -> memref<!tpu.dma_semaphore, #tpu.memory_space<semaphore_mem>>
    tpu.enqueue_indirect_dma source(%dma_start3A_275 : memref<100000x128xf32, #tpu.memory_space<hbm>>) target(%dma_start3A_270 : memref<128x128xf32, #tpu.memory_space<vmem>>) offsets(%dma_start3A_272 : memref<128xi32, #tpu.memory_space<vmem>>) semaphore(%dma_start3A_277 : memref<!tpu.dma_semaphore, #tpu.memory_space<semaphore_mem>>)
    %dma_wait3A_278 = arith.constant 3 : i32
    %dma_wait3A_279 = arith.constant 3 : i32
    %dma_wait3A_280 = arith.constant 0 : i32
    %dma_wait3A_281 = arith.constant 0 : i32
    %dma_wait3A_282 = tpu.memref_slice %arg6[%dma_wait3A_278, %dma_wait3A_280, %dma_wait3A_281] : memref<7x128x128xf32, #tpu.memory_space<vmem>> -> memref<1x128x128xf32, #tpu.memory_space<vmem>>
    %dma_wait3A_283 = tpu.memref_squeeze %dma_wait3A_282 : memref<1x128x128xf32, #tpu.memory_space<vmem>> -> memref<128x128xf32, #tpu.memory_space<vmem>>
    %dma_wait3A_284 = arith.constant 384 : i32
    %dma_wait3A_285 = tpu.memref_slice %arg5[%dma_wait3A_284] : memref<6400xi32, #tpu.memory_space<vmem>> -> memref<128xi32, #tpu.memory_space<vmem>>
    %dma_wait3A_286 = arith.constant 0 : i32
    %dma_wait3A_287 = arith.constant 0 : i32
    %dma_wait3A_288 = tpu.memref_slice %arg3[%dma_wait3A_286, %dma_wait3A_287] : memref<100000x128xf32, #tpu.memory_space<hbm>> -> memref<100000x128xf32, #tpu.memory_space<hbm>>
    %dma_wait3A_289 = tpu.memref_slice %arg7[%dma_wait3A_279] : memref<7x!tpu.dma_semaphore, #tpu.memory_space<semaphore_mem>> -> memref<1x!tpu.dma_semaphore, #tpu.memory_space<semaphore_mem>>
    %dma_wait3A_290 = tpu.memref_squeeze %dma_wait3A_289 : memref<1x!tpu.dma_semaphore, #tpu.memory_space<semaphore_mem>> -> memref<!tpu.dma_semaphore, #tpu.memory_space<semaphore_mem>>
    tpu.wait_indirect_dma semaphore(%dma_wait3A_290 : memref<!tpu.dma_semaphore, #tpu.memory_space<semaphore_mem>>) src(%dma_wait3A_288 : memref<100000x128xf32, #tpu.memory_space<hbm>>) dst(%dma_wait3A_283 : memref<128x128xf32, #tpu.memory_space<vmem>>)
    %add3A_291 = arith.constant 384 : i32
    %add3A_292 = arith.addi %mul3A_2, %add3A_291 : i32
    %dma_start3A_293 = arith.constant 3 : i32
    %dma_start3A_294 = arith.constant 3 : i32
    %dma_start3A_295 = arith.constant 0 : i32
    %dma_start3A_296 = arith.constant 0 : i32
    %dma_start3A_297 = tpu.memref_slice %arg6[%dma_start3A_293, %dma_start3A_295, %dma_start3A_296] : memref<7x128x128xf32, #tpu.memory_space<vmem>> -> memref<1x128x128xf32, #tpu.memory_space<vmem>>
    %dma_start3A_298 = tpu.memref_squeeze %dma_start3A_297 : memref<1x128x128xf32, #tpu.memory_space<vmem>> -> memref<128x128xf32, #tpu.memory_space<vmem>>
    %dma_start3A_299 = arith.constant 0 : i32
    %dma_start3A_300 = tpu.memref_slice %arg4[%add3A_292, %dma_start3A_299] : memref<204800x128xf32, #tpu.memory_space<hbm>> -> memref<128x128xf32, #tpu.memory_space<hbm>>
    %dma_start3A_301 = tpu.memref_slice %arg8[%dma_start3A_294] : memref<7x!tpu.dma_semaphore, #tpu.memory_space<semaphore_mem>> -> memref<1x!tpu.dma_semaphore, #tpu.memory_space<semaphore_mem>>
    %dma_start3A_302 = tpu.memref_squeeze %dma_start3A_301 : memref<1x!tpu.dma_semaphore, #tpu.memory_space<semaphore_mem>> -> memref<!tpu.dma_semaphore, #tpu.memory_space<semaphore_mem>>
    %dma_start3A_303 = arith.constant 0 : i32
    %dma_start3A_304 = tpu.memref_slice %arg4[%add3A_292, %dma_start3A_303] : memref<204800x128xf32, #tpu.memory_space<hbm>> -> memref<128x128xf32, #tpu.memory_space<hbm>>
    %dma_start3A_305 = arith.constant 0 : i32
    %dma_start3A_306 = arith.constant 0 : i32
    %dma_start3A_307 = tpu.memref_slice %arg6[%dma_start3A_293, %dma_start3A_305, %dma_start3A_306] : memref<7x128x128xf32, #tpu.memory_space<vmem>> -> memref<1x128x128xf32, #tpu.memory_space<vmem>>
    %dma_start3A_308 = tpu.memref_squeeze %dma_start3A_307 : memref<1x128x128xf32, #tpu.memory_space<vmem>> -> memref<128x128xf32, #tpu.memory_space<vmem>>
    tpu.enqueue_dma source(%dma_start3A_308 : memref<128x128xf32, #tpu.memory_space<vmem>>) target(%dma_start3A_304 : memref<128x128xf32, #tpu.memory_space<hbm>>) target_semaphore(%dma_start3A_302 : memref<!tpu.dma_semaphore, #tpu.memory_space<semaphore_mem>>)
    %add3A_309 = arith.constant 384 : i32
    %add3A_310 = arith.addi %mul3A_2, %add3A_309 : i32
    %dma_wait3A_311 = arith.constant 3 : i32
    %dma_wait3A_312 = arith.constant 3 : i32
    %dma_wait3A_313 = arith.constant 0 : i32
    %dma_wait3A_314 = arith.constant 0 : i32
    %dma_wait3A_315 = tpu.memref_slice %arg6[%dma_wait3A_311, %dma_wait3A_313, %dma_wait3A_314] : memref<7x128x128xf32, #tpu.memory_space<vmem>> -> memref<1x128x128xf32, #tpu.memory_space<vmem>>
    %dma_wait3A_316 = tpu.memref_squeeze %dma_wait3A_315 : memref<1x128x128xf32, #tpu.memory_space<vmem>> -> memref<128x128xf32, #tpu.memory_space<vmem>>
    %dma_wait3A_317 = arith.constant 0 : i32
    %dma_wait3A_318 = tpu.memref_slice %arg4[%add3A_310, %dma_wait3A_317] : memref<204800x128xf32, #tpu.memory_space<hbm>> -> memref<128x128xf32, #tpu.memory_space<hbm>>
    %dma_wait3A_319 = tpu.memref_slice %arg8[%dma_wait3A_312] : memref<7x!tpu.dma_semaphore, #tpu.memory_space<semaphore_mem>> -> memref<1x!tpu.dma_semaphore, #tpu.memory_space<semaphore_mem>>
    %dma_wait3A_320 = tpu.memref_squeeze %dma_wait3A_319 : memref<1x!tpu.dma_semaphore, #tpu.memory_space<semaphore_mem>> -> memref<!tpu.dma_semaphore, #tpu.memory_space<semaphore_mem>>
    %dma_wait3A_321 = arith.constant 0 : i32
    %dma_wait3A_322 = tpu.memref_slice %arg4[%add3A_310, %dma_wait3A_321] : memref<204800x128xf32, #tpu.memory_space<hbm>> -> memref<128x128xf32, #tpu.memory_space<hbm>>
    %dma_wait3A_323 = arith.constant 0 : i32
    %dma_wait3A_324 = arith.constant 0 : i32
    %dma_wait3A_325 = tpu.memref_slice %arg6[%dma_wait3A_311, %dma_wait3A_323, %dma_wait3A_324] : memref<7x128x128xf32, #tpu.memory_space<vmem>> -> memref<1x128x128xf32, #tpu.memory_space<vmem>>
    %dma_wait3A_326 = tpu.memref_squeeze %dma_wait3A_325 : memref<1x128x128xf32, #tpu.memory_space<vmem>> -> memref<128x128xf32, #tpu.memory_space<vmem>>
    tpu.wait_dma2 semaphore(%dma_wait3A_320 : memref<!tpu.dma_semaphore, #tpu.memory_space<semaphore_mem>>) src(%dma_wait3A_326 : memref<128x128xf32, #tpu.memory_space<vmem>>) dst(%dma_wait3A_322 : memref<128x128xf32, #tpu.memory_space<hbm>>)
    %dma_start3A_327 = arith.constant 3 : i32
    %dma_start3A_328 = arith.constant 3 : i32
    %dma_start3A_329 = arith.constant 0 : i32
    %dma_start3A_330 = arith.constant 0 : i32
    %dma_start3A_331 = tpu.memref_slice %arg6[%dma_start3A_327, %dma_start3A_329, %dma_start3A_330] : memref<7x128x128xf32, #tpu.memory_space<vmem>> -> memref<1x128x128xf32, #tpu.memory_space<vmem>>
    %dma_start3A_332 = tpu.memref_squeeze %dma_start3A_331 : memref<1x128x128xf32, #tpu.memory_space<vmem>> -> memref<128x128xf32, #tpu.memory_space<vmem>>
    %dma_start3A_333 = arith.constant 1280 : i32
    %dma_start3A_334 = tpu.memref_slice %arg5[%dma_start3A_333] : memref<6400xi32, #tpu.memory_space<vmem>> -> memref<128xi32, #tpu.memory_space<vmem>>
    %dma_start3A_335 = arith.constant 0 : i32
    %dma_start3A_336 = arith.constant 0 : i32
    %dma_start3A_337 = tpu.memref_slice %arg3[%dma_start3A_335, %dma_start3A_336] : memref<100000x128xf32, #tpu.memory_space<hbm>> -> memref<100000x128xf32, #tpu.memory_space<hbm>>
    %dma_start3A_338 = tpu.memref_slice %arg7[%dma_start3A_328] : memref<7x!tpu.dma_semaphore, #tpu.memory_space<semaphore_mem>> -> memref<1x!tpu.dma_semaphore, #tpu.memory_space<semaphore_mem>>
    %dma_start3A_339 = tpu.memref_squeeze %dma_start3A_338 : memref<1x!tpu.dma_semaphore, #tpu.memory_space<semaphore_mem>> -> memref<!tpu.dma_semaphore, #tpu.memory_space<semaphore_mem>>
    tpu.enqueue_indirect_dma source(%dma_start3A_337 : memref<100000x128xf32, #tpu.memory_space<hbm>>) target(%dma_start3A_332 : memref<128x128xf32, #tpu.memory_space<vmem>>) offsets(%dma_start3A_334 : memref<128xi32, #tpu.memory_space<vmem>>) semaphore(%dma_start3A_339 : memref<!tpu.dma_semaphore, #tpu.memory_space<semaphore_mem>>)
    %dma_wait3A_340 = arith.constant 4 : i32
    %dma_wait3A_341 = arith.constant 4 : i32
    %dma_wait3A_342 = arith.constant 0 : i32
    %dma_wait3A_343 = arith.constant 0 : i32
    %dma_wait3A_344 = tpu.memref_slice %arg6[%dma_wait3A_340, %dma_wait3A_342, %dma_wait3A_343] : memref<7x128x128xf32, #tpu.memory_space<vmem>> -> memref<1x128x128xf32, #tpu.memory_space<vmem>>
    %dma_wait3A_345 = tpu.memref_squeeze %dma_wait3A_344 : memref<1x128x128xf32, #tpu.memory_space<vmem>> -> memref<128x128xf32, #tpu.memory_space<vmem>>
    %dma_wait3A_346 = arith.constant 512 : i32
    %dma_wait3A_347 = tpu.memref_slice %arg5[%dma_wait3A_346] : memref<6400xi32, #tpu.memory_space<vmem>> -> memref<128xi32, #tpu.memory_space<vmem>>
    %dma_wait3A_348 = arith.constant 0 : i32
    %dma_wait3A_349 = arith.constant 0 : i32
    %dma_wait3A_350 = tpu.memref_slice %arg3[%dma_wait3A_348, %dma_wait3A_349] : memref<100000x128xf32, #tpu.memory_space<hbm>> -> memref<100000x128xf32, #tpu.memory_space<hbm>>
    %dma_wait3A_351 = tpu.memref_slice %arg7[%dma_wait3A_341] : memref<7x!tpu.dma_semaphore, #tpu.memory_space<semaphore_mem>> -> memref<1x!tpu.dma_semaphore, #tpu.memory_space<semaphore_mem>>
    %dma_wait3A_352 = tpu.memref_squeeze %dma_wait3A_351 : memref<1x!tpu.dma_semaphore, #tpu.memory_space<semaphore_mem>> -> memref<!tpu.dma_semaphore, #tpu.memory_space<semaphore_mem>>
    tpu.wait_indirect_dma semaphore(%dma_wait3A_352 : memref<!tpu.dma_semaphore, #tpu.memory_space<semaphore_mem>>) src(%dma_wait3A_350 : memref<100000x128xf32, #tpu.memory_space<hbm>>) dst(%dma_wait3A_345 : memref<128x128xf32, #tpu.memory_space<vmem>>)
    %add3A_353 = arith.constant 512 : i32
    %add3A_354 = arith.addi %mul3A_2, %add3A_353 : i32
    %dma_start3A_355 = arith.constant 4 : i32
    %dma_start3A_356 = arith.constant 4 : i32
    %dma_start3A_357 = arith.constant 0 : i32
    %dma_start3A_358 = arith.constant 0 : i32
    %dma_start3A_359 = tpu.memref_slice %arg6[%dma_start3A_355, %dma_start3A_357, %dma_start3A_358] : memref<7x128x128xf32, #tpu.memory_space<vmem>> -> memref<1x128x128xf32, #tpu.memory_space<vmem>>
    %dma_start3A_360 = tpu.memref_squeeze %dma_start3A_359 : memref<1x128x128xf32, #tpu.memory_space<vmem>> -> memref<128x128xf32, #tpu.memory_space<vmem>>
    %dma_start3A_361 = arith.constant 0 : i32
    %dma_start3A_362 = tpu.memref_slice %arg4[%add3A_354, %dma_start3A_361] : memref<204800x128xf32, #tpu.memory_space<hbm>> -> memref<128x128xf32, #tpu.memory_space<hbm>>
    %dma_start3A_363 = tpu.memref_slice %arg8[%dma_start3A_356] : memref<7x!tpu.dma_semaphore, #tpu.memory_space<semaphore_mem>> -> memref<1x!tpu.dma_semaphore, #tpu.memory_space<semaphore_mem>>
    %dma_start3A_364 = tpu.memref_squeeze %dma_start3A_363 : memref<1x!tpu.dma_semaphore, #tpu.memory_space<semaphore_mem>> -> memref<!tpu.dma_semaphore, #tpu.memory_space<semaphore_mem>>
    %dma_start3A_365 = arith.constant 0 : i32
    %dma_start3A_366 = tpu.memref_slice %arg4[%add3A_354, %dma_start3A_365] : memref<204800x128xf32, #tpu.memory_space<hbm>> -> memref<128x128xf32, #tpu.memory_space<hbm>>
    %dma_start3A_367 = arith.constant 0 : i32
    %dma_start3A_368 = arith.constant 0 : i32
    %dma_start3A_369 = tpu.memref_slice %arg6[%dma_start3A_355, %dma_start3A_367, %dma_start3A_368] : memref<7x128x128xf32, #tpu.memory_space<vmem>> -> memref<1x128x128xf32, #tpu.memory_space<vmem>>
    %dma_start3A_370 = tpu.memref_squeeze %dma_start3A_369 : memref<1x128x128xf32, #tpu.memory_space<vmem>> -> memref<128x128xf32, #tpu.memory_space<vmem>>
    tpu.enqueue_dma source(%dma_start3A_370 : memref<128x128xf32, #tpu.memory_space<vmem>>) target(%dma_start3A_366 : memref<128x128xf32, #tpu.memory_space<hbm>>) target_semaphore(%dma_start3A_364 : memref<!tpu.dma_semaphore, #tpu.memory_space<semaphore_mem>>)
    %add3A_371 = arith.constant 512 : i32
    %add3A_372 = arith.addi %mul3A_2, %add3A_371 : i32
    %dma_wait3A_373 = arith.constant 4 : i32
    %dma_wait3A_374 = arith.constant 4 : i32
    %dma_wait3A_375 = arith.constant 0 : i32
    %dma_wait3A_376 = arith.constant 0 : i32
    %dma_wait3A_377 = tpu.memref_slice %arg6[%dma_wait3A_373, %dma_wait3A_375, %dma_wait3A_376] : memref<7x128x128xf32, #tpu.memory_space<vmem>> -> memref<1x128x128xf32, #tpu.memory_space<vmem>>
    %dma_wait3A_378 = tpu.memref_squeeze %dma_wait3A_377 : memref<1x128x128xf32, #tpu.memory_space<vmem>> -> memref<128x128xf32, #tpu.memory_space<vmem>>
    %dma_wait3A_379 = arith.constant 0 : i32
    %dma_wait3A_380 = tpu.memref_slice %arg4[%add3A_372, %dma_wait3A_379] : memref<204800x128xf32, #tpu.memory_space<hbm>> -> memref<128x128xf32, #tpu.memory_space<hbm>>
    %dma_wait3A_381 = tpu.memref_slice %arg8[%dma_wait3A_374] : memref<7x!tpu.dma_semaphore, #tpu.memory_space<semaphore_mem>> -> memref<1x!tpu.dma_semaphore, #tpu.memory_space<semaphore_mem>>
    %dma_wait3A_382 = tpu.memref_squeeze %dma_wait3A_381 : memref<1x!tpu.dma_semaphore, #tpu.memory_space<semaphore_mem>> -> memref<!tpu.dma_semaphore, #tpu.memory_space<semaphore_mem>>
    %dma_wait3A_383 = arith.constant 0 : i32
    %dma_wait3A_384 = tpu.memref_slice %arg4[%add3A_372, %dma_wait3A_383] : memref<204800x128xf32, #tpu.memory_space<hbm>> -> memref<128x128xf32, #tpu.memory_space<hbm>>
    %dma_wait3A_385 = arith.constant 0 : i32
    %dma_wait3A_386 = arith.constant 0 : i32
    %dma_wait3A_387 = tpu.memref_slice %arg6[%dma_wait3A_373, %dma_wait3A_385, %dma_wait3A_386] : memref<7x128x128xf32, #tpu.memory_space<vmem>> -> memref<1x128x128xf32, #tpu.memory_space<vmem>>
    %dma_wait3A_388 = tpu.memref_squeeze %dma_wait3A_387 : memref<1x128x128xf32, #tpu.memory_space<vmem>> -> memref<128x128xf32, #tpu.memory_space<vmem>>
    tpu.wait_dma2 semaphore(%dma_wait3A_382 : memref<!tpu.dma_semaphore, #tpu.memory_space<semaphore_mem>>) src(%dma_wait3A_388 : memref<128x128xf32, #tpu.memory_space<vmem>>) dst(%dma_wait3A_384 : memref<128x128xf32, #tpu.memory_space<hbm>>)
    %dma_start3A_389 = arith.constant 4 : i32
    %dma_start3A_390 = arith.constant 4 : i32
    %dma_start3A_391 = arith.constant 0 : i32
    %dma_start3A_392 = arith.constant 0 : i32
    %dma_start3A_393 = tpu.memref_slice %arg6[%dma_start3A_389, %dma_start3A_391, %dma_start3A_392] : memref<7x128x128xf32, #tpu.memory_space<vmem>> -> memref<1x128x128xf32, #tpu.memory_space<vmem>>
    %dma_start3A_394 = tpu.memref_squeeze %dma_start3A_393 : memref<1x128x128xf32, #tpu.memory_space<vmem>> -> memref<128x128xf32, #tpu.memory_space<vmem>>
    %dma_start3A_395 = arith.constant 1408 : i32
    %dma_start3A_396 = tpu.memref_slice %arg5[%dma_start3A_395] : memref<6400xi32, #tpu.memory_space<vmem>> -> memref<128xi32, #tpu.memory_space<vmem>>
    %dma_start3A_397 = arith.constant 0 : i32
    %dma_start3A_398 = arith.constant 0 : i32
    %dma_start3A_399 = tpu.memref_slice %arg3[%dma_start3A_397, %dma_start3A_398] : memref<100000x128xf32, #tpu.memory_space<hbm>> -> memref<100000x128xf32, #tpu.memory_space<hbm>>
    %dma_start3A_400 = tpu.memref_slice %arg7[%dma_start3A_390] : memref<7x!tpu.dma_semaphore, #tpu.memory_space<semaphore_mem>> -> memref<1x!tpu.dma_semaphore, #tpu.memory_space<semaphore_mem>>
    %dma_start3A_401 = tpu.memref_squeeze %dma_start3A_400 : memref<1x!tpu.dma_semaphore, #tpu.memory_space<semaphore_mem>> -> memref<!tpu.dma_semaphore, #tpu.memory_space<semaphore_mem>>
    tpu.enqueue_indirect_dma source(%dma_start3A_399 : memref<100000x128xf32, #tpu.memory_space<hbm>>) target(%dma_start3A_394 : memref<128x128xf32, #tpu.memory_space<vmem>>) offsets(%dma_start3A_396 : memref<128xi32, #tpu.memory_space<vmem>>) semaphore(%dma_start3A_401 : memref<!tpu.dma_semaphore, #tpu.memory_space<semaphore_mem>>)
    %dma_wait3A_402 = arith.constant 5 : i32
    %dma_wait3A_403 = arith.constant 5 : i32
    %dma_wait3A_404 = arith.constant 0 : i32
    %dma_wait3A_405 = arith.constant 0 : i32
    %dma_wait3A_406 = tpu.memref_slice %arg6[%dma_wait3A_402, %dma_wait3A_404, %dma_wait3A_405] : memref<7x128x128xf32, #tpu.memory_space<vmem>> -> memref<1x128x128xf32, #tpu.memory_space<vmem>>
    %dma_wait3A_407 = tpu.memref_squeeze %dma_wait3A_406 : memref<1x128x128xf32, #tpu.memory_space<vmem>> -> memref<128x128xf32, #tpu.memory_space<vmem>>
    %dma_wait3A_408 = arith.constant 640 : i32
    %dma_wait3A_409 = tpu.memref_slice %arg5[%dma_wait3A_408] : memref<6400xi32, #tpu.memory_space<vmem>> -> memref<128xi32, #tpu.memory_space<vmem>>
    %dma_wait3A_410 = arith.constant 0 : i32
    %dma_wait3A_411 = arith.constant 0 : i32
    %dma_wait3A_412 = tpu.memref_slice %arg3[%dma_wait3A_410, %dma_wait3A_411] : memref<100000x128xf32, #tpu.memory_space<hbm>> -> memref<100000x128xf32, #tpu.memory_space<hbm>>
    %dma_wait3A_413 = tpu.memref_slice %arg7[%dma_wait3A_403] : memref<7x!tpu.dma_semaphore, #tpu.memory_space<semaphore_mem>> -> memref<1x!tpu.dma_semaphore, #tpu.memory_space<semaphore_mem>>
    %dma_wait3A_414 = tpu.memref_squeeze %dma_wait3A_413 : memref<1x!tpu.dma_semaphore, #tpu.memory_space<semaphore_mem>> -> memref<!tpu.dma_semaphore, #tpu.memory_space<semaphore_mem>>
    tpu.wait_indirect_dma semaphore(%dma_wait3A_414 : memref<!tpu.dma_semaphore, #tpu.memory_space<semaphore_mem>>) src(%dma_wait3A_412 : memref<100000x128xf32, #tpu.memory_space<hbm>>) dst(%dma_wait3A_407 : memref<128x128xf32, #tpu.memory_space<vmem>>)
    %add3A_415 = arith.constant 640 : i32
    %add3A_416 = arith.addi %mul3A_2, %add3A_415 : i32
    %dma_start3A_417 = arith.constant 5 : i32
    %dma_start3A_418 = arith.constant 5 : i32
    %dma_start3A_419 = arith.constant 0 : i32
    %dma_start3A_420 = arith.constant 0 : i32
    %dma_start3A_421 = tpu.memref_slice %arg6[%dma_start3A_417, %dma_start3A_419, %dma_start3A_420] : memref<7x128x128xf32, #tpu.memory_space<vmem>> -> memref<1x128x128xf32, #tpu.memory_space<vmem>>
    %dma_start3A_422 = tpu.memref_squeeze %dma_start3A_421 : memref<1x128x128xf32, #tpu.memory_space<vmem>> -> memref<128x128xf32, #tpu.memory_space<vmem>>
    %dma_start3A_423 = arith.constant 0 : i32
    %dma_start3A_424 = tpu.memref_slice %arg4[%add3A_416, %dma_start3A_423] : memref<204800x128xf32, #tpu.memory_space<hbm>> -> memref<128x128xf32, #tpu.memory_space<hbm>>
    %dma_start3A_425 = tpu.memref_slice %arg8[%dma_start3A_418] : memref<7x!tpu.dma_semaphore, #tpu.memory_space<semaphore_mem>> -> memref<1x!tpu.dma_semaphore, #tpu.memory_space<semaphore_mem>>
    %dma_start3A_426 = tpu.memref_squeeze %dma_start3A_425 : memref<1x!tpu.dma_semaphore, #tpu.memory_space<semaphore_mem>> -> memref<!tpu.dma_semaphore, #tpu.memory_space<semaphore_mem>>
    %dma_start3A_427 = arith.constant 0 : i32
    %dma_start3A_428 = tpu.memref_slice %arg4[%add3A_416, %dma_start3A_427] : memref<204800x128xf32, #tpu.memory_space<hbm>> -> memref<128x128xf32, #tpu.memory_space<hbm>>
    %dma_start3A_429 = arith.constant 0 : i32
    %dma_start3A_430 = arith.constant 0 : i32
    %dma_start3A_431 = tpu.memref_slice %arg6[%dma_start3A_417, %dma_start3A_429, %dma_start3A_430] : memref<7x128x128xf32, #tpu.memory_space<vmem>> -> memref<1x128x128xf32, #tpu.memory_space<vmem>>
    %dma_start3A_432 = tpu.memref_squeeze %dma_start3A_431 : memref<1x128x128xf32, #tpu.memory_space<vmem>> -> memref<128x128xf32, #tpu.memory_space<vmem>>
    tpu.enqueue_dma source(%dma_start3A_432 : memref<128x128xf32, #tpu.memory_space<vmem>>) target(%dma_start3A_428 : memref<128x128xf32, #tpu.memory_space<hbm>>) target_semaphore(%dma_start3A_426 : memref<!tpu.dma_semaphore, #tpu.memory_space<semaphore_mem>>)
    %add3A_433 = arith.constant 640 : i32
    %add3A_434 = arith.addi %mul3A_2, %add3A_433 : i32
    %dma_wait3A_435 = arith.constant 5 : i32
    %dma_wait3A_436 = arith.constant 5 : i32
    %dma_wait3A_437 = arith.constant 0 : i32
    %dma_wait3A_438 = arith.constant 0 : i32
    %dma_wait3A_439 = tpu.memref_slice %arg6[%dma_wait3A_435, %dma_wait3A_437, %dma_wait3A_438] : memref<7x128x128xf32, #tpu.memory_space<vmem>> -> memref<1x128x128xf32, #tpu.memory_space<vmem>>
    %dma_wait3A_440 = tpu.memref_squeeze %dma_wait3A_439 : memref<1x128x128xf32, #tpu.memory_space<vmem>> -> memref<128x128xf32, #tpu.memory_space<vmem>>
    %dma_wait3A_441 = arith.constant 0 : i32
    %dma_wait3A_442 = tpu.memref_slice %arg4[%add3A_434, %dma_wait3A_441] : memref<204800x128xf32, #tpu.memory_space<hbm>> -> memref<128x128xf32, #tpu.memory_space<hbm>>
    %dma_wait3A_443 = tpu.memref_slice %arg8[%dma_wait3A_436] : memref<7x!tpu.dma_semaphore, #tpu.memory_space<semaphore_mem>> -> memref<1x!tpu.dma_semaphore, #tpu.memory_space<semaphore_mem>>
    %dma_wait3A_444 = tpu.memref_squeeze %dma_wait3A_443 : memref<1x!tpu.dma_semaphore, #tpu.memory_space<semaphore_mem>> -> memref<!tpu.dma_semaphore, #tpu.memory_space<semaphore_mem>>
    %dma_wait3A_445 = arith.constant 0 : i32
    %dma_wait3A_446 = tpu.memref_slice %arg4[%add3A_434, %dma_wait3A_445] : memref<204800x128xf32, #tpu.memory_space<hbm>> -> memref<128x128xf32, #tpu.memory_space<hbm>>
    %dma_wait3A_447 = arith.constant 0 : i32
    %dma_wait3A_448 = arith.constant 0 : i32
    %dma_wait3A_449 = tpu.memref_slice %arg6[%dma_wait3A_435, %dma_wait3A_447, %dma_wait3A_448] : memref<7x128x128xf32, #tpu.memory_space<vmem>> -> memref<1x128x128xf32, #tpu.memory_space<vmem>>
    %dma_wait3A_450 = tpu.memref_squeeze %dma_wait3A_449 : memref<1x128x128xf32, #tpu.memory_space<vmem>> -> memref<128x128xf32, #tpu.memory_space<vmem>>
    tpu.wait_dma2 semaphore(%dma_wait3A_444 : memref<!tpu.dma_semaphore, #tpu.memory_space<semaphore_mem>>) src(%dma_wait3A_450 : memref<128x128xf32, #tpu.memory_space<vmem>>) dst(%dma_wait3A_446 : memref<128x128xf32, #tpu.memory_space<hbm>>)
    %dma_start3A_451 = arith.constant 5 : i32
    %dma_start3A_452 = arith.constant 5 : i32
    %dma_start3A_453 = arith.constant 0 : i32
    %dma_start3A_454 = arith.constant 0 : i32
    %dma_start3A_455 = tpu.memref_slice %arg6[%dma_start3A_451, %dma_start3A_453, %dma_start3A_454] : memref<7x128x128xf32, #tpu.memory_space<vmem>> -> memref<1x128x128xf32, #tpu.memory_space<vmem>>
    %dma_start3A_456 = tpu.memref_squeeze %dma_start3A_455 : memref<1x128x128xf32, #tpu.memory_space<vmem>> -> memref<128x128xf32, #tpu.memory_space<vmem>>
    %dma_start3A_457 = arith.constant 1536 : i32
    %dma_start3A_458 = tpu.memref_slice %arg5[%dma_start3A_457] : memref<6400xi32, #tpu.memory_space<vmem>> -> memref<128xi32, #tpu.memory_space<vmem>>
    %dma_start3A_459 = arith.constant 0 : i32
    %dma_start3A_460 = arith.constant 0 : i32
    %dma_start3A_461 = tpu.memref_slice %arg3[%dma_start3A_459, %dma_start3A_460] : memref<100000x128xf32, #tpu.memory_space<hbm>> -> memref<100000x128xf32, #tpu.memory_space<hbm>>
    %dma_start3A_462 = tpu.memref_slice %arg7[%dma_start3A_452] : memref<7x!tpu.dma_semaphore, #tpu.memory_space<semaphore_mem>> -> memref<1x!tpu.dma_semaphore, #tpu.memory_space<semaphore_mem>>
    %dma_start3A_463 = tpu.memref_squeeze %dma_start3A_462 : memref<1x!tpu.dma_semaphore, #tpu.memory_space<semaphore_mem>> -> memref<!tpu.dma_semaphore, #tpu.memory_space<semaphore_mem>>
    tpu.enqueue_indirect_dma source(%dma_start3A_461 : memref<100000x128xf32, #tpu.memory_space<hbm>>) target(%dma_start3A_456 : memref<128x128xf32, #tpu.memory_space<vmem>>) offsets(%dma_start3A_458 : memref<128xi32, #tpu.memory_space<vmem>>) semaphore(%dma_start3A_463 : memref<!tpu.dma_semaphore, #tpu.memory_space<semaphore_mem>>)
    %dma_wait3A_464 = arith.constant 6 : i32
    %dma_wait3A_465 = arith.constant 6 : i32
    %dma_wait3A_466 = arith.constant 0 : i32
    %dma_wait3A_467 = arith.constant 0 : i32
    %dma_wait3A_468 = tpu.memref_slice %arg6[%dma_wait3A_464, %dma_wait3A_466, %dma_wait3A_467] : memref<7x128x128xf32, #tpu.memory_space<vmem>> -> memref<1x128x128xf32, #tpu.memory_space<vmem>>
    %dma_wait3A_469 = tpu.memref_squeeze %dma_wait3A_468 : memref<1x128x128xf32, #tpu.memory_space<vmem>> -> memref<128x128xf32, #tpu.memory_space<vmem>>
    %dma_wait3A_470 = arith.constant 768 : i32
    %dma_wait3A_471 = tpu.memref_slice %arg5[%dma_wait3A_470] : memref<6400xi32, #tpu.memory_space<vmem>> -> memref<128xi32, #tpu.memory_space<vmem>>
    %dma_wait3A_472 = arith.constant 0 : i32
    %dma_wait3A_473 = arith.constant 0 : i32
    %dma_wait3A_474 = tpu.memref_slice %arg3[%dma_wait3A_472, %dma_wait3A_473] : memref<100000x128xf32, #tpu.memory_space<hbm>> -> memref<100000x128xf32, #tpu.memory_space<hbm>>
    %dma_wait3A_475 = tpu.memref_slice %arg7[%dma_wait3A_465] : memref<7x!tpu.dma_semaphore, #tpu.memory_space<semaphore_mem>> -> memref<1x!tpu.dma_semaphore, #tpu.memory_space<semaphore_mem>>
    %dma_wait3A_476 = tpu.memref_squeeze %dma_wait3A_475 : memref<1x!tpu.dma_semaphore, #tpu.memory_space<semaphore_mem>> -> memref<!tpu.dma_semaphore, #tpu.memory_space<semaphore_mem>>
    tpu.wait_indirect_dma semaphore(%dma_wait3A_476 : memref<!tpu.dma_semaphore, #tpu.memory_space<semaphore_mem>>) src(%dma_wait3A_474 : memref<100000x128xf32, #tpu.memory_space<hbm>>) dst(%dma_wait3A_469 : memref<128x128xf32, #tpu.memory_space<vmem>>)
    %add3A_477 = arith.constant 768 : i32
    %add3A_478 = arith.addi %mul3A_2, %add3A_477 : i32
    %dma_start3A_479 = arith.constant 6 : i32
    %dma_start3A_480 = arith.constant 6 : i32
    %dma_start3A_481 = arith.constant 0 : i32
    %dma_start3A_482 = arith.constant 0 : i32
    %dma_start3A_483 = tpu.memref_slice %arg6[%dma_start3A_479, %dma_start3A_481, %dma_start3A_482] : memref<7x128x128xf32, #tpu.memory_space<vmem>> -> memref<1x128x128xf32, #tpu.memory_space<vmem>>
    %dma_start3A_484 = tpu.memref_squeeze %dma_start3A_483 : memref<1x128x128xf32, #tpu.memory_space<vmem>> -> memref<128x128xf32, #tpu.memory_space<vmem>>
    %dma_start3A_485 = arith.constant 0 : i32
    %dma_start3A_486 = tpu.memref_slice %arg4[%add3A_478, %dma_start3A_485] : memref<204800x128xf32, #tpu.memory_space<hbm>> -> memref<128x128xf32, #tpu.memory_space<hbm>>
    %dma_start3A_487 = tpu.memref_slice %arg8[%dma_start3A_480] : memref<7x!tpu.dma_semaphore, #tpu.memory_space<semaphore_mem>> -> memref<1x!tpu.dma_semaphore, #tpu.memory_space<semaphore_mem>>
    %dma_start3A_488 = tpu.memref_squeeze %dma_start3A_487 : memref<1x!tpu.dma_semaphore, #tpu.memory_space<semaphore_mem>> -> memref<!tpu.dma_semaphore, #tpu.memory_space<semaphore_mem>>
    %dma_start3A_489 = arith.constant 0 : i32
    %dma_start3A_490 = tpu.memref_slice %arg4[%add3A_478, %dma_start3A_489] : memref<204800x128xf32, #tpu.memory_space<hbm>> -> memref<128x128xf32, #tpu.memory_space<hbm>>
    %dma_start3A_491 = arith.constant 0 : i32
    %dma_start3A_492 = arith.constant 0 : i32
    %dma_start3A_493 = tpu.memref_slice %arg6[%dma_start3A_479, %dma_start3A_491, %dma_start3A_492] : memref<7x128x128xf32, #tpu.memory_space<vmem>> -> memref<1x128x128xf32, #tpu.memory_space<vmem>>
    %dma_start3A_494 = tpu.memref_squeeze %dma_start3A_493 : memref<1x128x128xf32, #tpu.memory_space<vmem>> -> memref<128x128xf32, #tpu.memory_space<vmem>>
    tpu.enqueue_dma source(%dma_start3A_494 : memref<128x128xf32, #tpu.memory_space<vmem>>) target(%dma_start3A_490 : memref<128x128xf32, #tpu.memory_space<hbm>>) target_semaphore(%dma_start3A_488 : memref<!tpu.dma_semaphore, #tpu.memory_space<semaphore_mem>>)
    %scan3A = arith.constant 0 : i32
    %scan3A_495 = arith.constant 0 : i32
    %scan3A_496 = arith.constant 5 : i32
    %scan3A_497 = arith.addi %scan3A_495, %scan3A_496 : i32
    %scan3A_498 = arith.constant 1 : i32
    scf.for %scan3A_936 = %scan3A_495 to %scan3A_497 step %scan3A_498  : i32 {
      %mul3A_937 = arith.constant 7 : i32
      %mul3A_938 = arith.muli %scan3A_936, %mul3A_937 : i32
      %add3A_939 = arith.constant 7 : i32
      %add3A_940 = arith.addi %add3A_939, %mul3A_938 : i32
      %add3A_941 = arith.constant 0 : i32
      %add3A_942 = arith.addi %add3A_940, %add3A_941 : i32
      %sub3A = arith.constant 1 : i32
      %sub3A_943 = arith.subi %add3A_942, %sub3A : i32
      %mul3A_944 = arith.constant 128 : i32
      %mul3A_945 = arith.muli %sub3A_943, %mul3A_944 : i32
      %add3A_946 = arith.addi %mul3A_2, %mul3A_945 : i32
      %dma_wait3A_947 = arith.constant 6 : i32
      %dma_wait3A_948 = arith.constant 6 : i32
      %dma_wait3A_949 = arith.constant 0 : i32
      %dma_wait3A_950 = arith.constant 0 : i32
      %dma_wait3A_951 = tpu.memref_slice %arg6[%dma_wait3A_947, %dma_wait3A_949, %dma_wait3A_950] : memref<7x128x128xf32, #tpu.memory_space<vmem>> -> memref<1x128x128xf32, #tpu.memory_space<vmem>>
      %dma_wait3A_952 = tpu.memref_squeeze %dma_wait3A_951 : memref<1x128x128xf32, #tpu.memory_space<vmem>> -> memref<128x128xf32, #tpu.memory_space<vmem>>
      %dma_wait3A_953 = arith.constant 0 : i32
      %dma_wait3A_954 = tpu.memref_slice %arg4[%add3A_946, %dma_wait3A_953] : memref<204800x128xf32, #tpu.memory_space<hbm>> -> memref<128x128xf32, #tpu.memory_space<hbm>>
      %dma_wait3A_955 = tpu.memref_slice %arg8[%dma_wait3A_948] : memref<7x!tpu.dma_semaphore, #tpu.memory_space<semaphore_mem>> -> memref<1x!tpu.dma_semaphore, #tpu.memory_space<semaphore_mem>>
      %dma_wait3A_956 = tpu.memref_squeeze %dma_wait3A_955 : memref<1x!tpu.dma_semaphore, #tpu.memory_space<semaphore_mem>> -> memref<!tpu.dma_semaphore, #tpu.memory_space<semaphore_mem>>
      %dma_wait3A_957 = arith.constant 0 : i32
      %dma_wait3A_958 = tpu.memref_slice %arg4[%add3A_946, %dma_wait3A_957] : memref<204800x128xf32, #tpu.memory_space<hbm>> -> memref<128x128xf32, #tpu.memory_space<hbm>>
      %dma_wait3A_959 = arith.constant 0 : i32
      %dma_wait3A_960 = arith.constant 0 : i32
      %dma_wait3A_961 = tpu.memref_slice %arg6[%dma_wait3A_947, %dma_wait3A_959, %dma_wait3A_960] : memref<7x128x128xf32, #tpu.memory_space<vmem>> -> memref<1x128x128xf32, #tpu.memory_space<vmem>>
      %dma_wait3A_962 = tpu.memref_squeeze %dma_wait3A_961 : memref<1x128x128xf32, #tpu.memory_space<vmem>> -> memref<128x128xf32, #tpu.memory_space<vmem>>
      tpu.wait_dma2 semaphore(%dma_wait3A_956 : memref<!tpu.dma_semaphore, #tpu.memory_space<semaphore_mem>>) src(%dma_wait3A_962 : memref<128x128xf32, #tpu.memory_space<vmem>>) dst(%dma_wait3A_958 : memref<128x128xf32, #tpu.memory_space<hbm>>)
      %add3A_963 = arith.constant 6 : i32
      %add3A_964 = arith.addi %add3A_942, %add3A_963 : i32
      %mul3A_965 = arith.constant 128 : i32
      %mul3A_966 = arith.muli %add3A_964, %mul3A_965 : i32
      %dma_start3A_967 = arith.constant 6 : i32
      %dma_start3A_968 = arith.constant 6 : i32
      %dma_start3A_969 = arith.constant 0 : i32
      %dma_start3A_970 = arith.constant 0 : i32
      %dma_start3A_971 = tpu.memref_slice %arg6[%dma_start3A_967, %dma_start3A_969, %dma_start3A_970] : memref<7x128x128xf32, #tpu.memory_space<vmem>> -> memref<1x128x128xf32, #tpu.memory_space<vmem>>
      %dma_start3A_972 = tpu.memref_squeeze %dma_start3A_971 : memref<1x128x128xf32, #tpu.memory_space<vmem>> -> memref<128x128xf32, #tpu.memory_space<vmem>>
      %dma_start3A_973 = tpu.memref_slice %arg5[%mul3A_966] : memref<6400xi32, #tpu.memory_space<vmem>> -> memref<128xi32, #tpu.memory_space<vmem>>
      %dma_start3A_974 = arith.constant 0 : i32
      %dma_start3A_975 = arith.constant 0 : i32
      %dma_start3A_976 = tpu.memref_slice %arg3[%dma_start3A_974, %dma_start3A_975] : memref<100000x128xf32, #tpu.memory_space<hbm>> -> memref<100000x128xf32, #tpu.memory_space<hbm>>
      %dma_start3A_977 = tpu.memref_slice %arg7[%dma_start3A_968] : memref<7x!tpu.dma_semaphore, #tpu.memory_space<semaphore_mem>> -> memref<1x!tpu.dma_semaphore, #tpu.memory_space<semaphore_mem>>
      %dma_start3A_978 = tpu.memref_squeeze %dma_start3A_977 : memref<1x!tpu.dma_semaphore, #tpu.memory_space<semaphore_mem>> -> memref<!tpu.dma_semaphore, #tpu.memory_space<semaphore_mem>>
      tpu.enqueue_indirect_dma source(%dma_start3A_976 : memref<100000x128xf32, #tpu.memory_space<hbm>>) target(%dma_start3A_972 : memref<128x128xf32, #tpu.memory_space<vmem>>) offsets(%dma_start3A_973 : memref<128xi32, #tpu.memory_space<vmem>>) semaphore(%dma_start3A_978 : memref<!tpu.dma_semaphore, #tpu.memory_space<semaphore_mem>>)
      %mul3A_979 = arith.constant 128 : i32
      %mul3A_980 = arith.muli %add3A_942, %mul3A_979 : i32
      %dma_wait3A_981 = arith.constant 0 : i32
      %dma_wait3A_982 = arith.constant 0 : i32
      %dma_wait3A_983 = arith.constant 0 : i32
      %dma_wait3A_984 = arith.constant 0 : i32
      %dma_wait3A_985 = tpu.memref_slice %arg6[%dma_wait3A_981, %dma_wait3A_983, %dma_wait3A_984] : memref<7x128x128xf32, #tpu.memory_space<vmem>> -> memref<1x128x128xf32, #tpu.memory_space<vmem>>
      %dma_wait3A_986 = tpu.memref_squeeze %dma_wait3A_985 : memref<1x128x128xf32, #tpu.memory_space<vmem>> -> memref<128x128xf32, #tpu.memory_space<vmem>>
      %dma_wait3A_987 = tpu.memref_slice %arg5[%mul3A_980] : memref<6400xi32, #tpu.memory_space<vmem>> -> memref<128xi32, #tpu.memory_space<vmem>>
      %dma_wait3A_988 = arith.constant 0 : i32
      %dma_wait3A_989 = arith.constant 0 : i32
      %dma_wait3A_990 = tpu.memref_slice %arg3[%dma_wait3A_988, %dma_wait3A_989] : memref<100000x128xf32, #tpu.memory_space<hbm>> -> memref<100000x128xf32, #tpu.memory_space<hbm>>
      %dma_wait3A_991 = tpu.memref_slice %arg7[%dma_wait3A_982] : memref<7x!tpu.dma_semaphore, #tpu.memory_space<semaphore_mem>> -> memref<1x!tpu.dma_semaphore, #tpu.memory_space<semaphore_mem>>
      %dma_wait3A_992 = tpu.memref_squeeze %dma_wait3A_991 : memref<1x!tpu.dma_semaphore, #tpu.memory_space<semaphore_mem>> -> memref<!tpu.dma_semaphore, #tpu.memory_space<semaphore_mem>>
      tpu.wait_indirect_dma semaphore(%dma_wait3A_992 : memref<!tpu.dma_semaphore, #tpu.memory_space<semaphore_mem>>) src(%dma_wait3A_990 : memref<100000x128xf32, #tpu.memory_space<hbm>>) dst(%dma_wait3A_986 : memref<128x128xf32, #tpu.memory_space<vmem>>)
      %mul3A_993 = arith.constant 128 : i32
      %mul3A_994 = arith.muli %add3A_942, %mul3A_993 : i32
      %add3A_995 = arith.addi %mul3A_2, %mul3A_994 : i32
      %dma_start3A_996 = arith.constant 0 : i32
      %dma_start3A_997 = arith.constant 0 : i32
      %dma_start3A_998 = arith.constant 0 : i32
      %dma_start3A_999 = arith.constant 0 : i32
      %dma_start3A_1000 = tpu.memref_slice %arg6[%dma_start3A_996, %dma_start3A_998, %dma_start3A_999] : memref<7x128x128xf32, #tpu.memory_space<vmem>> -> memref<1x128x128xf32, #tpu.memory_space<vmem>>
      %dma_start3A_1001 = tpu.memref_squeeze %dma_start3A_1000 : memref<1x128x128xf32, #tpu.memory_space<vmem>> -> memref<128x128xf32, #tpu.memory_space<vmem>>
      %dma_start3A_1002 = arith.constant 0 : i32
      %dma_start3A_1003 = tpu.memref_slice %arg4[%add3A_995, %dma_start3A_1002] : memref<204800x128xf32, #tpu.memory_space<hbm>> -> memref<128x128xf32, #tpu.memory_space<hbm>>
      %dma_start3A_1004 = tpu.memref_slice %arg8[%dma_start3A_997] : memref<7x!tpu.dma_semaphore, #tpu.memory_space<semaphore_mem>> -> memref<1x!tpu.dma_semaphore, #tpu.memory_space<semaphore_mem>>
      %dma_start3A_1005 = tpu.memref_squeeze %dma_start3A_1004 : memref<1x!tpu.dma_semaphore, #tpu.memory_space<semaphore_mem>> -> memref<!tpu.dma_semaphore, #tpu.memory_space<semaphore_mem>>
      %dma_start3A_1006 = arith.constant 0 : i32
      %dma_start3A_1007 = tpu.memref_slice %arg4[%add3A_995, %dma_start3A_1006] : memref<204800x128xf32, #tpu.memory_space<hbm>> -> memref<128x128xf32, #tpu.memory_space<hbm>>
      %dma_start3A_1008 = arith.constant 0 : i32
      %dma_start3A_1009 = arith.constant 0 : i32
      %dma_start3A_1010 = tpu.memref_slice %arg6[%dma_start3A_996, %dma_start3A_1008, %dma_start3A_1009] : memref<7x128x128xf32, #tpu.memory_space<vmem>> -> memref<1x128x128xf32, #tpu.memory_space<vmem>>
      %dma_start3A_1011 = tpu.memref_squeeze %dma_start3A_1010 : memref<1x128x128xf32, #tpu.memory_space<vmem>> -> memref<128x128xf32, #tpu.memory_space<vmem>>
      tpu.enqueue_dma source(%dma_start3A_1011 : memref<128x128xf32, #tpu.memory_space<vmem>>) target(%dma_start3A_1007 : memref<128x128xf32, #tpu.memory_space<hbm>>) target_semaphore(%dma_start3A_1005 : memref<!tpu.dma_semaphore, #tpu.memory_space<semaphore_mem>>)
      %add3A_1012 = arith.constant 1 : i32
      %add3A_1013 = arith.addi %add3A_940, %add3A_1012 : i32
      %sub3A_1014 = arith.constant 1 : i32
      %sub3A_1015 = arith.subi %add3A_1013, %sub3A_1014 : i32
      %mul3A_1016 = arith.constant 128 : i32
      %mul3A_1017 = arith.muli %sub3A_1015, %mul3A_1016 : i32
      %add3A_1018 = arith.addi %mul3A_2, %mul3A_1017 : i32
      %dma_wait3A_1019 = arith.constant 0 : i32
      %dma_wait3A_1020 = arith.constant 0 : i32
      %dma_wait3A_1021 = arith.constant 0 : i32
      %dma_wait3A_1022 = arith.constant 0 : i32
      %dma_wait3A_1023 = tpu.memref_slice %arg6[%dma_wait3A_1019, %dma_wait3A_1021, %dma_wait3A_1022] : memref<7x128x128xf32, #tpu.memory_space<vmem>> -> memref<1x128x128xf32, #tpu.memory_space<vmem>>
      %dma_wait3A_1024 = tpu.memref_squeeze %dma_wait3A_1023 : memref<1x128x128xf32, #tpu.memory_space<vmem>> -> memref<128x128xf32, #tpu.memory_space<vmem>>
      %dma_wait3A_1025 = arith.constant 0 : i32
      %dma_wait3A_1026 = tpu.memref_slice %arg4[%add3A_1018, %dma_wait3A_1025] : memref<204800x128xf32, #tpu.memory_space<hbm>> -> memref<128x128xf32, #tpu.memory_space<hbm>>
      %dma_wait3A_1027 = tpu.memref_slice %arg8[%dma_wait3A_1020] : memref<7x!tpu.dma_semaphore, #tpu.memory_space<semaphore_mem>> -> memref<1x!tpu.dma_semaphore, #tpu.memory_space<semaphore_mem>>
      %dma_wait3A_1028 = tpu.memref_squeeze %dma_wait3A_1027 : memref<1x!tpu.dma_semaphore, #tpu.memory_space<semaphore_mem>> -> memref<!tpu.dma_semaphore, #tpu.memory_space<semaphore_mem>>
      %dma_wait3A_1029 = arith.constant 0 : i32
      %dma_wait3A_1030 = tpu.memref_slice %arg4[%add3A_1018, %dma_wait3A_1029] : memref<204800x128xf32, #tpu.memory_space<hbm>> -> memref<128x128xf32, #tpu.memory_space<hbm>>
      %dma_wait3A_1031 = arith.constant 0 : i32
      %dma_wait3A_1032 = arith.constant 0 : i32
      %dma_wait3A_1033 = tpu.memref_slice %arg6[%dma_wait3A_1019, %dma_wait3A_1031, %dma_wait3A_1032] : memref<7x128x128xf32, #tpu.memory_space<vmem>> -> memref<1x128x128xf32, #tpu.memory_space<vmem>>
      %dma_wait3A_1034 = tpu.memref_squeeze %dma_wait3A_1033 : memref<1x128x128xf32, #tpu.memory_space<vmem>> -> memref<128x128xf32, #tpu.memory_space<vmem>>
      tpu.wait_dma2 semaphore(%dma_wait3A_1028 : memref<!tpu.dma_semaphore, #tpu.memory_space<semaphore_mem>>) src(%dma_wait3A_1034 : memref<128x128xf32, #tpu.memory_space<vmem>>) dst(%dma_wait3A_1030 : memref<128x128xf32, #tpu.memory_space<hbm>>)
      %add3A_1035 = arith.constant 6 : i32
      %add3A_1036 = arith.addi %add3A_1013, %add3A_1035 : i32
      %mul3A_1037 = arith.constant 128 : i32
      %mul3A_1038 = arith.muli %add3A_1036, %mul3A_1037 : i32
      %dma_start3A_1039 = arith.constant 0 : i32
      %dma_start3A_1040 = arith.constant 0 : i32
      %dma_start3A_1041 = arith.constant 0 : i32
      %dma_start3A_1042 = arith.constant 0 : i32
      %dma_start3A_1043 = tpu.memref_slice %arg6[%dma_start3A_1039, %dma_start3A_1041, %dma_start3A_1042] : memref<7x128x128xf32, #tpu.memory_space<vmem>> -> memref<1x128x128xf32, #tpu.memory_space<vmem>>
      %dma_start3A_1044 = tpu.memref_squeeze %dma_start3A_1043 : memref<1x128x128xf32, #tpu.memory_space<vmem>> -> memref<128x128xf32, #tpu.memory_space<vmem>>
      %dma_start3A_1045 = tpu.memref_slice %arg5[%mul3A_1038] : memref<6400xi32, #tpu.memory_space<vmem>> -> memref<128xi32, #tpu.memory_space<vmem>>
      %dma_start3A_1046 = arith.constant 0 : i32
      %dma_start3A_1047 = arith.constant 0 : i32
      %dma_start3A_1048 = tpu.memref_slice %arg3[%dma_start3A_1046, %dma_start3A_1047] : memref<100000x128xf32, #tpu.memory_space<hbm>> -> memref<100000x128xf32, #tpu.memory_space<hbm>>
      %dma_start3A_1049 = tpu.memref_slice %arg7[%dma_start3A_1040] : memref<7x!tpu.dma_semaphore, #tpu.memory_space<semaphore_mem>> -> memref<1x!tpu.dma_semaphore, #tpu.memory_space<semaphore_mem>>
      %dma_start3A_1050 = tpu.memref_squeeze %dma_start3A_1049 : memref<1x!tpu.dma_semaphore, #tpu.memory_space<semaphore_mem>> -> memref<!tpu.dma_semaphore, #tpu.memory_space<semaphore_mem>>
      tpu.enqueue_indirect_dma source(%dma_start3A_1048 : memref<100000x128xf32, #tpu.memory_space<hbm>>) target(%dma_start3A_1044 : memref<128x128xf32, #tpu.memory_space<vmem>>) offsets(%dma_start3A_1045 : memref<128xi32, #tpu.memory_space<vmem>>) semaphore(%dma_start3A_1050 : memref<!tpu.dma_semaphore, #tpu.memory_space<semaphore_mem>>)
      %mul3A_1051 = arith.constant 128 : i32
      %mul3A_1052 = arith.muli %add3A_1013, %mul3A_1051 : i32
      %dma_wait3A_1053 = arith.constant 1 : i32
      %dma_wait3A_1054 = arith.constant 1 : i32
      %dma_wait3A_1055 = arith.constant 0 : i32
      %dma_wait3A_1056 = arith.constant 0 : i32
      %dma_wait3A_1057 = tpu.memref_slice %arg6[%dma_wait3A_1053, %dma_wait3A_1055, %dma_wait3A_1056] : memref<7x128x128xf32, #tpu.memory_space<vmem>> -> memref<1x128x128xf32, #tpu.memory_space<vmem>>
      %dma_wait3A_1058 = tpu.memref_squeeze %dma_wait3A_1057 : memref<1x128x128xf32, #tpu.memory_space<vmem>> -> memref<128x128xf32, #tpu.memory_space<vmem>>
      %dma_wait3A_1059 = tpu.memref_slice %arg5[%mul3A_1052] : memref<6400xi32, #tpu.memory_space<vmem>> -> memref<128xi32, #tpu.memory_space<vmem>>
      %dma_wait3A_1060 = arith.constant 0 : i32
      %dma_wait3A_1061 = arith.constant 0 : i32
      %dma_wait3A_1062 = tpu.memref_slice %arg3[%dma_wait3A_1060, %dma_wait3A_1061] : memref<100000x128xf32, #tpu.memory_space<hbm>> -> memref<100000x128xf32, #tpu.memory_space<hbm>>
      %dma_wait3A_1063 = tpu.memref_slice %arg7[%dma_wait3A_1054] : memref<7x!tpu.dma_semaphore, #tpu.memory_space<semaphore_mem>> -> memref<1x!tpu.dma_semaphore, #tpu.memory_space<semaphore_mem>>
      %dma_wait3A_1064 = tpu.memref_squeeze %dma_wait3A_1063 : memref<1x!tpu.dma_semaphore, #tpu.memory_space<semaphore_mem>> -> memref<!tpu.dma_semaphore, #tpu.memory_space<semaphore_mem>>
      tpu.wait_indirect_dma semaphore(%dma_wait3A_1064 : memref<!tpu.dma_semaphore, #tpu.memory_space<semaphore_mem>>) src(%dma_wait3A_1062 : memref<100000x128xf32, #tpu.memory_space<hbm>>) dst(%dma_wait3A_1058 : memref<128x128xf32, #tpu.memory_space<vmem>>)
      %mul3A_1065 = arith.constant 128 : i32
      %mul3A_1066 = arith.muli %add3A_1013, %mul3A_1065 : i32
      %add3A_1067 = arith.addi %mul3A_2, %mul3A_1066 : i32
      %dma_start3A_1068 = arith.constant 1 : i32
      %dma_start3A_1069 = arith.constant 1 : i32
      %dma_start3A_1070 = arith.constant 0 : i32
      %dma_start3A_1071 = arith.constant 0 : i32
      %dma_start3A_1072 = tpu.memref_slice %arg6[%dma_start3A_1068, %dma_start3A_1070, %dma_start3A_1071] : memref<7x128x128xf32, #tpu.memory_space<vmem>> -> memref<1x128x128xf32, #tpu.memory_space<vmem>>
      %dma_start3A_1073 = tpu.memref_squeeze %dma_start3A_1072 : memref<1x128x128xf32, #tpu.memory_space<vmem>> -> memref<128x128xf32, #tpu.memory_space<vmem>>
      %dma_start3A_1074 = arith.constant 0 : i32
      %dma_start3A_1075 = tpu.memref_slice %arg4[%add3A_1067, %dma_start3A_1074] : memref<204800x128xf32, #tpu.memory_space<hbm>> -> memref<128x128xf32, #tpu.memory_space<hbm>>
      %dma_start3A_1076 = tpu.memref_slice %arg8[%dma_start3A_1069] : memref<7x!tpu.dma_semaphore, #tpu.memory_space<semaphore_mem>> -> memref<1x!tpu.dma_semaphore, #tpu.memory_space<semaphore_mem>>
      %dma_start3A_1077 = tpu.memref_squeeze %dma_start3A_1076 : memref<1x!tpu.dma_semaphore, #tpu.memory_space<semaphore_mem>> -> memref<!tpu.dma_semaphore, #tpu.memory_space<semaphore_mem>>
      %dma_start3A_1078 = arith.constant 0 : i32
      %dma_start3A_1079 = tpu.memref_slice %arg4[%add3A_1067, %dma_start3A_1078] : memref<204800x128xf32, #tpu.memory_space<hbm>> -> memref<128x128xf32, #tpu.memory_space<hbm>>
      %dma_start3A_1080 = arith.constant 0 : i32
      %dma_start3A_1081 = arith.constant 0 : i32
      %dma_start3A_1082 = tpu.memref_slice %arg6[%dma_start3A_1068, %dma_start3A_1080, %dma_start3A_1081] : memref<7x128x128xf32, #tpu.memory_space<vmem>> -> memref<1x128x128xf32, #tpu.memory_space<vmem>>
      %dma_start3A_1083 = tpu.memref_squeeze %dma_start3A_1082 : memref<1x128x128xf32, #tpu.memory_space<vmem>> -> memref<128x128xf32, #tpu.memory_space<vmem>>
      tpu.enqueue_dma source(%dma_start3A_1083 : memref<128x128xf32, #tpu.memory_space<vmem>>) target(%dma_start3A_1079 : memref<128x128xf32, #tpu.memory_space<hbm>>) target_semaphore(%dma_start3A_1077 : memref<!tpu.dma_semaphore, #tpu.memory_space<semaphore_mem>>)
      %add3A_1084 = arith.constant 2 : i32
      %add3A_1085 = arith.addi %add3A_940, %add3A_1084 : i32
      %sub3A_1086 = arith.constant 1 : i32
      %sub3A_1087 = arith.subi %add3A_1085, %sub3A_1086 : i32
      %mul3A_1088 = arith.constant 128 : i32
      %mul3A_1089 = arith.muli %sub3A_1087, %mul3A_1088 : i32
      %add3A_1090 = arith.addi %mul3A_2, %mul3A_1089 : i32
      %dma_wait3A_1091 = arith.constant 1 : i32
      %dma_wait3A_1092 = arith.constant 1 : i32
      %dma_wait3A_1093 = arith.constant 0 : i32
      %dma_wait3A_1094 = arith.constant 0 : i32
      %dma_wait3A_1095 = tpu.memref_slice %arg6[%dma_wait3A_1091, %dma_wait3A_1093, %dma_wait3A_1094] : memref<7x128x128xf32, #tpu.memory_space<vmem>> -> memref<1x128x128xf32, #tpu.memory_space<vmem>>
      %dma_wait3A_1096 = tpu.memref_squeeze %dma_wait3A_1095 : memref<1x128x128xf32, #tpu.memory_space<vmem>> -> memref<128x128xf32, #tpu.memory_space<vmem>>
      %dma_wait3A_1097 = arith.constant 0 : i32
      %dma_wait3A_1098 = tpu.memref_slice %arg4[%add3A_1090, %dma_wait3A_1097] : memref<204800x128xf32, #tpu.memory_space<hbm>> -> memref<128x128xf32, #tpu.memory_space<hbm>>
      %dma_wait3A_1099 = tpu.memref_slice %arg8[%dma_wait3A_1092] : memref<7x!tpu.dma_semaphore, #tpu.memory_space<semaphore_mem>> -> memref<1x!tpu.dma_semaphore, #tpu.memory_space<semaphore_mem>>
      %dma_wait3A_1100 = tpu.memref_squeeze %dma_wait3A_1099 : memref<1x!tpu.dma_semaphore, #tpu.memory_space<semaphore_mem>> -> memref<!tpu.dma_semaphore, #tpu.memory_space<semaphore_mem>>
      %dma_wait3A_1101 = arith.constant 0 : i32
      %dma_wait3A_1102 = tpu.memref_slice %arg4[%add3A_1090, %dma_wait3A_1101] : memref<204800x128xf32, #tpu.memory_space<hbm>> -> memref<128x128xf32, #tpu.memory_space<hbm>>
      %dma_wait3A_1103 = arith.constant 0 : i32
      %dma_wait3A_1104 = arith.constant 0 : i32
      %dma_wait3A_1105 = tpu.memref_slice %arg6[%dma_wait3A_1091, %dma_wait3A_1103, %dma_wait3A_1104] : memref<7x128x128xf32, #tpu.memory_space<vmem>> -> memref<1x128x128xf32, #tpu.memory_space<vmem>>
      %dma_wait3A_1106 = tpu.memref_squeeze %dma_wait3A_1105 : memref<1x128x128xf32, #tpu.memory_space<vmem>> -> memref<128x128xf32, #tpu.memory_space<vmem>>
      tpu.wait_dma2 semaphore(%dma_wait3A_1100 : memref<!tpu.dma_semaphore, #tpu.memory_space<semaphore_mem>>) src(%dma_wait3A_1106 : memref<128x128xf32, #tpu.memory_space<vmem>>) dst(%dma_wait3A_1102 : memref<128x128xf32, #tpu.memory_space<hbm>>)
      %add3A_1107 = arith.constant 6 : i32
      %add3A_1108 = arith.addi %add3A_1085, %add3A_1107 : i32
      %mul3A_1109 = arith.constant 128 : i32
      %mul3A_1110 = arith.muli %add3A_1108, %mul3A_1109 : i32
      %dma_start3A_1111 = arith.constant 1 : i32
      %dma_start3A_1112 = arith.constant 1 : i32
      %dma_start3A_1113 = arith.constant 0 : i32
      %dma_start3A_1114 = arith.constant 0 : i32
      %dma_start3A_1115 = tpu.memref_slice %arg6[%dma_start3A_1111, %dma_start3A_1113, %dma_start3A_1114] : memref<7x128x128xf32, #tpu.memory_space<vmem>> -> memref<1x128x128xf32, #tpu.memory_space<vmem>>
      %dma_start3A_1116 = tpu.memref_squeeze %dma_start3A_1115 : memref<1x128x128xf32, #tpu.memory_space<vmem>> -> memref<128x128xf32, #tpu.memory_space<vmem>>
      %dma_start3A_1117 = tpu.memref_slice %arg5[%mul3A_1110] : memref<6400xi32, #tpu.memory_space<vmem>> -> memref<128xi32, #tpu.memory_space<vmem>>
      %dma_start3A_1118 = arith.constant 0 : i32
      %dma_start3A_1119 = arith.constant 0 : i32
      %dma_start3A_1120 = tpu.memref_slice %arg3[%dma_start3A_1118, %dma_start3A_1119] : memref<100000x128xf32, #tpu.memory_space<hbm>> -> memref<100000x128xf32, #tpu.memory_space<hbm>>
      %dma_start3A_1121 = tpu.memref_slice %arg7[%dma_start3A_1112] : memref<7x!tpu.dma_semaphore, #tpu.memory_space<semaphore_mem>> -> memref<1x!tpu.dma_semaphore, #tpu.memory_space<semaphore_mem>>
      %dma_start3A_1122 = tpu.memref_squeeze %dma_start3A_1121 : memref<1x!tpu.dma_semaphore, #tpu.memory_space<semaphore_mem>> -> memref<!tpu.dma_semaphore, #tpu.memory_space<semaphore_mem>>
      tpu.enqueue_indirect_dma source(%dma_start3A_1120 : memref<100000x128xf32, #tpu.memory_space<hbm>>) target(%dma_start3A_1116 : memref<128x128xf32, #tpu.memory_space<vmem>>) offsets(%dma_start3A_1117 : memref<128xi32, #tpu.memory_space<vmem>>) semaphore(%dma_start3A_1122 : memref<!tpu.dma_semaphore, #tpu.memory_space<semaphore_mem>>)
      %mul3A_1123 = arith.constant 128 : i32
      %mul3A_1124 = arith.muli %add3A_1085, %mul3A_1123 : i32
      %dma_wait3A_1125 = arith.constant 2 : i32
      %dma_wait3A_1126 = arith.constant 2 : i32
      %dma_wait3A_1127 = arith.constant 0 : i32
      %dma_wait3A_1128 = arith.constant 0 : i32
      %dma_wait3A_1129 = tpu.memref_slice %arg6[%dma_wait3A_1125, %dma_wait3A_1127, %dma_wait3A_1128] : memref<7x128x128xf32, #tpu.memory_space<vmem>> -> memref<1x128x128xf32, #tpu.memory_space<vmem>>
      %dma_wait3A_1130 = tpu.memref_squeeze %dma_wait3A_1129 : memref<1x128x128xf32, #tpu.memory_space<vmem>> -> memref<128x128xf32, #tpu.memory_space<vmem>>
      %dma_wait3A_1131 = tpu.memref_slice %arg5[%mul3A_1124] : memref<6400xi32, #tpu.memory_space<vmem>> -> memref<128xi32, #tpu.memory_space<vmem>>
      %dma_wait3A_1132 = arith.constant 0 : i32
      %dma_wait3A_1133 = arith.constant 0 : i32
      %dma_wait3A_1134 = tpu.memref_slice %arg3[%dma_wait3A_1132, %dma_wait3A_1133] : memref<100000x128xf32, #tpu.memory_space<hbm>> -> memref<100000x128xf32, #tpu.memory_space<hbm>>
      %dma_wait3A_1135 = tpu.memref_slice %arg7[%dma_wait3A_1126] : memref<7x!tpu.dma_semaphore, #tpu.memory_space<semaphore_mem>> -> memref<1x!tpu.dma_semaphore, #tpu.memory_space<semaphore_mem>>
      %dma_wait3A_1136 = tpu.memref_squeeze %dma_wait3A_1135 : memref<1x!tpu.dma_semaphore, #tpu.memory_space<semaphore_mem>> -> memref<!tpu.dma_semaphore, #tpu.memory_space<semaphore_mem>>
      tpu.wait_indirect_dma semaphore(%dma_wait3A_1136 : memref<!tpu.dma_semaphore, #tpu.memory_space<semaphore_mem>>) src(%dma_wait3A_1134 : memref<100000x128xf32, #tpu.memory_space<hbm>>) dst(%dma_wait3A_1130 : memref<128x128xf32, #tpu.memory_space<vmem>>)
      %mul3A_1137 = arith.constant 128 : i32
      %mul3A_1138 = arith.muli %add3A_1085, %mul3A_1137 : i32
      %add3A_1139 = arith.addi %mul3A_2, %mul3A_1138 : i32
      %dma_start3A_1140 = arith.constant 2 : i32
      %dma_start3A_1141 = arith.constant 2 : i32
      %dma_start3A_1142 = arith.constant 0 : i32
      %dma_start3A_1143 = arith.constant 0 : i32
      %dma_start3A_1144 = tpu.memref_slice %arg6[%dma_start3A_1140, %dma_start3A_1142, %dma_start3A_1143] : memref<7x128x128xf32, #tpu.memory_space<vmem>> -> memref<1x128x128xf32, #tpu.memory_space<vmem>>
      %dma_start3A_1145 = tpu.memref_squeeze %dma_start3A_1144 : memref<1x128x128xf32, #tpu.memory_space<vmem>> -> memref<128x128xf32, #tpu.memory_space<vmem>>
      %dma_start3A_1146 = arith.constant 0 : i32
      %dma_start3A_1147 = tpu.memref_slice %arg4[%add3A_1139, %dma_start3A_1146] : memref<204800x128xf32, #tpu.memory_space<hbm>> -> memref<128x128xf32, #tpu.memory_space<hbm>>
      %dma_start3A_1148 = tpu.memref_slice %arg8[%dma_start3A_1141] : memref<7x!tpu.dma_semaphore, #tpu.memory_space<semaphore_mem>> -> memref<1x!tpu.dma_semaphore, #tpu.memory_space<semaphore_mem>>
      %dma_start3A_1149 = tpu.memref_squeeze %dma_start3A_1148 : memref<1x!tpu.dma_semaphore, #tpu.memory_space<semaphore_mem>> -> memref<!tpu.dma_semaphore, #tpu.memory_space<semaphore_mem>>
      %dma_start3A_1150 = arith.constant 0 : i32
      %dma_start3A_1151 = tpu.memref_slice %arg4[%add3A_1139, %dma_start3A_1150] : memref<204800x128xf32, #tpu.memory_space<hbm>> -> memref<128x128xf32, #tpu.memory_space<hbm>>
      %dma_start3A_1152 = arith.constant 0 : i32
      %dma_start3A_1153 = arith.constant 0 : i32
      %dma_start3A_1154 = tpu.memref_slice %arg6[%dma_start3A_1140, %dma_start3A_1152, %dma_start3A_1153] : memref<7x128x128xf32, #tpu.memory_space<vmem>> -> memref<1x128x128xf32, #tpu.memory_space<vmem>>
      %dma_start3A_1155 = tpu.memref_squeeze %dma_start3A_1154 : memref<1x128x128xf32, #tpu.memory_space<vmem>> -> memref<128x128xf32, #tpu.memory_space<vmem>>
      tpu.enqueue_dma source(%dma_start3A_1155 : memref<128x128xf32, #tpu.memory_space<vmem>>) target(%dma_start3A_1151 : memref<128x128xf32, #tpu.memory_space<hbm>>) target_semaphore(%dma_start3A_1149 : memref<!tpu.dma_semaphore, #tpu.memory_space<semaphore_mem>>)
      %add3A_1156 = arith.constant 3 : i32
      %add3A_1157 = arith.addi %add3A_940, %add3A_1156 : i32
      %sub3A_1158 = arith.constant 1 : i32
      %sub3A_1159 = arith.subi %add3A_1157, %sub3A_1158 : i32
      %mul3A_1160 = arith.constant 128 : i32
      %mul3A_1161 = arith.muli %sub3A_1159, %mul3A_1160 : i32
      %add3A_1162 = arith.addi %mul3A_2, %mul3A_1161 : i32
      %dma_wait3A_1163 = arith.constant 2 : i32
      %dma_wait3A_1164 = arith.constant 2 : i32
      %dma_wait3A_1165 = arith.constant 0 : i32
      %dma_wait3A_1166 = arith.constant 0 : i32
      %dma_wait3A_1167 = tpu.memref_slice %arg6[%dma_wait3A_1163, %dma_wait3A_1165, %dma_wait3A_1166] : memref<7x128x128xf32, #tpu.memory_space<vmem>> -> memref<1x128x128xf32, #tpu.memory_space<vmem>>
      %dma_wait3A_1168 = tpu.memref_squeeze %dma_wait3A_1167 : memref<1x128x128xf32, #tpu.memory_space<vmem>> -> memref<128x128xf32, #tpu.memory_space<vmem>>
      %dma_wait3A_1169 = arith.constant 0 : i32
      %dma_wait3A_1170 = tpu.memref_slice %arg4[%add3A_1162, %dma_wait3A_1169] : memref<204800x128xf32, #tpu.memory_space<hbm>> -> memref<128x128xf32, #tpu.memory_space<hbm>>
      %dma_wait3A_1171 = tpu.memref_slice %arg8[%dma_wait3A_1164] : memref<7x!tpu.dma_semaphore, #tpu.memory_space<semaphore_mem>> -> memref<1x!tpu.dma_semaphore, #tpu.memory_space<semaphore_mem>>
      %dma_wait3A_1172 = tpu.memref_squeeze %dma_wait3A_1171 : memref<1x!tpu.dma_semaphore, #tpu.memory_space<semaphore_mem>> -> memref<!tpu.dma_semaphore, #tpu.memory_space<semaphore_mem>>
      %dma_wait3A_1173 = arith.constant 0 : i32
      %dma_wait3A_1174 = tpu.memref_slice %arg4[%add3A_1162, %dma_wait3A_1173] : memref<204800x128xf32, #tpu.memory_space<hbm>> -> memref<128x128xf32, #tpu.memory_space<hbm>>
      %dma_wait3A_1175 = arith.constant 0 : i32
      %dma_wait3A_1176 = arith.constant 0 : i32
      %dma_wait3A_1177 = tpu.memref_slice %arg6[%dma_wait3A_1163, %dma_wait3A_1175, %dma_wait3A_1176] : memref<7x128x128xf32, #tpu.memory_space<vmem>> -> memref<1x128x128xf32, #tpu.memory_space<vmem>>
      %dma_wait3A_1178 = tpu.memref_squeeze %dma_wait3A_1177 : memref<1x128x128xf32, #tpu.memory_space<vmem>> -> memref<128x128xf32, #tpu.memory_space<vmem>>
      tpu.wait_dma2 semaphore(%dma_wait3A_1172 : memref<!tpu.dma_semaphore, #tpu.memory_space<semaphore_mem>>) src(%dma_wait3A_1178 : memref<128x128xf32, #tpu.memory_space<vmem>>) dst(%dma_wait3A_1174 : memref<128x128xf32, #tpu.memory_space<hbm>>)
      %add3A_1179 = arith.constant 6 : i32
      %add3A_1180 = arith.addi %add3A_1157, %add3A_1179 : i32
      %mul3A_1181 = arith.constant 128 : i32
      %mul3A_1182 = arith.muli %add3A_1180, %mul3A_1181 : i32
      %dma_start3A_1183 = arith.constant 2 : i32
      %dma_start3A_1184 = arith.constant 2 : i32
      %dma_start3A_1185 = arith.constant 0 : i32
      %dma_start3A_1186 = arith.constant 0 : i32
      %dma_start3A_1187 = tpu.memref_slice %arg6[%dma_start3A_1183, %dma_start3A_1185, %dma_start3A_1186] : memref<7x128x128xf32, #tpu.memory_space<vmem>> -> memref<1x128x128xf32, #tpu.memory_space<vmem>>
      %dma_start3A_1188 = tpu.memref_squeeze %dma_start3A_1187 : memref<1x128x128xf32, #tpu.memory_space<vmem>> -> memref<128x128xf32, #tpu.memory_space<vmem>>
      %dma_start3A_1189 = tpu.memref_slice %arg5[%mul3A_1182] : memref<6400xi32, #tpu.memory_space<vmem>> -> memref<128xi32, #tpu.memory_space<vmem>>
      %dma_start3A_1190 = arith.constant 0 : i32
      %dma_start3A_1191 = arith.constant 0 : i32
      %dma_start3A_1192 = tpu.memref_slice %arg3[%dma_start3A_1190, %dma_start3A_1191] : memref<100000x128xf32, #tpu.memory_space<hbm>> -> memref<100000x128xf32, #tpu.memory_space<hbm>>
      %dma_start3A_1193 = tpu.memref_slice %arg7[%dma_start3A_1184] : memref<7x!tpu.dma_semaphore, #tpu.memory_space<semaphore_mem>> -> memref<1x!tpu.dma_semaphore, #tpu.memory_space<semaphore_mem>>
      %dma_start3A_1194 = tpu.memref_squeeze %dma_start3A_1193 : memref<1x!tpu.dma_semaphore, #tpu.memory_space<semaphore_mem>> -> memref<!tpu.dma_semaphore, #tpu.memory_space<semaphore_mem>>
      tpu.enqueue_indirect_dma source(%dma_start3A_1192 : memref<100000x128xf32, #tpu.memory_space<hbm>>) target(%dma_start3A_1188 : memref<128x128xf32, #tpu.memory_space<vmem>>) offsets(%dma_start3A_1189 : memref<128xi32, #tpu.memory_space<vmem>>) semaphore(%dma_start3A_1194 : memref<!tpu.dma_semaphore, #tpu.memory_space<semaphore_mem>>)
      %mul3A_1195 = arith.constant 128 : i32
      %mul3A_1196 = arith.muli %add3A_1157, %mul3A_1195 : i32
      %dma_wait3A_1197 = arith.constant 3 : i32
      %dma_wait3A_1198 = arith.constant 3 : i32
      %dma_wait3A_1199 = arith.constant 0 : i32
      %dma_wait3A_1200 = arith.constant 0 : i32
      %dma_wait3A_1201 = tpu.memref_slice %arg6[%dma_wait3A_1197, %dma_wait3A_1199, %dma_wait3A_1200] : memref<7x128x128xf32, #tpu.memory_space<vmem>> -> memref<1x128x128xf32, #tpu.memory_space<vmem>>
      %dma_wait3A_1202 = tpu.memref_squeeze %dma_wait3A_1201 : memref<1x128x128xf32, #tpu.memory_space<vmem>> -> memref<128x128xf32, #tpu.memory_space<vmem>>
      %dma_wait3A_1203 = tpu.memref_slice %arg5[%mul3A_1196] : memref<6400xi32, #tpu.memory_space<vmem>> -> memref<128xi32, #tpu.memory_space<vmem>>
      %dma_wait3A_1204 = arith.constant 0 : i32
      %dma_wait3A_1205 = arith.constant 0 : i32
      %dma_wait3A_1206 = tpu.memref_slice %arg3[%dma_wait3A_1204, %dma_wait3A_1205] : memref<100000x128xf32, #tpu.memory_space<hbm>> -> memref<100000x128xf32, #tpu.memory_space<hbm>>
      %dma_wait3A_1207 = tpu.memref_slice %arg7[%dma_wait3A_1198] : memref<7x!tpu.dma_semaphore, #tpu.memory_space<semaphore_mem>> -> memref<1x!tpu.dma_semaphore, #tpu.memory_space<semaphore_mem>>
      %dma_wait3A_1208 = tpu.memref_squeeze %dma_wait3A_1207 : memref<1x!tpu.dma_semaphore, #tpu.memory_space<semaphore_mem>> -> memref<!tpu.dma_semaphore, #tpu.memory_space<semaphore_mem>>
      tpu.wait_indirect_dma semaphore(%dma_wait3A_1208 : memref<!tpu.dma_semaphore, #tpu.memory_space<semaphore_mem>>) src(%dma_wait3A_1206 : memref<100000x128xf32, #tpu.memory_space<hbm>>) dst(%dma_wait3A_1202 : memref<128x128xf32, #tpu.memory_space<vmem>>)
      %mul3A_1209 = arith.constant 128 : i32
      %mul3A_1210 = arith.muli %add3A_1157, %mul3A_1209 : i32
      %add3A_1211 = arith.addi %mul3A_2, %mul3A_1210 : i32
      %dma_start3A_1212 = arith.constant 3 : i32
      %dma_start3A_1213 = arith.constant 3 : i32
      %dma_start3A_1214 = arith.constant 0 : i32
      %dma_start3A_1215 = arith.constant 0 : i32
      %dma_start3A_1216 = tpu.memref_slice %arg6[%dma_start3A_1212, %dma_start3A_1214, %dma_start3A_1215] : memref<7x128x128xf32, #tpu.memory_space<vmem>> -> memref<1x128x128xf32, #tpu.memory_space<vmem>>
      %dma_start3A_1217 = tpu.memref_squeeze %dma_start3A_1216 : memref<1x128x128xf32, #tpu.memory_space<vmem>> -> memref<128x128xf32, #tpu.memory_space<vmem>>
      %dma_start3A_1218 = arith.constant 0 : i32
      %dma_start3A_1219 = tpu.memref_slice %arg4[%add3A_1211, %dma_start3A_1218] : memref<204800x128xf32, #tpu.memory_space<hbm>> -> memref<128x128xf32, #tpu.memory_space<hbm>>
      %dma_start3A_1220 = tpu.memref_slice %arg8[%dma_start3A_1213] : memref<7x!tpu.dma_semaphore, #tpu.memory_space<semaphore_mem>> -> memref<1x!tpu.dma_semaphore, #tpu.memory_space<semaphore_mem>>
      %dma_start3A_1221 = tpu.memref_squeeze %dma_start3A_1220 : memref<1x!tpu.dma_semaphore, #tpu.memory_space<semaphore_mem>> -> memref<!tpu.dma_semaphore, #tpu.memory_space<semaphore_mem>>
      %dma_start3A_1222 = arith.constant 0 : i32
      %dma_start3A_1223 = tpu.memref_slice %arg4[%add3A_1211, %dma_start3A_1222] : memref<204800x128xf32, #tpu.memory_space<hbm>> -> memref<128x128xf32, #tpu.memory_space<hbm>>
      %dma_start3A_1224 = arith.constant 0 : i32
      %dma_start3A_1225 = arith.constant 0 : i32
      %dma_start3A_1226 = tpu.memref_slice %arg6[%dma_start3A_1212, %dma_start3A_1224, %dma_start3A_1225] : memref<7x128x128xf32, #tpu.memory_space<vmem>> -> memref<1x128x128xf32, #tpu.memory_space<vmem>>
      %dma_start3A_1227 = tpu.memref_squeeze %dma_start3A_1226 : memref<1x128x128xf32, #tpu.memory_space<vmem>> -> memref<128x128xf32, #tpu.memory_space<vmem>>
      tpu.enqueue_dma source(%dma_start3A_1227 : memref<128x128xf32, #tpu.memory_space<vmem>>) target(%dma_start3A_1223 : memref<128x128xf32, #tpu.memory_space<hbm>>) target_semaphore(%dma_start3A_1221 : memref<!tpu.dma_semaphore, #tpu.memory_space<semaphore_mem>>)
      %add3A_1228 = arith.constant 4 : i32
      %add3A_1229 = arith.addi %add3A_940, %add3A_1228 : i32
      %sub3A_1230 = arith.constant 1 : i32
      %sub3A_1231 = arith.subi %add3A_1229, %sub3A_1230 : i32
      %mul3A_1232 = arith.constant 128 : i32
      %mul3A_1233 = arith.muli %sub3A_1231, %mul3A_1232 : i32
      %add3A_1234 = arith.addi %mul3A_2, %mul3A_1233 : i32
      %dma_wait3A_1235 = arith.constant 3 : i32
      %dma_wait3A_1236 = arith.constant 3 : i32
      %dma_wait3A_1237 = arith.constant 0 : i32
      %dma_wait3A_1238 = arith.constant 0 : i32
      %dma_wait3A_1239 = tpu.memref_slice %arg6[%dma_wait3A_1235, %dma_wait3A_1237, %dma_wait3A_1238] : memref<7x128x128xf32, #tpu.memory_space<vmem>> -> memref<1x128x128xf32, #tpu.memory_space<vmem>>
      %dma_wait3A_1240 = tpu.memref_squeeze %dma_wait3A_1239 : memref<1x128x128xf32, #tpu.memory_space<vmem>> -> memref<128x128xf32, #tpu.memory_space<vmem>>
      %dma_wait3A_1241 = arith.constant 0 : i32
      %dma_wait3A_1242 = tpu.memref_slice %arg4[%add3A_1234, %dma_wait3A_1241] : memref<204800x128xf32, #tpu.memory_space<hbm>> -> memref<128x128xf32, #tpu.memory_space<hbm>>
      %dma_wait3A_1243 = tpu.memref_slice %arg8[%dma_wait3A_1236] : memref<7x!tpu.dma_semaphore, #tpu.memory_space<semaphore_mem>> -> memref<1x!tpu.dma_semaphore, #tpu.memory_space<semaphore_mem>>
      %dma_wait3A_1244 = tpu.memref_squeeze %dma_wait3A_1243 : memref<1x!tpu.dma_semaphore, #tpu.memory_space<semaphore_mem>> -> memref<!tpu.dma_semaphore, #tpu.memory_space<semaphore_mem>>
      %dma_wait3A_1245 = arith.constant 0 : i32
      %dma_wait3A_1246 = tpu.memref_slice %arg4[%add3A_1234, %dma_wait3A_1245] : memref<204800x128xf32, #tpu.memory_space<hbm>> -> memref<128x128xf32, #tpu.memory_space<hbm>>
      %dma_wait3A_1247 = arith.constant 0 : i32
      %dma_wait3A_1248 = arith.constant 0 : i32
      %dma_wait3A_1249 = tpu.memref_slice %arg6[%dma_wait3A_1235, %dma_wait3A_1247, %dma_wait3A_1248] : memref<7x128x128xf32, #tpu.memory_space<vmem>> -> memref<1x128x128xf32, #tpu.memory_space<vmem>>
      %dma_wait3A_1250 = tpu.memref_squeeze %dma_wait3A_1249 : memref<1x128x128xf32, #tpu.memory_space<vmem>> -> memref<128x128xf32, #tpu.memory_space<vmem>>
      tpu.wait_dma2 semaphore(%dma_wait3A_1244 : memref<!tpu.dma_semaphore, #tpu.memory_space<semaphore_mem>>) src(%dma_wait3A_1250 : memref<128x128xf32, #tpu.memory_space<vmem>>) dst(%dma_wait3A_1246 : memref<128x128xf32, #tpu.memory_space<hbm>>)
      %add3A_1251 = arith.constant 6 : i32
      %add3A_1252 = arith.addi %add3A_1229, %add3A_1251 : i32
      %mul3A_1253 = arith.constant 128 : i32
      %mul3A_1254 = arith.muli %add3A_1252, %mul3A_1253 : i32
      %dma_start3A_1255 = arith.constant 3 : i32
      %dma_start3A_1256 = arith.constant 3 : i32
      %dma_start3A_1257 = arith.constant 0 : i32
      %dma_start3A_1258 = arith.constant 0 : i32
      %dma_start3A_1259 = tpu.memref_slice %arg6[%dma_start3A_1255, %dma_start3A_1257, %dma_start3A_1258] : memref<7x128x128xf32, #tpu.memory_space<vmem>> -> memref<1x128x128xf32, #tpu.memory_space<vmem>>
      %dma_start3A_1260 = tpu.memref_squeeze %dma_start3A_1259 : memref<1x128x128xf32, #tpu.memory_space<vmem>> -> memref<128x128xf32, #tpu.memory_space<vmem>>
      %dma_start3A_1261 = tpu.memref_slice %arg5[%mul3A_1254] : memref<6400xi32, #tpu.memory_space<vmem>> -> memref<128xi32, #tpu.memory_space<vmem>>
      %dma_start3A_1262 = arith.constant 0 : i32
      %dma_start3A_1263 = arith.constant 0 : i32
      %dma_start3A_1264 = tpu.memref_slice %arg3[%dma_start3A_1262, %dma_start3A_1263] : memref<100000x128xf32, #tpu.memory_space<hbm>> -> memref<100000x128xf32, #tpu.memory_space<hbm>>
      %dma_start3A_1265 = tpu.memref_slice %arg7[%dma_start3A_1256] : memref<7x!tpu.dma_semaphore, #tpu.memory_space<semaphore_mem>> -> memref<1x!tpu.dma_semaphore, #tpu.memory_space<semaphore_mem>>
      %dma_start3A_1266 = tpu.memref_squeeze %dma_start3A_1265 : memref<1x!tpu.dma_semaphore, #tpu.memory_space<semaphore_mem>> -> memref<!tpu.dma_semaphore, #tpu.memory_space<semaphore_mem>>
      tpu.enqueue_indirect_dma source(%dma_start3A_1264 : memref<100000x128xf32, #tpu.memory_space<hbm>>) target(%dma_start3A_1260 : memref<128x128xf32, #tpu.memory_space<vmem>>) offsets(%dma_start3A_1261 : memref<128xi32, #tpu.memory_space<vmem>>) semaphore(%dma_start3A_1266 : memref<!tpu.dma_semaphore, #tpu.memory_space<semaphore_mem>>)
      %mul3A_1267 = arith.constant 128 : i32
      %mul3A_1268 = arith.muli %add3A_1229, %mul3A_1267 : i32
      %dma_wait3A_1269 = arith.constant 4 : i32
      %dma_wait3A_1270 = arith.constant 4 : i32
      %dma_wait3A_1271 = arith.constant 0 : i32
      %dma_wait3A_1272 = arith.constant 0 : i32
      %dma_wait3A_1273 = tpu.memref_slice %arg6[%dma_wait3A_1269, %dma_wait3A_1271, %dma_wait3A_1272] : memref<7x128x128xf32, #tpu.memory_space<vmem>> -> memref<1x128x128xf32, #tpu.memory_space<vmem>>
      %dma_wait3A_1274 = tpu.memref_squeeze %dma_wait3A_1273 : memref<1x128x128xf32, #tpu.memory_space<vmem>> -> memref<128x128xf32, #tpu.memory_space<vmem>>
      %dma_wait3A_1275 = tpu.memref_slice %arg5[%mul3A_1268] : memref<6400xi32, #tpu.memory_space<vmem>> -> memref<128xi32, #tpu.memory_space<vmem>>
      %dma_wait3A_1276 = arith.constant 0 : i32
      %dma_wait3A_1277 = arith.constant 0 : i32
      %dma_wait3A_1278 = tpu.memref_slice %arg3[%dma_wait3A_1276, %dma_wait3A_1277] : memref<100000x128xf32, #tpu.memory_space<hbm>> -> memref<100000x128xf32, #tpu.memory_space<hbm>>
      %dma_wait3A_1279 = tpu.memref_slice %arg7[%dma_wait3A_1270] : memref<7x!tpu.dma_semaphore, #tpu.memory_space<semaphore_mem>> -> memref<1x!tpu.dma_semaphore, #tpu.memory_space<semaphore_mem>>
      %dma_wait3A_1280 = tpu.memref_squeeze %dma_wait3A_1279 : memref<1x!tpu.dma_semaphore, #tpu.memory_space<semaphore_mem>> -> memref<!tpu.dma_semaphore, #tpu.memory_space<semaphore_mem>>
      tpu.wait_indirect_dma semaphore(%dma_wait3A_1280 : memref<!tpu.dma_semaphore, #tpu.memory_space<semaphore_mem>>) src(%dma_wait3A_1278 : memref<100000x128xf32, #tpu.memory_space<hbm>>) dst(%dma_wait3A_1274 : memref<128x128xf32, #tpu.memory_space<vmem>>)
      %mul3A_1281 = arith.constant 128 : i32
      %mul3A_1282 = arith.muli %add3A_1229, %mul3A_1281 : i32
      %add3A_1283 = arith.addi %mul3A_2, %mul3A_1282 : i32
      %dma_start3A_1284 = arith.constant 4 : i32
      %dma_start3A_1285 = arith.constant 4 : i32
      %dma_start3A_1286 = arith.constant 0 : i32
      %dma_start3A_1287 = arith.constant 0 : i32
      %dma_start3A_1288 = tpu.memref_slice %arg6[%dma_start3A_1284, %dma_start3A_1286, %dma_start3A_1287] : memref<7x128x128xf32, #tpu.memory_space<vmem>> -> memref<1x128x128xf32, #tpu.memory_space<vmem>>
      %dma_start3A_1289 = tpu.memref_squeeze %dma_start3A_1288 : memref<1x128x128xf32, #tpu.memory_space<vmem>> -> memref<128x128xf32, #tpu.memory_space<vmem>>
      %dma_start3A_1290 = arith.constant 0 : i32
      %dma_start3A_1291 = tpu.memref_slice %arg4[%add3A_1283, %dma_start3A_1290] : memref<204800x128xf32, #tpu.memory_space<hbm>> -> memref<128x128xf32, #tpu.memory_space<hbm>>
      %dma_start3A_1292 = tpu.memref_slice %arg8[%dma_start3A_1285] : memref<7x!tpu.dma_semaphore, #tpu.memory_space<semaphore_mem>> -> memref<1x!tpu.dma_semaphore, #tpu.memory_space<semaphore_mem>>
      %dma_start3A_1293 = tpu.memref_squeeze %dma_start3A_1292 : memref<1x!tpu.dma_semaphore, #tpu.memory_space<semaphore_mem>> -> memref<!tpu.dma_semaphore, #tpu.memory_space<semaphore_mem>>
      %dma_start3A_1294 = arith.constant 0 : i32
      %dma_start3A_1295 = tpu.memref_slice %arg4[%add3A_1283, %dma_start3A_1294] : memref<204800x128xf32, #tpu.memory_space<hbm>> -> memref<128x128xf32, #tpu.memory_space<hbm>>
      %dma_start3A_1296 = arith.constant 0 : i32
      %dma_start3A_1297 = arith.constant 0 : i32
      %dma_start3A_1298 = tpu.memref_slice %arg6[%dma_start3A_1284, %dma_start3A_1296, %dma_start3A_1297] : memref<7x128x128xf32, #tpu.memory_space<vmem>> -> memref<1x128x128xf32, #tpu.memory_space<vmem>>
      %dma_start3A_1299 = tpu.memref_squeeze %dma_start3A_1298 : memref<1x128x128xf32, #tpu.memory_space<vmem>> -> memref<128x128xf32, #tpu.memory_space<vmem>>
      tpu.enqueue_dma source(%dma_start3A_1299 : memref<128x128xf32, #tpu.memory_space<vmem>>) target(%dma_start3A_1295 : memref<128x128xf32, #tpu.memory_space<hbm>>) target_semaphore(%dma_start3A_1293 : memref<!tpu.dma_semaphore, #tpu.memory_space<semaphore_mem>>)
      %add3A_1300 = arith.constant 5 : i32
      %add3A_1301 = arith.addi %add3A_940, %add3A_1300 : i32
      %sub3A_1302 = arith.constant 1 : i32
      %sub3A_1303 = arith.subi %add3A_1301, %sub3A_1302 : i32
      %mul3A_1304 = arith.constant 128 : i32
      %mul3A_1305 = arith.muli %sub3A_1303, %mul3A_1304 : i32
      %add3A_1306 = arith.addi %mul3A_2, %mul3A_1305 : i32
      %dma_wait3A_1307 = arith.constant 4 : i32
      %dma_wait3A_1308 = arith.constant 4 : i32
      %dma_wait3A_1309 = arith.constant 0 : i32
      %dma_wait3A_1310 = arith.constant 0 : i32
      %dma_wait3A_1311 = tpu.memref_slice %arg6[%dma_wait3A_1307, %dma_wait3A_1309, %dma_wait3A_1310] : memref<7x128x128xf32, #tpu.memory_space<vmem>> -> memref<1x128x128xf32, #tpu.memory_space<vmem>>
      %dma_wait3A_1312 = tpu.memref_squeeze %dma_wait3A_1311 : memref<1x128x128xf32, #tpu.memory_space<vmem>> -> memref<128x128xf32, #tpu.memory_space<vmem>>
      %dma_wait3A_1313 = arith.constant 0 : i32
      %dma_wait3A_1314 = tpu.memref_slice %arg4[%add3A_1306, %dma_wait3A_1313] : memref<204800x128xf32, #tpu.memory_space<hbm>> -> memref<128x128xf32, #tpu.memory_space<hbm>>
      %dma_wait3A_1315 = tpu.memref_slice %arg8[%dma_wait3A_1308] : memref<7x!tpu.dma_semaphore, #tpu.memory_space<semaphore_mem>> -> memref<1x!tpu.dma_semaphore, #tpu.memory_space<semaphore_mem>>
      %dma_wait3A_1316 = tpu.memref_squeeze %dma_wait3A_1315 : memref<1x!tpu.dma_semaphore, #tpu.memory_space<semaphore_mem>> -> memref<!tpu.dma_semaphore, #tpu.memory_space<semaphore_mem>>
      %dma_wait3A_1317 = arith.constant 0 : i32
      %dma_wait3A_1318 = tpu.memref_slice %arg4[%add3A_1306, %dma_wait3A_1317] : memref<204800x128xf32, #tpu.memory_space<hbm>> -> memref<128x128xf32, #tpu.memory_space<hbm>>
      %dma_wait3A_1319 = arith.constant 0 : i32
      %dma_wait3A_1320 = arith.constant 0 : i32
      %dma_wait3A_1321 = tpu.memref_slice %arg6[%dma_wait3A_1307, %dma_wait3A_1319, %dma_wait3A_1320] : memref<7x128x128xf32, #tpu.memory_space<vmem>> -> memref<1x128x128xf32, #tpu.memory_space<vmem>>
      %dma_wait3A_1322 = tpu.memref_squeeze %dma_wait3A_1321 : memref<1x128x128xf32, #tpu.memory_space<vmem>> -> memref<128x128xf32, #tpu.memory_space<vmem>>
      tpu.wait_dma2 semaphore(%dma_wait3A_1316 : memref<!tpu.dma_semaphore, #tpu.memory_space<semaphore_mem>>) src(%dma_wait3A_1322 : memref<128x128xf32, #tpu.memory_space<vmem>>) dst(%dma_wait3A_1318 : memref<128x128xf32, #tpu.memory_space<hbm>>)
      %add3A_1323 = arith.constant 6 : i32
      %add3A_1324 = arith.addi %add3A_1301, %add3A_1323 : i32
      %mul3A_1325 = arith.constant 128 : i32
      %mul3A_1326 = arith.muli %add3A_1324, %mul3A_1325 : i32
      %dma_start3A_1327 = arith.constant 4 : i32
      %dma_start3A_1328 = arith.constant 4 : i32
      %dma_start3A_1329 = arith.constant 0 : i32
      %dma_start3A_1330 = arith.constant 0 : i32
      %dma_start3A_1331 = tpu.memref_slice %arg6[%dma_start3A_1327, %dma_start3A_1329, %dma_start3A_1330] : memref<7x128x128xf32, #tpu.memory_space<vmem>> -> memref<1x128x128xf32, #tpu.memory_space<vmem>>
      %dma_start3A_1332 = tpu.memref_squeeze %dma_start3A_1331 : memref<1x128x128xf32, #tpu.memory_space<vmem>> -> memref<128x128xf32, #tpu.memory_space<vmem>>
      %dma_start3A_1333 = tpu.memref_slice %arg5[%mul3A_1326] : memref<6400xi32, #tpu.memory_space<vmem>> -> memref<128xi32, #tpu.memory_space<vmem>>
      %dma_start3A_1334 = arith.constant 0 : i32
      %dma_start3A_1335 = arith.constant 0 : i32
      %dma_start3A_1336 = tpu.memref_slice %arg3[%dma_start3A_1334, %dma_start3A_1335] : memref<100000x128xf32, #tpu.memory_space<hbm>> -> memref<100000x128xf32, #tpu.memory_space<hbm>>
      %dma_start3A_1337 = tpu.memref_slice %arg7[%dma_start3A_1328] : memref<7x!tpu.dma_semaphore, #tpu.memory_space<semaphore_mem>> -> memref<1x!tpu.dma_semaphore, #tpu.memory_space<semaphore_mem>>
      %dma_start3A_1338 = tpu.memref_squeeze %dma_start3A_1337 : memref<1x!tpu.dma_semaphore, #tpu.memory_space<semaphore_mem>> -> memref<!tpu.dma_semaphore, #tpu.memory_space<semaphore_mem>>
      tpu.enqueue_indirect_dma source(%dma_start3A_1336 : memref<100000x128xf32, #tpu.memory_space<hbm>>) target(%dma_start3A_1332 : memref<128x128xf32, #tpu.memory_space<vmem>>) offsets(%dma_start3A_1333 : memref<128xi32, #tpu.memory_space<vmem>>) semaphore(%dma_start3A_1338 : memref<!tpu.dma_semaphore, #tpu.memory_space<semaphore_mem>>)
      %mul3A_1339 = arith.constant 128 : i32
      %mul3A_1340 = arith.muli %add3A_1301, %mul3A_1339 : i32
      %dma_wait3A_1341 = arith.constant 5 : i32
      %dma_wait3A_1342 = arith.constant 5 : i32
      %dma_wait3A_1343 = arith.constant 0 : i32
      %dma_wait3A_1344 = arith.constant 0 : i32
      %dma_wait3A_1345 = tpu.memref_slice %arg6[%dma_wait3A_1341, %dma_wait3A_1343, %dma_wait3A_1344] : memref<7x128x128xf32, #tpu.memory_space<vmem>> -> memref<1x128x128xf32, #tpu.memory_space<vmem>>
      %dma_wait3A_1346 = tpu.memref_squeeze %dma_wait3A_1345 : memref<1x128x128xf32, #tpu.memory_space<vmem>> -> memref<128x128xf32, #tpu.memory_space<vmem>>
      %dma_wait3A_1347 = tpu.memref_slice %arg5[%mul3A_1340] : memref<6400xi32, #tpu.memory_space<vmem>> -> memref<128xi32, #tpu.memory_space<vmem>>
      %dma_wait3A_1348 = arith.constant 0 : i32
      %dma_wait3A_1349 = arith.constant 0 : i32
      %dma_wait3A_1350 = tpu.memref_slice %arg3[%dma_wait3A_1348, %dma_wait3A_1349] : memref<100000x128xf32, #tpu.memory_space<hbm>> -> memref<100000x128xf32, #tpu.memory_space<hbm>>
      %dma_wait3A_1351 = tpu.memref_slice %arg7[%dma_wait3A_1342] : memref<7x!tpu.dma_semaphore, #tpu.memory_space<semaphore_mem>> -> memref<1x!tpu.dma_semaphore, #tpu.memory_space<semaphore_mem>>
      %dma_wait3A_1352 = tpu.memref_squeeze %dma_wait3A_1351 : memref<1x!tpu.dma_semaphore, #tpu.memory_space<semaphore_mem>> -> memref<!tpu.dma_semaphore, #tpu.memory_space<semaphore_mem>>
      tpu.wait_indirect_dma semaphore(%dma_wait3A_1352 : memref<!tpu.dma_semaphore, #tpu.memory_space<semaphore_mem>>) src(%dma_wait3A_1350 : memref<100000x128xf32, #tpu.memory_space<hbm>>) dst(%dma_wait3A_1346 : memref<128x128xf32, #tpu.memory_space<vmem>>)
      %mul3A_1353 = arith.constant 128 : i32
      %mul3A_1354 = arith.muli %add3A_1301, %mul3A_1353 : i32
      %add3A_1355 = arith.addi %mul3A_2, %mul3A_1354 : i32
      %dma_start3A_1356 = arith.constant 5 : i32
      %dma_start3A_1357 = arith.constant 5 : i32
      %dma_start3A_1358 = arith.constant 0 : i32
      %dma_start3A_1359 = arith.constant 0 : i32
      %dma_start3A_1360 = tpu.memref_slice %arg6[%dma_start3A_1356, %dma_start3A_1358, %dma_start3A_1359] : memref<7x128x128xf32, #tpu.memory_space<vmem>> -> memref<1x128x128xf32, #tpu.memory_space<vmem>>
      %dma_start3A_1361 = tpu.memref_squeeze %dma_start3A_1360 : memref<1x128x128xf32, #tpu.memory_space<vmem>> -> memref<128x128xf32, #tpu.memory_space<vmem>>
      %dma_start3A_1362 = arith.constant 0 : i32
      %dma_start3A_1363 = tpu.memref_slice %arg4[%add3A_1355, %dma_start3A_1362] : memref<204800x128xf32, #tpu.memory_space<hbm>> -> memref<128x128xf32, #tpu.memory_space<hbm>>
      %dma_start3A_1364 = tpu.memref_slice %arg8[%dma_start3A_1357] : memref<7x!tpu.dma_semaphore, #tpu.memory_space<semaphore_mem>> -> memref<1x!tpu.dma_semaphore, #tpu.memory_space<semaphore_mem>>
      %dma_start3A_1365 = tpu.memref_squeeze %dma_start3A_1364 : memref<1x!tpu.dma_semaphore, #tpu.memory_space<semaphore_mem>> -> memref<!tpu.dma_semaphore, #tpu.memory_space<semaphore_mem>>
      %dma_start3A_1366 = arith.constant 0 : i32
      %dma_start3A_1367 = tpu.memref_slice %arg4[%add3A_1355, %dma_start3A_1366] : memref<204800x128xf32, #tpu.memory_space<hbm>> -> memref<128x128xf32, #tpu.memory_space<hbm>>
      %dma_start3A_1368 = arith.constant 0 : i32
      %dma_start3A_1369 = arith.constant 0 : i32
      %dma_start3A_1370 = tpu.memref_slice %arg6[%dma_start3A_1356, %dma_start3A_1368, %dma_start3A_1369] : memref<7x128x128xf32, #tpu.memory_space<vmem>> -> memref<1x128x128xf32, #tpu.memory_space<vmem>>
      %dma_start3A_1371 = tpu.memref_squeeze %dma_start3A_1370 : memref<1x128x128xf32, #tpu.memory_space<vmem>> -> memref<128x128xf32, #tpu.memory_space<vmem>>
      tpu.enqueue_dma source(%dma_start3A_1371 : memref<128x128xf32, #tpu.memory_space<vmem>>) target(%dma_start3A_1367 : memref<128x128xf32, #tpu.memory_space<hbm>>) target_semaphore(%dma_start3A_1365 : memref<!tpu.dma_semaphore, #tpu.memory_space<semaphore_mem>>)
      %add3A_1372 = arith.constant 6 : i32
      %add3A_1373 = arith.addi %add3A_940, %add3A_1372 : i32
      %sub3A_1374 = arith.constant 1 : i32
      %sub3A_1375 = arith.subi %add3A_1373, %sub3A_1374 : i32
      %mul3A_1376 = arith.constant 128 : i32
      %mul3A_1377 = arith.muli %sub3A_1375, %mul3A_1376 : i32
      %add3A_1378 = arith.addi %mul3A_2, %mul3A_1377 : i32
      %dma_wait3A_1379 = arith.constant 5 : i32
      %dma_wait3A_1380 = arith.constant 5 : i32
      %dma_wait3A_1381 = arith.constant 0 : i32
      %dma_wait3A_1382 = arith.constant 0 : i32
      %dma_wait3A_1383 = tpu.memref_slice %arg6[%dma_wait3A_1379, %dma_wait3A_1381, %dma_wait3A_1382] : memref<7x128x128xf32, #tpu.memory_space<vmem>> -> memref<1x128x128xf32, #tpu.memory_space<vmem>>
      %dma_wait3A_1384 = tpu.memref_squeeze %dma_wait3A_1383 : memref<1x128x128xf32, #tpu.memory_space<vmem>> -> memref<128x128xf32, #tpu.memory_space<vmem>>
      %dma_wait3A_1385 = arith.constant 0 : i32
      %dma_wait3A_1386 = tpu.memref_slice %arg4[%add3A_1378, %dma_wait3A_1385] : memref<204800x128xf32, #tpu.memory_space<hbm>> -> memref<128x128xf32, #tpu.memory_space<hbm>>
      %dma_wait3A_1387 = tpu.memref_slice %arg8[%dma_wait3A_1380] : memref<7x!tpu.dma_semaphore, #tpu.memory_space<semaphore_mem>> -> memref<1x!tpu.dma_semaphore, #tpu.memory_space<semaphore_mem>>
      %dma_wait3A_1388 = tpu.memref_squeeze %dma_wait3A_1387 : memref<1x!tpu.dma_semaphore, #tpu.memory_space<semaphore_mem>> -> memref<!tpu.dma_semaphore, #tpu.memory_space<semaphore_mem>>
      %dma_wait3A_1389 = arith.constant 0 : i32
      %dma_wait3A_1390 = tpu.memref_slice %arg4[%add3A_1378, %dma_wait3A_1389] : memref<204800x128xf32, #tpu.memory_space<hbm>> -> memref<128x128xf32, #tpu.memory_space<hbm>>
      %dma_wait3A_1391 = arith.constant 0 : i32
      %dma_wait3A_1392 = arith.constant 0 : i32
      %dma_wait3A_1393 = tpu.memref_slice %arg6[%dma_wait3A_1379, %dma_wait3A_1391, %dma_wait3A_1392] : memref<7x128x128xf32, #tpu.memory_space<vmem>> -> memref<1x128x128xf32, #tpu.memory_space<vmem>>
      %dma_wait3A_1394 = tpu.memref_squeeze %dma_wait3A_1393 : memref<1x128x128xf32, #tpu.memory_space<vmem>> -> memref<128x128xf32, #tpu.memory_space<vmem>>
      tpu.wait_dma2 semaphore(%dma_wait3A_1388 : memref<!tpu.dma_semaphore, #tpu.memory_space<semaphore_mem>>) src(%dma_wait3A_1394 : memref<128x128xf32, #tpu.memory_space<vmem>>) dst(%dma_wait3A_1390 : memref<128x128xf32, #tpu.memory_space<hbm>>)
      %add3A_1395 = arith.constant 6 : i32
      %add3A_1396 = arith.addi %add3A_1373, %add3A_1395 : i32
      %mul3A_1397 = arith.constant 128 : i32
      %mul3A_1398 = arith.muli %add3A_1396, %mul3A_1397 : i32
      %dma_start3A_1399 = arith.constant 5 : i32
      %dma_start3A_1400 = arith.constant 5 : i32
      %dma_start3A_1401 = arith.constant 0 : i32
      %dma_start3A_1402 = arith.constant 0 : i32
      %dma_start3A_1403 = tpu.memref_slice %arg6[%dma_start3A_1399, %dma_start3A_1401, %dma_start3A_1402] : memref<7x128x128xf32, #tpu.memory_space<vmem>> -> memref<1x128x128xf32, #tpu.memory_space<vmem>>
      %dma_start3A_1404 = tpu.memref_squeeze %dma_start3A_1403 : memref<1x128x128xf32, #tpu.memory_space<vmem>> -> memref<128x128xf32, #tpu.memory_space<vmem>>
      %dma_start3A_1405 = tpu.memref_slice %arg5[%mul3A_1398] : memref<6400xi32, #tpu.memory_space<vmem>> -> memref<128xi32, #tpu.memory_space<vmem>>
      %dma_start3A_1406 = arith.constant 0 : i32
      %dma_start3A_1407 = arith.constant 0 : i32
      %dma_start3A_1408 = tpu.memref_slice %arg3[%dma_start3A_1406, %dma_start3A_1407] : memref<100000x128xf32, #tpu.memory_space<hbm>> -> memref<100000x128xf32, #tpu.memory_space<hbm>>
      %dma_start3A_1409 = tpu.memref_slice %arg7[%dma_start3A_1400] : memref<7x!tpu.dma_semaphore, #tpu.memory_space<semaphore_mem>> -> memref<1x!tpu.dma_semaphore, #tpu.memory_space<semaphore_mem>>
      %dma_start3A_1410 = tpu.memref_squeeze %dma_start3A_1409 : memref<1x!tpu.dma_semaphore, #tpu.memory_space<semaphore_mem>> -> memref<!tpu.dma_semaphore, #tpu.memory_space<semaphore_mem>>
      tpu.enqueue_indirect_dma source(%dma_start3A_1408 : memref<100000x128xf32, #tpu.memory_space<hbm>>) target(%dma_start3A_1404 : memref<128x128xf32, #tpu.memory_space<vmem>>) offsets(%dma_start3A_1405 : memref<128xi32, #tpu.memory_space<vmem>>) semaphore(%dma_start3A_1410 : memref<!tpu.dma_semaphore, #tpu.memory_space<semaphore_mem>>)
      %mul3A_1411 = arith.constant 128 : i32
      %mul3A_1412 = arith.muli %add3A_1373, %mul3A_1411 : i32
      %dma_wait3A_1413 = arith.constant 6 : i32
      %dma_wait3A_1414 = arith.constant 6 : i32
      %dma_wait3A_1415 = arith.constant 0 : i32
      %dma_wait3A_1416 = arith.constant 0 : i32
      %dma_wait3A_1417 = tpu.memref_slice %arg6[%dma_wait3A_1413, %dma_wait3A_1415, %dma_wait3A_1416] : memref<7x128x128xf32, #tpu.memory_space<vmem>> -> memref<1x128x128xf32, #tpu.memory_space<vmem>>
      %dma_wait3A_1418 = tpu.memref_squeeze %dma_wait3A_1417 : memref<1x128x128xf32, #tpu.memory_space<vmem>> -> memref<128x128xf32, #tpu.memory_space<vmem>>
      %dma_wait3A_1419 = tpu.memref_slice %arg5[%mul3A_1412] : memref<6400xi32, #tpu.memory_space<vmem>> -> memref<128xi32, #tpu.memory_space<vmem>>
      %dma_wait3A_1420 = arith.constant 0 : i32
      %dma_wait3A_1421 = arith.constant 0 : i32
      %dma_wait3A_1422 = tpu.memref_slice %arg3[%dma_wait3A_1420, %dma_wait3A_1421] : memref<100000x128xf32, #tpu.memory_space<hbm>> -> memref<100000x128xf32, #tpu.memory_space<hbm>>
      %dma_wait3A_1423 = tpu.memref_slice %arg7[%dma_wait3A_1414] : memref<7x!tpu.dma_semaphore, #tpu.memory_space<semaphore_mem>> -> memref<1x!tpu.dma_semaphore, #tpu.memory_space<semaphore_mem>>
      %dma_wait3A_1424 = tpu.memref_squeeze %dma_wait3A_1423 : memref<1x!tpu.dma_semaphore, #tpu.memory_space<semaphore_mem>> -> memref<!tpu.dma_semaphore, #tpu.memory_space<semaphore_mem>>
      tpu.wait_indirect_dma semaphore(%dma_wait3A_1424 : memref<!tpu.dma_semaphore, #tpu.memory_space<semaphore_mem>>) src(%dma_wait3A_1422 : memref<100000x128xf32, #tpu.memory_space<hbm>>) dst(%dma_wait3A_1418 : memref<128x128xf32, #tpu.memory_space<vmem>>)
      %mul3A_1425 = arith.constant 128 : i32
      %mul3A_1426 = arith.muli %add3A_1373, %mul3A_1425 : i32
      %add3A_1427 = arith.addi %mul3A_2, %mul3A_1426 : i32
      %dma_start3A_1428 = arith.constant 6 : i32
      %dma_start3A_1429 = arith.constant 6 : i32
      %dma_start3A_1430 = arith.constant 0 : i32
      %dma_start3A_1431 = arith.constant 0 : i32
      %dma_start3A_1432 = tpu.memref_slice %arg6[%dma_start3A_1428, %dma_start3A_1430, %dma_start3A_1431] : memref<7x128x128xf32, #tpu.memory_space<vmem>> -> memref<1x128x128xf32, #tpu.memory_space<vmem>>
      %dma_start3A_1433 = tpu.memref_squeeze %dma_start3A_1432 : memref<1x128x128xf32, #tpu.memory_space<vmem>> -> memref<128x128xf32, #tpu.memory_space<vmem>>
      %dma_start3A_1434 = arith.constant 0 : i32
      %dma_start3A_1435 = tpu.memref_slice %arg4[%add3A_1427, %dma_start3A_1434] : memref<204800x128xf32, #tpu.memory_space<hbm>> -> memref<128x128xf32, #tpu.memory_space<hbm>>
      %dma_start3A_1436 = tpu.memref_slice %arg8[%dma_start3A_1429] : memref<7x!tpu.dma_semaphore, #tpu.memory_space<semaphore_mem>> -> memref<1x!tpu.dma_semaphore, #tpu.memory_space<semaphore_mem>>
      %dma_start3A_1437 = tpu.memref_squeeze %dma_start3A_1436 : memref<1x!tpu.dma_semaphore, #tpu.memory_space<semaphore_mem>> -> memref<!tpu.dma_semaphore, #tpu.memory_space<semaphore_mem>>
      %dma_start3A_1438 = arith.constant 0 : i32
      %dma_start3A_1439 = tpu.memref_slice %arg4[%add3A_1427, %dma_start3A_1438] : memref<204800x128xf32, #tpu.memory_space<hbm>> -> memref<128x128xf32, #tpu.memory_space<hbm>>
      %dma_start3A_1440 = arith.constant 0 : i32
      %dma_start3A_1441 = arith.constant 0 : i32
      %dma_start3A_1442 = tpu.memref_slice %arg6[%dma_start3A_1428, %dma_start3A_1440, %dma_start3A_1441] : memref<7x128x128xf32, #tpu.memory_space<vmem>> -> memref<1x128x128xf32, #tpu.memory_space<vmem>>
      %dma_start3A_1443 = tpu.memref_squeeze %dma_start3A_1442 : memref<1x128x128xf32, #tpu.memory_space<vmem>> -> memref<128x128xf32, #tpu.memory_space<vmem>>
      tpu.enqueue_dma source(%dma_start3A_1443 : memref<128x128xf32, #tpu.memory_space<vmem>>) target(%dma_start3A_1439 : memref<128x128xf32, #tpu.memory_space<hbm>>) target_semaphore(%dma_start3A_1437 : memref<!tpu.dma_semaphore, #tpu.memory_space<semaphore_mem>>)
    }
    %scan3A_499 = arith.constant 5 : i32
    %add3A_500 = arith.constant 5248 : i32
    %add3A_501 = arith.addi %mul3A_2, %add3A_500 : i32
    %dma_wait3A_502 = arith.constant 6 : i32
    %dma_wait3A_503 = arith.constant 6 : i32
    %dma_wait3A_504 = arith.constant 0 : i32
    %dma_wait3A_505 = arith.constant 0 : i32
    %dma_wait3A_506 = tpu.memref_slice %arg6[%dma_wait3A_502, %dma_wait3A_504, %dma_wait3A_505] : memref<7x128x128xf32, #tpu.memory_space<vmem>> -> memref<1x128x128xf32, #tpu.memory_space<vmem>>
    %dma_wait3A_507 = tpu.memref_squeeze %dma_wait3A_506 : memref<1x128x128xf32, #tpu.memory_space<vmem>> -> memref<128x128xf32, #tpu.memory_space<vmem>>
    %dma_wait3A_508 = arith.constant 0 : i32
    %dma_wait3A_509 = tpu.memref_slice %arg4[%add3A_501, %dma_wait3A_508] : memref<204800x128xf32, #tpu.memory_space<hbm>> -> memref<128x128xf32, #tpu.memory_space<hbm>>
    %dma_wait3A_510 = tpu.memref_slice %arg8[%dma_wait3A_503] : memref<7x!tpu.dma_semaphore, #tpu.memory_space<semaphore_mem>> -> memref<1x!tpu.dma_semaphore, #tpu.memory_space<semaphore_mem>>
    %dma_wait3A_511 = tpu.memref_squeeze %dma_wait3A_510 : memref<1x!tpu.dma_semaphore, #tpu.memory_space<semaphore_mem>> -> memref<!tpu.dma_semaphore, #tpu.memory_space<semaphore_mem>>
    %dma_wait3A_512 = arith.constant 0 : i32
    %dma_wait3A_513 = tpu.memref_slice %arg4[%add3A_501, %dma_wait3A_512] : memref<204800x128xf32, #tpu.memory_space<hbm>> -> memref<128x128xf32, #tpu.memory_space<hbm>>
    %dma_wait3A_514 = arith.constant 0 : i32
    %dma_wait3A_515 = arith.constant 0 : i32
    %dma_wait3A_516 = tpu.memref_slice %arg6[%dma_wait3A_502, %dma_wait3A_514, %dma_wait3A_515] : memref<7x128x128xf32, #tpu.memory_space<vmem>> -> memref<1x128x128xf32, #tpu.memory_space<vmem>>
    %dma_wait3A_517 = tpu.memref_squeeze %dma_wait3A_516 : memref<1x128x128xf32, #tpu.memory_space<vmem>> -> memref<128x128xf32, #tpu.memory_space<vmem>>
    tpu.wait_dma2 semaphore(%dma_wait3A_511 : memref<!tpu.dma_semaphore, #tpu.memory_space<semaphore_mem>>) src(%dma_wait3A_517 : memref<128x128xf32, #tpu.memory_space<vmem>>) dst(%dma_wait3A_513 : memref<128x128xf32, #tpu.memory_space<hbm>>)
    %dma_start3A_518 = arith.constant 6 : i32
    %dma_start3A_519 = arith.constant 6 : i32
    %dma_start3A_520 = arith.constant 0 : i32
    %dma_start3A_521 = arith.constant 0 : i32
    %dma_start3A_522 = tpu.memref_slice %arg6[%dma_start3A_518, %dma_start3A_520, %dma_start3A_521] : memref<7x128x128xf32, #tpu.memory_space<vmem>> -> memref<1x128x128xf32, #tpu.memory_space<vmem>>
    %dma_start3A_523 = tpu.memref_squeeze %dma_start3A_522 : memref<1x128x128xf32, #tpu.memory_space<vmem>> -> memref<128x128xf32, #tpu.memory_space<vmem>>
    %dma_start3A_524 = arith.constant 6144 : i32
    %dma_start3A_525 = tpu.memref_slice %arg5[%dma_start3A_524] : memref<6400xi32, #tpu.memory_space<vmem>> -> memref<128xi32, #tpu.memory_space<vmem>>
    %dma_start3A_526 = arith.constant 0 : i32
    %dma_start3A_527 = arith.constant 0 : i32
    %dma_start3A_528 = tpu.memref_slice %arg3[%dma_start3A_526, %dma_start3A_527] : memref<100000x128xf32, #tpu.memory_space<hbm>> -> memref<100000x128xf32, #tpu.memory_space<hbm>>
    %dma_start3A_529 = tpu.memref_slice %arg7[%dma_start3A_519] : memref<7x!tpu.dma_semaphore, #tpu.memory_space<semaphore_mem>> -> memref<1x!tpu.dma_semaphore, #tpu.memory_space<semaphore_mem>>
    %dma_start3A_530 = tpu.memref_squeeze %dma_start3A_529 : memref<1x!tpu.dma_semaphore, #tpu.memory_space<semaphore_mem>> -> memref<!tpu.dma_semaphore, #tpu.memory_space<semaphore_mem>>
    tpu.enqueue_indirect_dma source(%dma_start3A_528 : memref<100000x128xf32, #tpu.memory_space<hbm>>) target(%dma_start3A_523 : memref<128x128xf32, #tpu.memory_space<vmem>>) offsets(%dma_start3A_525 : memref<128xi32, #tpu.memory_space<vmem>>) semaphore(%dma_start3A_530 : memref<!tpu.dma_semaphore, #tpu.memory_space<semaphore_mem>>)
    %dma_wait3A_531 = arith.constant 0 : i32
    %dma_wait3A_532 = arith.constant 0 : i32
    %dma_wait3A_533 = arith.constant 0 : i32
    %dma_wait3A_534 = arith.constant 0 : i32
    %dma_wait3A_535 = tpu.memref_slice %arg6[%dma_wait3A_531, %dma_wait3A_533, %dma_wait3A_534] : memref<7x128x128xf32, #tpu.memory_space<vmem>> -> memref<1x128x128xf32, #tpu.memory_space<vmem>>
    %dma_wait3A_536 = tpu.memref_squeeze %dma_wait3A_535 : memref<1x128x128xf32, #tpu.memory_space<vmem>> -> memref<128x128xf32, #tpu.memory_space<vmem>>
    %dma_wait3A_537 = arith.constant 5376 : i32
    %dma_wait3A_538 = tpu.memref_slice %arg5[%dma_wait3A_537] : memref<6400xi32, #tpu.memory_space<vmem>> -> memref<128xi32, #tpu.memory_space<vmem>>
    %dma_wait3A_539 = arith.constant 0 : i32
    %dma_wait3A_540 = arith.constant 0 : i32
    %dma_wait3A_541 = tpu.memref_slice %arg3[%dma_wait3A_539, %dma_wait3A_540] : memref<100000x128xf32, #tpu.memory_space<hbm>> -> memref<100000x128xf32, #tpu.memory_space<hbm>>
    %dma_wait3A_542 = tpu.memref_slice %arg7[%dma_wait3A_532] : memref<7x!tpu.dma_semaphore, #tpu.memory_space<semaphore_mem>> -> memref<1x!tpu.dma_semaphore, #tpu.memory_space<semaphore_mem>>
    %dma_wait3A_543 = tpu.memref_squeeze %dma_wait3A_542 : memref<1x!tpu.dma_semaphore, #tpu.memory_space<semaphore_mem>> -> memref<!tpu.dma_semaphore, #tpu.memory_space<semaphore_mem>>
    tpu.wait_indirect_dma semaphore(%dma_wait3A_543 : memref<!tpu.dma_semaphore, #tpu.memory_space<semaphore_mem>>) src(%dma_wait3A_541 : memref<100000x128xf32, #tpu.memory_space<hbm>>) dst(%dma_wait3A_536 : memref<128x128xf32, #tpu.memory_space<vmem>>)
    %add3A_544 = arith.constant 5376 : i32
    %add3A_545 = arith.addi %mul3A_2, %add3A_544 : i32
    %dma_start3A_546 = arith.constant 0 : i32
    %dma_start3A_547 = arith.constant 0 : i32
    %dma_start3A_548 = arith.constant 0 : i32
    %dma_start3A_549 = arith.constant 0 : i32
    %dma_start3A_550 = tpu.memref_slice %arg6[%dma_start3A_546, %dma_start3A_548, %dma_start3A_549] : memref<7x128x128xf32, #tpu.memory_space<vmem>> -> memref<1x128x128xf32, #tpu.memory_space<vmem>>
    %dma_start3A_551 = tpu.memref_squeeze %dma_start3A_550 : memref<1x128x128xf32, #tpu.memory_space<vmem>> -> memref<128x128xf32, #tpu.memory_space<vmem>>
    %dma_start3A_552 = arith.constant 0 : i32
    %dma_start3A_553 = tpu.memref_slice %arg4[%add3A_545, %dma_start3A_552] : memref<204800x128xf32, #tpu.memory_space<hbm>> -> memref<128x128xf32, #tpu.memory_space<hbm>>
    %dma_start3A_554 = tpu.memref_slice %arg8[%dma_start3A_547] : memref<7x!tpu.dma_semaphore, #tpu.memory_space<semaphore_mem>> -> memref<1x!tpu.dma_semaphore, #tpu.memory_space<semaphore_mem>>
    %dma_start3A_555 = tpu.memref_squeeze %dma_start3A_554 : memref<1x!tpu.dma_semaphore, #tpu.memory_space<semaphore_mem>> -> memref<!tpu.dma_semaphore, #tpu.memory_space<semaphore_mem>>
    %dma_start3A_556 = arith.constant 0 : i32
    %dma_start3A_557 = tpu.memref_slice %arg4[%add3A_545, %dma_start3A_556] : memref<204800x128xf32, #tpu.memory_space<hbm>> -> memref<128x128xf32, #tpu.memory_space<hbm>>
    %dma_start3A_558 = arith.constant 0 : i32
    %dma_start3A_559 = arith.constant 0 : i32
    %dma_start3A_560 = tpu.memref_slice %arg6[%dma_start3A_546, %dma_start3A_558, %dma_start3A_559] : memref<7x128x128xf32, #tpu.memory_space<vmem>> -> memref<1x128x128xf32, #tpu.memory_space<vmem>>
    %dma_start3A_561 = tpu.memref_squeeze %dma_start3A_560 : memref<1x128x128xf32, #tpu.memory_space<vmem>> -> memref<128x128xf32, #tpu.memory_space<vmem>>
    tpu.enqueue_dma source(%dma_start3A_561 : memref<128x128xf32, #tpu.memory_space<vmem>>) target(%dma_start3A_557 : memref<128x128xf32, #tpu.memory_space<hbm>>) target_semaphore(%dma_start3A_555 : memref<!tpu.dma_semaphore, #tpu.memory_space<semaphore_mem>>)
    %add3A_562 = arith.constant 5376 : i32
    %add3A_563 = arith.addi %mul3A_2, %add3A_562 : i32
    %dma_wait3A_564 = arith.constant 0 : i32
    %dma_wait3A_565 = arith.constant 0 : i32
    %dma_wait3A_566 = arith.constant 0 : i32
    %dma_wait3A_567 = arith.constant 0 : i32
    %dma_wait3A_568 = tpu.memref_slice %arg6[%dma_wait3A_564, %dma_wait3A_566, %dma_wait3A_567] : memref<7x128x128xf32, #tpu.memory_space<vmem>> -> memref<1x128x128xf32, #tpu.memory_space<vmem>>
    %dma_wait3A_569 = tpu.memref_squeeze %dma_wait3A_568 : memref<1x128x128xf32, #tpu.memory_space<vmem>> -> memref<128x128xf32, #tpu.memory_space<vmem>>
    %dma_wait3A_570 = arith.constant 0 : i32
    %dma_wait3A_571 = tpu.memref_slice %arg4[%add3A_563, %dma_wait3A_570] : memref<204800x128xf32, #tpu.memory_space<hbm>> -> memref<128x128xf32, #tpu.memory_space<hbm>>
    %dma_wait3A_572 = tpu.memref_slice %arg8[%dma_wait3A_565] : memref<7x!tpu.dma_semaphore, #tpu.memory_space<semaphore_mem>> -> memref<1x!tpu.dma_semaphore, #tpu.memory_space<semaphore_mem>>
    %dma_wait3A_573 = tpu.memref_squeeze %dma_wait3A_572 : memref<1x!tpu.dma_semaphore, #tpu.memory_space<semaphore_mem>> -> memref<!tpu.dma_semaphore, #tpu.memory_space<semaphore_mem>>
    %dma_wait3A_574 = arith.constant 0 : i32
    %dma_wait3A_575 = tpu.memref_slice %arg4[%add3A_563, %dma_wait3A_574] : memref<204800x128xf32, #tpu.memory_space<hbm>> -> memref<128x128xf32, #tpu.memory_space<hbm>>
    %dma_wait3A_576 = arith.constant 0 : i32
    %dma_wait3A_577 = arith.constant 0 : i32
    %dma_wait3A_578 = tpu.memref_slice %arg6[%dma_wait3A_564, %dma_wait3A_576, %dma_wait3A_577] : memref<7x128x128xf32, #tpu.memory_space<vmem>> -> memref<1x128x128xf32, #tpu.memory_space<vmem>>
    %dma_wait3A_579 = tpu.memref_squeeze %dma_wait3A_578 : memref<1x128x128xf32, #tpu.memory_space<vmem>> -> memref<128x128xf32, #tpu.memory_space<vmem>>
    tpu.wait_dma2 semaphore(%dma_wait3A_573 : memref<!tpu.dma_semaphore, #tpu.memory_space<semaphore_mem>>) src(%dma_wait3A_579 : memref<128x128xf32, #tpu.memory_space<vmem>>) dst(%dma_wait3A_575 : memref<128x128xf32, #tpu.memory_space<hbm>>)
    %dma_start3A_580 = arith.constant 0 : i32
    %dma_start3A_581 = arith.constant 0 : i32
    %dma_start3A_582 = arith.constant 0 : i32
    %dma_start3A_583 = arith.constant 0 : i32
    %dma_start3A_584 = tpu.memref_slice %arg6[%dma_start3A_580, %dma_start3A_582, %dma_start3A_583] : memref<7x128x128xf32, #tpu.memory_space<vmem>> -> memref<1x128x128xf32, #tpu.memory_space<vmem>>
    %dma_start3A_585 = tpu.memref_squeeze %dma_start3A_584 : memref<1x128x128xf32, #tpu.memory_space<vmem>> -> memref<128x128xf32, #tpu.memory_space<vmem>>
    %dma_start3A_586 = arith.constant 6272 : i32
    %dma_start3A_587 = tpu.memref_slice %arg5[%dma_start3A_586] : memref<6400xi32, #tpu.memory_space<vmem>> -> memref<128xi32, #tpu.memory_space<vmem>>
    %dma_start3A_588 = arith.constant 0 : i32
    %dma_start3A_589 = arith.constant 0 : i32
    %dma_start3A_590 = tpu.memref_slice %arg3[%dma_start3A_588, %dma_start3A_589] : memref<100000x128xf32, #tpu.memory_space<hbm>> -> memref<100000x128xf32, #tpu.memory_space<hbm>>
    %dma_start3A_591 = tpu.memref_slice %arg7[%dma_start3A_581] : memref<7x!tpu.dma_semaphore, #tpu.memory_space<semaphore_mem>> -> memref<1x!tpu.dma_semaphore, #tpu.memory_space<semaphore_mem>>
    %dma_start3A_592 = tpu.memref_squeeze %dma_start3A_591 : memref<1x!tpu.dma_semaphore, #tpu.memory_space<semaphore_mem>> -> memref<!tpu.dma_semaphore, #tpu.memory_space<semaphore_mem>>
    tpu.enqueue_indirect_dma source(%dma_start3A_590 : memref<100000x128xf32, #tpu.memory_space<hbm>>) target(%dma_start3A_585 : memref<128x128xf32, #tpu.memory_space<vmem>>) offsets(%dma_start3A_587 : memref<128xi32, #tpu.memory_space<vmem>>) semaphore(%dma_start3A_592 : memref<!tpu.dma_semaphore, #tpu.memory_space<semaphore_mem>>)
    %dma_wait3A_593 = arith.constant 1 : i32
    %dma_wait3A_594 = arith.constant 1 : i32
    %dma_wait3A_595 = arith.constant 0 : i32
    %dma_wait3A_596 = arith.constant 0 : i32
    %dma_wait3A_597 = tpu.memref_slice %arg6[%dma_wait3A_593, %dma_wait3A_595, %dma_wait3A_596] : memref<7x128x128xf32, #tpu.memory_space<vmem>> -> memref<1x128x128xf32, #tpu.memory_space<vmem>>
    %dma_wait3A_598 = tpu.memref_squeeze %dma_wait3A_597 : memref<1x128x128xf32, #tpu.memory_space<vmem>> -> memref<128x128xf32, #tpu.memory_space<vmem>>
    %dma_wait3A_599 = arith.constant 5504 : i32
    %dma_wait3A_600 = tpu.memref_slice %arg5[%dma_wait3A_599] : memref<6400xi32, #tpu.memory_space<vmem>> -> memref<128xi32, #tpu.memory_space<vmem>>
    %dma_wait3A_601 = arith.constant 0 : i32
    %dma_wait3A_602 = arith.constant 0 : i32
    %dma_wait3A_603 = tpu.memref_slice %arg3[%dma_wait3A_601, %dma_wait3A_602] : memref<100000x128xf32, #tpu.memory_space<hbm>> -> memref<100000x128xf32, #tpu.memory_space<hbm>>
    %dma_wait3A_604 = tpu.memref_slice %arg7[%dma_wait3A_594] : memref<7x!tpu.dma_semaphore, #tpu.memory_space<semaphore_mem>> -> memref<1x!tpu.dma_semaphore, #tpu.memory_space<semaphore_mem>>
    %dma_wait3A_605 = tpu.memref_squeeze %dma_wait3A_604 : memref<1x!tpu.dma_semaphore, #tpu.memory_space<semaphore_mem>> -> memref<!tpu.dma_semaphore, #tpu.memory_space<semaphore_mem>>
    tpu.wait_indirect_dma semaphore(%dma_wait3A_605 : memref<!tpu.dma_semaphore, #tpu.memory_space<semaphore_mem>>) src(%dma_wait3A_603 : memref<100000x128xf32, #tpu.memory_space<hbm>>) dst(%dma_wait3A_598 : memref<128x128xf32, #tpu.memory_space<vmem>>)
    %add3A_606 = arith.constant 5504 : i32
    %add3A_607 = arith.addi %mul3A_2, %add3A_606 : i32
    %dma_start3A_608 = arith.constant 1 : i32
    %dma_start3A_609 = arith.constant 1 : i32
    %dma_start3A_610 = arith.constant 0 : i32
    %dma_start3A_611 = arith.constant 0 : i32
    %dma_start3A_612 = tpu.memref_slice %arg6[%dma_start3A_608, %dma_start3A_610, %dma_start3A_611] : memref<7x128x128xf32, #tpu.memory_space<vmem>> -> memref<1x128x128xf32, #tpu.memory_space<vmem>>
    %dma_start3A_613 = tpu.memref_squeeze %dma_start3A_612 : memref<1x128x128xf32, #tpu.memory_space<vmem>> -> memref<128x128xf32, #tpu.memory_space<vmem>>
    %dma_start3A_614 = arith.constant 0 : i32
    %dma_start3A_615 = tpu.memref_slice %arg4[%add3A_607, %dma_start3A_614] : memref<204800x128xf32, #tpu.memory_space<hbm>> -> memref<128x128xf32, #tpu.memory_space<hbm>>
    %dma_start3A_616 = tpu.memref_slice %arg8[%dma_start3A_609] : memref<7x!tpu.dma_semaphore, #tpu.memory_space<semaphore_mem>> -> memref<1x!tpu.dma_semaphore, #tpu.memory_space<semaphore_mem>>
    %dma_start3A_617 = tpu.memref_squeeze %dma_start3A_616 : memref<1x!tpu.dma_semaphore, #tpu.memory_space<semaphore_mem>> -> memref<!tpu.dma_semaphore, #tpu.memory_space<semaphore_mem>>
    %dma_start3A_618 = arith.constant 0 : i32
    %dma_start3A_619 = tpu.memref_slice %arg4[%add3A_607, %dma_start3A_618] : memref<204800x128xf32, #tpu.memory_space<hbm>> -> memref<128x128xf32, #tpu.memory_space<hbm>>
    %dma_start3A_620 = arith.constant 0 : i32
    %dma_start3A_621 = arith.constant 0 : i32
    %dma_start3A_622 = tpu.memref_slice %arg6[%dma_start3A_608, %dma_start3A_620, %dma_start3A_621] : memref<7x128x128xf32, #tpu.memory_space<vmem>> -> memref<1x128x128xf32, #tpu.memory_space<vmem>>
    %dma_start3A_623 = tpu.memref_squeeze %dma_start3A_622 : memref<1x128x128xf32, #tpu.memory_space<vmem>> -> memref<128x128xf32, #tpu.memory_space<vmem>>
    tpu.enqueue_dma source(%dma_start3A_623 : memref<128x128xf32, #tpu.memory_space<vmem>>) target(%dma_start3A_619 : memref<128x128xf32, #tpu.memory_space<hbm>>) target_semaphore(%dma_start3A_617 : memref<!tpu.dma_semaphore, #tpu.memory_space<semaphore_mem>>)
    %dma_wait3A_624 = arith.constant 2 : i32
    %dma_wait3A_625 = arith.constant 2 : i32
    %dma_wait3A_626 = arith.constant 0 : i32
    %dma_wait3A_627 = arith.constant 0 : i32
    %dma_wait3A_628 = tpu.memref_slice %arg6[%dma_wait3A_624, %dma_wait3A_626, %dma_wait3A_627] : memref<7x128x128xf32, #tpu.memory_space<vmem>> -> memref<1x128x128xf32, #tpu.memory_space<vmem>>
    %dma_wait3A_629 = tpu.memref_squeeze %dma_wait3A_628 : memref<1x128x128xf32, #tpu.memory_space<vmem>> -> memref<128x128xf32, #tpu.memory_space<vmem>>
    %dma_wait3A_630 = arith.constant 5632 : i32
    %dma_wait3A_631 = tpu.memref_slice %arg5[%dma_wait3A_630] : memref<6400xi32, #tpu.memory_space<vmem>> -> memref<128xi32, #tpu.memory_space<vmem>>
    %dma_wait3A_632 = arith.constant 0 : i32
    %dma_wait3A_633 = arith.constant 0 : i32
    %dma_wait3A_634 = tpu.memref_slice %arg3[%dma_wait3A_632, %dma_wait3A_633] : memref<100000x128xf32, #tpu.memory_space<hbm>> -> memref<100000x128xf32, #tpu.memory_space<hbm>>
    %dma_wait3A_635 = tpu.memref_slice %arg7[%dma_wait3A_625] : memref<7x!tpu.dma_semaphore, #tpu.memory_space<semaphore_mem>> -> memref<1x!tpu.dma_semaphore, #tpu.memory_space<semaphore_mem>>
    %dma_wait3A_636 = tpu.memref_squeeze %dma_wait3A_635 : memref<1x!tpu.dma_semaphore, #tpu.memory_space<semaphore_mem>> -> memref<!tpu.dma_semaphore, #tpu.memory_space<semaphore_mem>>
    tpu.wait_indirect_dma semaphore(%dma_wait3A_636 : memref<!tpu.dma_semaphore, #tpu.memory_space<semaphore_mem>>) src(%dma_wait3A_634 : memref<100000x128xf32, #tpu.memory_space<hbm>>) dst(%dma_wait3A_629 : memref<128x128xf32, #tpu.memory_space<vmem>>)
    %add3A_637 = arith.constant 5632 : i32
    %add3A_638 = arith.addi %mul3A_2, %add3A_637 : i32
    %dma_start3A_639 = arith.constant 2 : i32
    %dma_start3A_640 = arith.constant 2 : i32
    %dma_start3A_641 = arith.constant 0 : i32
    %dma_start3A_642 = arith.constant 0 : i32
    %dma_start3A_643 = tpu.memref_slice %arg6[%dma_start3A_639, %dma_start3A_641, %dma_start3A_642] : memref<7x128x128xf32, #tpu.memory_space<vmem>> -> memref<1x128x128xf32, #tpu.memory_space<vmem>>
    %dma_start3A_644 = tpu.memref_squeeze %dma_start3A_643 : memref<1x128x128xf32, #tpu.memory_space<vmem>> -> memref<128x128xf32, #tpu.memory_space<vmem>>
    %dma_start3A_645 = arith.constant 0 : i32
    %dma_start3A_646 = tpu.memref_slice %arg4[%add3A_638, %dma_start3A_645] : memref<204800x128xf32, #tpu.memory_space<hbm>> -> memref<128x128xf32, #tpu.memory_space<hbm>>
    %dma_start3A_647 = tpu.memref_slice %arg8[%dma_start3A_640] : memref<7x!tpu.dma_semaphore, #tpu.memory_space<semaphore_mem>> -> memref<1x!tpu.dma_semaphore, #tpu.memory_space<semaphore_mem>>
    %dma_start3A_648 = tpu.memref_squeeze %dma_start3A_647 : memref<1x!tpu.dma_semaphore, #tpu.memory_space<semaphore_mem>> -> memref<!tpu.dma_semaphore, #tpu.memory_space<semaphore_mem>>
    %dma_start3A_649 = arith.constant 0 : i32
    %dma_start3A_650 = tpu.memref_slice %arg4[%add3A_638, %dma_start3A_649] : memref<204800x128xf32, #tpu.memory_space<hbm>> -> memref<128x128xf32, #tpu.memory_space<hbm>>
    %dma_start3A_651 = arith.constant 0 : i32
    %dma_start3A_652 = arith.constant 0 : i32
    %dma_start3A_653 = tpu.memref_slice %arg6[%dma_start3A_639, %dma_start3A_651, %dma_start3A_652] : memref<7x128x128xf32, #tpu.memory_space<vmem>> -> memref<1x128x128xf32, #tpu.memory_space<vmem>>
    %dma_start3A_654 = tpu.memref_squeeze %dma_start3A_653 : memref<1x128x128xf32, #tpu.memory_space<vmem>> -> memref<128x128xf32, #tpu.memory_space<vmem>>
    tpu.enqueue_dma source(%dma_start3A_654 : memref<128x128xf32, #tpu.memory_space<vmem>>) target(%dma_start3A_650 : memref<128x128xf32, #tpu.memory_space<hbm>>) target_semaphore(%dma_start3A_648 : memref<!tpu.dma_semaphore, #tpu.memory_space<semaphore_mem>>)
    %dma_wait3A_655 = arith.constant 3 : i32
    %dma_wait3A_656 = arith.constant 3 : i32
    %dma_wait3A_657 = arith.constant 0 : i32
    %dma_wait3A_658 = arith.constant 0 : i32
    %dma_wait3A_659 = tpu.memref_slice %arg6[%dma_wait3A_655, %dma_wait3A_657, %dma_wait3A_658] : memref<7x128x128xf32, #tpu.memory_space<vmem>> -> memref<1x128x128xf32, #tpu.memory_space<vmem>>
    %dma_wait3A_660 = tpu.memref_squeeze %dma_wait3A_659 : memref<1x128x128xf32, #tpu.memory_space<vmem>> -> memref<128x128xf32, #tpu.memory_space<vmem>>
    %dma_wait3A_661 = arith.constant 5760 : i32
    %dma_wait3A_662 = tpu.memref_slice %arg5[%dma_wait3A_661] : memref<6400xi32, #tpu.memory_space<vmem>> -> memref<128xi32, #tpu.memory_space<vmem>>
    %dma_wait3A_663 = arith.constant 0 : i32
    %dma_wait3A_664 = arith.constant 0 : i32
    %dma_wait3A_665 = tpu.memref_slice %arg3[%dma_wait3A_663, %dma_wait3A_664] : memref<100000x128xf32, #tpu.memory_space<hbm>> -> memref<100000x128xf32, #tpu.memory_space<hbm>>
    %dma_wait3A_666 = tpu.memref_slice %arg7[%dma_wait3A_656] : memref<7x!tpu.dma_semaphore, #tpu.memory_space<semaphore_mem>> -> memref<1x!tpu.dma_semaphore, #tpu.memory_space<semaphore_mem>>
    %dma_wait3A_667 = tpu.memref_squeeze %dma_wait3A_666 : memref<1x!tpu.dma_semaphore, #tpu.memory_space<semaphore_mem>> -> memref<!tpu.dma_semaphore, #tpu.memory_space<semaphore_mem>>
    tpu.wait_indirect_dma semaphore(%dma_wait3A_667 : memref<!tpu.dma_semaphore, #tpu.memory_space<semaphore_mem>>) src(%dma_wait3A_665 : memref<100000x128xf32, #tpu.memory_space<hbm>>) dst(%dma_wait3A_660 : memref<128x128xf32, #tpu.memory_space<vmem>>)
    %add3A_668 = arith.constant 5760 : i32
    %add3A_669 = arith.addi %mul3A_2, %add3A_668 : i32
    %dma_start3A_670 = arith.constant 3 : i32
    %dma_start3A_671 = arith.constant 3 : i32
    %dma_start3A_672 = arith.constant 0 : i32
    %dma_start3A_673 = arith.constant 0 : i32
    %dma_start3A_674 = tpu.memref_slice %arg6[%dma_start3A_670, %dma_start3A_672, %dma_start3A_673] : memref<7x128x128xf32, #tpu.memory_space<vmem>> -> memref<1x128x128xf32, #tpu.memory_space<vmem>>
    %dma_start3A_675 = tpu.memref_squeeze %dma_start3A_674 : memref<1x128x128xf32, #tpu.memory_space<vmem>> -> memref<128x128xf32, #tpu.memory_space<vmem>>
    %dma_start3A_676 = arith.constant 0 : i32
    %dma_start3A_677 = tpu.memref_slice %arg4[%add3A_669, %dma_start3A_676] : memref<204800x128xf32, #tpu.memory_space<hbm>> -> memref<128x128xf32, #tpu.memory_space<hbm>>
    %dma_start3A_678 = tpu.memref_slice %arg8[%dma_start3A_671] : memref<7x!tpu.dma_semaphore, #tpu.memory_space<semaphore_mem>> -> memref<1x!tpu.dma_semaphore, #tpu.memory_space<semaphore_mem>>
    %dma_start3A_679 = tpu.memref_squeeze %dma_start3A_678 : memref<1x!tpu.dma_semaphore, #tpu.memory_space<semaphore_mem>> -> memref<!tpu.dma_semaphore, #tpu.memory_space<semaphore_mem>>
    %dma_start3A_680 = arith.constant 0 : i32
    %dma_start3A_681 = tpu.memref_slice %arg4[%add3A_669, %dma_start3A_680] : memref<204800x128xf32, #tpu.memory_space<hbm>> -> memref<128x128xf32, #tpu.memory_space<hbm>>
    %dma_start3A_682 = arith.constant 0 : i32
    %dma_start3A_683 = arith.constant 0 : i32
    %dma_start3A_684 = tpu.memref_slice %arg6[%dma_start3A_670, %dma_start3A_682, %dma_start3A_683] : memref<7x128x128xf32, #tpu.memory_space<vmem>> -> memref<1x128x128xf32, #tpu.memory_space<vmem>>
    %dma_start3A_685 = tpu.memref_squeeze %dma_start3A_684 : memref<1x128x128xf32, #tpu.memory_space<vmem>> -> memref<128x128xf32, #tpu.memory_space<vmem>>
    tpu.enqueue_dma source(%dma_start3A_685 : memref<128x128xf32, #tpu.memory_space<vmem>>) target(%dma_start3A_681 : memref<128x128xf32, #tpu.memory_space<hbm>>) target_semaphore(%dma_start3A_679 : memref<!tpu.dma_semaphore, #tpu.memory_space<semaphore_mem>>)
    %dma_wait3A_686 = arith.constant 4 : i32
    %dma_wait3A_687 = arith.constant 4 : i32
    %dma_wait3A_688 = arith.constant 0 : i32
    %dma_wait3A_689 = arith.constant 0 : i32
    %dma_wait3A_690 = tpu.memref_slice %arg6[%dma_wait3A_686, %dma_wait3A_688, %dma_wait3A_689] : memref<7x128x128xf32, #tpu.memory_space<vmem>> -> memref<1x128x128xf32, #tpu.memory_space<vmem>>
    %dma_wait3A_691 = tpu.memref_squeeze %dma_wait3A_690 : memref<1x128x128xf32, #tpu.memory_space<vmem>> -> memref<128x128xf32, #tpu.memory_space<vmem>>
    %dma_wait3A_692 = arith.constant 5888 : i32
    %dma_wait3A_693 = tpu.memref_slice %arg5[%dma_wait3A_692] : memref<6400xi32, #tpu.memory_space<vmem>> -> memref<128xi32, #tpu.memory_space<vmem>>
    %dma_wait3A_694 = arith.constant 0 : i32
    %dma_wait3A_695 = arith.constant 0 : i32
    %dma_wait3A_696 = tpu.memref_slice %arg3[%dma_wait3A_694, %dma_wait3A_695] : memref<100000x128xf32, #tpu.memory_space<hbm>> -> memref<100000x128xf32, #tpu.memory_space<hbm>>
    %dma_wait3A_697 = tpu.memref_slice %arg7[%dma_wait3A_687] : memref<7x!tpu.dma_semaphore, #tpu.memory_space<semaphore_mem>> -> memref<1x!tpu.dma_semaphore, #tpu.memory_space<semaphore_mem>>
    %dma_wait3A_698 = tpu.memref_squeeze %dma_wait3A_697 : memref<1x!tpu.dma_semaphore, #tpu.memory_space<semaphore_mem>> -> memref<!tpu.dma_semaphore, #tpu.memory_space<semaphore_mem>>
    tpu.wait_indirect_dma semaphore(%dma_wait3A_698 : memref<!tpu.dma_semaphore, #tpu.memory_space<semaphore_mem>>) src(%dma_wait3A_696 : memref<100000x128xf32, #tpu.memory_space<hbm>>) dst(%dma_wait3A_691 : memref<128x128xf32, #tpu.memory_space<vmem>>)
    %add3A_699 = arith.constant 5888 : i32
    %add3A_700 = arith.addi %mul3A_2, %add3A_699 : i32
    %dma_start3A_701 = arith.constant 4 : i32
    %dma_start3A_702 = arith.constant 4 : i32
    %dma_start3A_703 = arith.constant 0 : i32
    %dma_start3A_704 = arith.constant 0 : i32
    %dma_start3A_705 = tpu.memref_slice %arg6[%dma_start3A_701, %dma_start3A_703, %dma_start3A_704] : memref<7x128x128xf32, #tpu.memory_space<vmem>> -> memref<1x128x128xf32, #tpu.memory_space<vmem>>
    %dma_start3A_706 = tpu.memref_squeeze %dma_start3A_705 : memref<1x128x128xf32, #tpu.memory_space<vmem>> -> memref<128x128xf32, #tpu.memory_space<vmem>>
    %dma_start3A_707 = arith.constant 0 : i32
    %dma_start3A_708 = tpu.memref_slice %arg4[%add3A_700, %dma_start3A_707] : memref<204800x128xf32, #tpu.memory_space<hbm>> -> memref<128x128xf32, #tpu.memory_space<hbm>>
    %dma_start3A_709 = tpu.memref_slice %arg8[%dma_start3A_702] : memref<7x!tpu.dma_semaphore, #tpu.memory_space<semaphore_mem>> -> memref<1x!tpu.dma_semaphore, #tpu.memory_space<semaphore_mem>>
    %dma_start3A_710 = tpu.memref_squeeze %dma_start3A_709 : memref<1x!tpu.dma_semaphore, #tpu.memory_space<semaphore_mem>> -> memref<!tpu.dma_semaphore, #tpu.memory_space<semaphore_mem>>
    %dma_start3A_711 = arith.constant 0 : i32
    %dma_start3A_712 = tpu.memref_slice %arg4[%add3A_700, %dma_start3A_711] : memref<204800x128xf32, #tpu.memory_space<hbm>> -> memref<128x128xf32, #tpu.memory_space<hbm>>
    %dma_start3A_713 = arith.constant 0 : i32
    %dma_start3A_714 = arith.constant 0 : i32
    %dma_start3A_715 = tpu.memref_slice %arg6[%dma_start3A_701, %dma_start3A_713, %dma_start3A_714] : memref<7x128x128xf32, #tpu.memory_space<vmem>> -> memref<1x128x128xf32, #tpu.memory_space<vmem>>
    %dma_start3A_716 = tpu.memref_squeeze %dma_start3A_715 : memref<1x128x128xf32, #tpu.memory_space<vmem>> -> memref<128x128xf32, #tpu.memory_space<vmem>>
    tpu.enqueue_dma source(%dma_start3A_716 : memref<128x128xf32, #tpu.memory_space<vmem>>) target(%dma_start3A_712 : memref<128x128xf32, #tpu.memory_space<hbm>>) target_semaphore(%dma_start3A_710 : memref<!tpu.dma_semaphore, #tpu.memory_space<semaphore_mem>>)
    %dma_wait3A_717 = arith.constant 5 : i32
    %dma_wait3A_718 = arith.constant 5 : i32
    %dma_wait3A_719 = arith.constant 0 : i32
    %dma_wait3A_720 = arith.constant 0 : i32
    %dma_wait3A_721 = tpu.memref_slice %arg6[%dma_wait3A_717, %dma_wait3A_719, %dma_wait3A_720] : memref<7x128x128xf32, #tpu.memory_space<vmem>> -> memref<1x128x128xf32, #tpu.memory_space<vmem>>
    %dma_wait3A_722 = tpu.memref_squeeze %dma_wait3A_721 : memref<1x128x128xf32, #tpu.memory_space<vmem>> -> memref<128x128xf32, #tpu.memory_space<vmem>>
    %dma_wait3A_723 = arith.constant 6016 : i32
    %dma_wait3A_724 = tpu.memref_slice %arg5[%dma_wait3A_723] : memref<6400xi32, #tpu.memory_space<vmem>> -> memref<128xi32, #tpu.memory_space<vmem>>
    %dma_wait3A_725 = arith.constant 0 : i32
    %dma_wait3A_726 = arith.constant 0 : i32
    %dma_wait3A_727 = tpu.memref_slice %arg3[%dma_wait3A_725, %dma_wait3A_726] : memref<100000x128xf32, #tpu.memory_space<hbm>> -> memref<100000x128xf32, #tpu.memory_space<hbm>>
    %dma_wait3A_728 = tpu.memref_slice %arg7[%dma_wait3A_718] : memref<7x!tpu.dma_semaphore, #tpu.memory_space<semaphore_mem>> -> memref<1x!tpu.dma_semaphore, #tpu.memory_space<semaphore_mem>>
    %dma_wait3A_729 = tpu.memref_squeeze %dma_wait3A_728 : memref<1x!tpu.dma_semaphore, #tpu.memory_space<semaphore_mem>> -> memref<!tpu.dma_semaphore, #tpu.memory_space<semaphore_mem>>
    tpu.wait_indirect_dma semaphore(%dma_wait3A_729 : memref<!tpu.dma_semaphore, #tpu.memory_space<semaphore_mem>>) src(%dma_wait3A_727 : memref<100000x128xf32, #tpu.memory_space<hbm>>) dst(%dma_wait3A_722 : memref<128x128xf32, #tpu.memory_space<vmem>>)
    %add3A_730 = arith.constant 6016 : i32
    %add3A_731 = arith.addi %mul3A_2, %add3A_730 : i32
    %dma_start3A_732 = arith.constant 5 : i32
    %dma_start3A_733 = arith.constant 5 : i32
    %dma_start3A_734 = arith.constant 0 : i32
    %dma_start3A_735 = arith.constant 0 : i32
    %dma_start3A_736 = tpu.memref_slice %arg6[%dma_start3A_732, %dma_start3A_734, %dma_start3A_735] : memref<7x128x128xf32, #tpu.memory_space<vmem>> -> memref<1x128x128xf32, #tpu.memory_space<vmem>>
    %dma_start3A_737 = tpu.memref_squeeze %dma_start3A_736 : memref<1x128x128xf32, #tpu.memory_space<vmem>> -> memref<128x128xf32, #tpu.memory_space<vmem>>
    %dma_start3A_738 = arith.constant 0 : i32
    %dma_start3A_739 = tpu.memref_slice %arg4[%add3A_731, %dma_start3A_738] : memref<204800x128xf32, #tpu.memory_space<hbm>> -> memref<128x128xf32, #tpu.memory_space<hbm>>
    %dma_start3A_740 = tpu.memref_slice %arg8[%dma_start3A_733] : memref<7x!tpu.dma_semaphore, #tpu.memory_space<semaphore_mem>> -> memref<1x!tpu.dma_semaphore, #tpu.memory_space<semaphore_mem>>
    %dma_start3A_741 = tpu.memref_squeeze %dma_start3A_740 : memref<1x!tpu.dma_semaphore, #tpu.memory_space<semaphore_mem>> -> memref<!tpu.dma_semaphore, #tpu.memory_space<semaphore_mem>>
    %dma_start3A_742 = arith.constant 0 : i32
    %dma_start3A_743 = tpu.memref_slice %arg4[%add3A_731, %dma_start3A_742] : memref<204800x128xf32, #tpu.memory_space<hbm>> -> memref<128x128xf32, #tpu.memory_space<hbm>>
    %dma_start3A_744 = arith.constant 0 : i32
    %dma_start3A_745 = arith.constant 0 : i32
    %dma_start3A_746 = tpu.memref_slice %arg6[%dma_start3A_732, %dma_start3A_744, %dma_start3A_745] : memref<7x128x128xf32, #tpu.memory_space<vmem>> -> memref<1x128x128xf32, #tpu.memory_space<vmem>>
    %dma_start3A_747 = tpu.memref_squeeze %dma_start3A_746 : memref<1x128x128xf32, #tpu.memory_space<vmem>> -> memref<128x128xf32, #tpu.memory_space<vmem>>
    tpu.enqueue_dma source(%dma_start3A_747 : memref<128x128xf32, #tpu.memory_space<vmem>>) target(%dma_start3A_743 : memref<128x128xf32, #tpu.memory_space<hbm>>) target_semaphore(%dma_start3A_741 : memref<!tpu.dma_semaphore, #tpu.memory_space<semaphore_mem>>)
    %dma_wait3A_748 = arith.constant 6 : i32
    %dma_wait3A_749 = arith.constant 6 : i32
    %dma_wait3A_750 = arith.constant 0 : i32
    %dma_wait3A_751 = arith.constant 0 : i32
    %dma_wait3A_752 = tpu.memref_slice %arg6[%dma_wait3A_748, %dma_wait3A_750, %dma_wait3A_751] : memref<7x128x128xf32, #tpu.memory_space<vmem>> -> memref<1x128x128xf32, #tpu.memory_space<vmem>>
    %dma_wait3A_753 = tpu.memref_squeeze %dma_wait3A_752 : memref<1x128x128xf32, #tpu.memory_space<vmem>> -> memref<128x128xf32, #tpu.memory_space<vmem>>
    %dma_wait3A_754 = arith.constant 6144 : i32
    %dma_wait3A_755 = tpu.memref_slice %arg5[%dma_wait3A_754] : memref<6400xi32, #tpu.memory_space<vmem>> -> memref<128xi32, #tpu.memory_space<vmem>>
    %dma_wait3A_756 = arith.constant 0 : i32
    %dma_wait3A_757 = arith.constant 0 : i32
    %dma_wait3A_758 = tpu.memref_slice %arg3[%dma_wait3A_756, %dma_wait3A_757] : memref<100000x128xf32, #tpu.memory_space<hbm>> -> memref<100000x128xf32, #tpu.memory_space<hbm>>
    %dma_wait3A_759 = tpu.memref_slice %arg7[%dma_wait3A_749] : memref<7x!tpu.dma_semaphore, #tpu.memory_space<semaphore_mem>> -> memref<1x!tpu.dma_semaphore, #tpu.memory_space<semaphore_mem>>
    %dma_wait3A_760 = tpu.memref_squeeze %dma_wait3A_759 : memref<1x!tpu.dma_semaphore, #tpu.memory_space<semaphore_mem>> -> memref<!tpu.dma_semaphore, #tpu.memory_space<semaphore_mem>>
    tpu.wait_indirect_dma semaphore(%dma_wait3A_760 : memref<!tpu.dma_semaphore, #tpu.memory_space<semaphore_mem>>) src(%dma_wait3A_758 : memref<100000x128xf32, #tpu.memory_space<hbm>>) dst(%dma_wait3A_753 : memref<128x128xf32, #tpu.memory_space<vmem>>)
    %add3A_761 = arith.constant 6144 : i32
    %add3A_762 = arith.addi %mul3A_2, %add3A_761 : i32
    %dma_start3A_763 = arith.constant 6 : i32
    %dma_start3A_764 = arith.constant 6 : i32
    %dma_start3A_765 = arith.constant 0 : i32
    %dma_start3A_766 = arith.constant 0 : i32
    %dma_start3A_767 = tpu.memref_slice %arg6[%dma_start3A_763, %dma_start3A_765, %dma_start3A_766] : memref<7x128x128xf32, #tpu.memory_space<vmem>> -> memref<1x128x128xf32, #tpu.memory_space<vmem>>
    %dma_start3A_768 = tpu.memref_squeeze %dma_start3A_767 : memref<1x128x128xf32, #tpu.memory_space<vmem>> -> memref<128x128xf32, #tpu.memory_space<vmem>>
    %dma_start3A_769 = arith.constant 0 : i32
    %dma_start3A_770 = tpu.memref_slice %arg4[%add3A_762, %dma_start3A_769] : memref<204800x128xf32, #tpu.memory_space<hbm>> -> memref<128x128xf32, #tpu.memory_space<hbm>>
    %dma_start3A_771 = tpu.memref_slice %arg8[%dma_start3A_764] : memref<7x!tpu.dma_semaphore, #tpu.memory_space<semaphore_mem>> -> memref<1x!tpu.dma_semaphore, #tpu.memory_space<semaphore_mem>>
    %dma_start3A_772 = tpu.memref_squeeze %dma_start3A_771 : memref<1x!tpu.dma_semaphore, #tpu.memory_space<semaphore_mem>> -> memref<!tpu.dma_semaphore, #tpu.memory_space<semaphore_mem>>
    %dma_start3A_773 = arith.constant 0 : i32
    %dma_start3A_774 = tpu.memref_slice %arg4[%add3A_762, %dma_start3A_773] : memref<204800x128xf32, #tpu.memory_space<hbm>> -> memref<128x128xf32, #tpu.memory_space<hbm>>
    %dma_start3A_775 = arith.constant 0 : i32
    %dma_start3A_776 = arith.constant 0 : i32
    %dma_start3A_777 = tpu.memref_slice %arg6[%dma_start3A_763, %dma_start3A_775, %dma_start3A_776] : memref<7x128x128xf32, #tpu.memory_space<vmem>> -> memref<1x128x128xf32, #tpu.memory_space<vmem>>
    %dma_start3A_778 = tpu.memref_squeeze %dma_start3A_777 : memref<1x128x128xf32, #tpu.memory_space<vmem>> -> memref<128x128xf32, #tpu.memory_space<vmem>>
    tpu.enqueue_dma source(%dma_start3A_778 : memref<128x128xf32, #tpu.memory_space<vmem>>) target(%dma_start3A_774 : memref<128x128xf32, #tpu.memory_space<hbm>>) target_semaphore(%dma_start3A_772 : memref<!tpu.dma_semaphore, #tpu.memory_space<semaphore_mem>>)
    %dma_wait3A_779 = arith.constant 0 : i32
    %dma_wait3A_780 = arith.constant 0 : i32
    %dma_wait3A_781 = arith.constant 0 : i32
    %dma_wait3A_782 = arith.constant 0 : i32
    %dma_wait3A_783 = tpu.memref_slice %arg6[%dma_wait3A_779, %dma_wait3A_781, %dma_wait3A_782] : memref<7x128x128xf32, #tpu.memory_space<vmem>> -> memref<1x128x128xf32, #tpu.memory_space<vmem>>
    %dma_wait3A_784 = tpu.memref_squeeze %dma_wait3A_783 : memref<1x128x128xf32, #tpu.memory_space<vmem>> -> memref<128x128xf32, #tpu.memory_space<vmem>>
    %dma_wait3A_785 = arith.constant 6272 : i32
    %dma_wait3A_786 = tpu.memref_slice %arg5[%dma_wait3A_785] : memref<6400xi32, #tpu.memory_space<vmem>> -> memref<128xi32, #tpu.memory_space<vmem>>
    %dma_wait3A_787 = arith.constant 0 : i32
    %dma_wait3A_788 = arith.constant 0 : i32
    %dma_wait3A_789 = tpu.memref_slice %arg3[%dma_wait3A_787, %dma_wait3A_788] : memref<100000x128xf32, #tpu.memory_space<hbm>> -> memref<100000x128xf32, #tpu.memory_space<hbm>>
    %dma_wait3A_790 = tpu.memref_slice %arg7[%dma_wait3A_780] : memref<7x!tpu.dma_semaphore, #tpu.memory_space<semaphore_mem>> -> memref<1x!tpu.dma_semaphore, #tpu.memory_space<semaphore_mem>>
    %dma_wait3A_791 = tpu.memref_squeeze %dma_wait3A_790 : memref<1x!tpu.dma_semaphore, #tpu.memory_space<semaphore_mem>> -> memref<!tpu.dma_semaphore, #tpu.memory_space<semaphore_mem>>
    tpu.wait_indirect_dma semaphore(%dma_wait3A_791 : memref<!tpu.dma_semaphore, #tpu.memory_space<semaphore_mem>>) src(%dma_wait3A_789 : memref<100000x128xf32, #tpu.memory_space<hbm>>) dst(%dma_wait3A_784 : memref<128x128xf32, #tpu.memory_space<vmem>>)
    %add3A_792 = arith.constant 6272 : i32
    %add3A_793 = arith.addi %mul3A_2, %add3A_792 : i32
    %dma_start3A_794 = arith.constant 0 : i32
    %dma_start3A_795 = arith.constant 0 : i32
    %dma_start3A_796 = arith.constant 0 : i32
    %dma_start3A_797 = arith.constant 0 : i32
    %dma_start3A_798 = tpu.memref_slice %arg6[%dma_start3A_794, %dma_start3A_796, %dma_start3A_797] : memref<7x128x128xf32, #tpu.memory_space<vmem>> -> memref<1x128x128xf32, #tpu.memory_space<vmem>>
    %dma_start3A_799 = tpu.memref_squeeze %dma_start3A_798 : memref<1x128x128xf32, #tpu.memory_space<vmem>> -> memref<128x128xf32, #tpu.memory_space<vmem>>
    %dma_start3A_800 = arith.constant 0 : i32
    %dma_start3A_801 = tpu.memref_slice %arg4[%add3A_793, %dma_start3A_800] : memref<204800x128xf32, #tpu.memory_space<hbm>> -> memref<128x128xf32, #tpu.memory_space<hbm>>
    %dma_start3A_802 = tpu.memref_slice %arg8[%dma_start3A_795] : memref<7x!tpu.dma_semaphore, #tpu.memory_space<semaphore_mem>> -> memref<1x!tpu.dma_semaphore, #tpu.memory_space<semaphore_mem>>
    %dma_start3A_803 = tpu.memref_squeeze %dma_start3A_802 : memref<1x!tpu.dma_semaphore, #tpu.memory_space<semaphore_mem>> -> memref<!tpu.dma_semaphore, #tpu.memory_space<semaphore_mem>>
    %dma_start3A_804 = arith.constant 0 : i32
    %dma_start3A_805 = tpu.memref_slice %arg4[%add3A_793, %dma_start3A_804] : memref<204800x128xf32, #tpu.memory_space<hbm>> -> memref<128x128xf32, #tpu.memory_space<hbm>>
    %dma_start3A_806 = arith.constant 0 : i32
    %dma_start3A_807 = arith.constant 0 : i32
    %dma_start3A_808 = tpu.memref_slice %arg6[%dma_start3A_794, %dma_start3A_806, %dma_start3A_807] : memref<7x128x128xf32, #tpu.memory_space<vmem>> -> memref<1x128x128xf32, #tpu.memory_space<vmem>>
    %dma_start3A_809 = tpu.memref_squeeze %dma_start3A_808 : memref<1x128x128xf32, #tpu.memory_space<vmem>> -> memref<128x128xf32, #tpu.memory_space<vmem>>
    tpu.enqueue_dma source(%dma_start3A_809 : memref<128x128xf32, #tpu.memory_space<vmem>>) target(%dma_start3A_805 : memref<128x128xf32, #tpu.memory_space<hbm>>) target_semaphore(%dma_start3A_803 : memref<!tpu.dma_semaphore, #tpu.memory_space<semaphore_mem>>)
    %add3A_810 = arith.constant 5504 : i32
    %add3A_811 = arith.addi %mul3A_2, %add3A_810 : i32
    %dma_wait3A_812 = arith.constant 1 : i32
    %dma_wait3A_813 = arith.constant 1 : i32
    %dma_wait3A_814 = arith.constant 0 : i32
    %dma_wait3A_815 = arith.constant 0 : i32
    %dma_wait3A_816 = tpu.memref_slice %arg6[%dma_wait3A_812, %dma_wait3A_814, %dma_wait3A_815] : memref<7x128x128xf32, #tpu.memory_space<vmem>> -> memref<1x128x128xf32, #tpu.memory_space<vmem>>
    %dma_wait3A_817 = tpu.memref_squeeze %dma_wait3A_816 : memref<1x128x128xf32, #tpu.memory_space<vmem>> -> memref<128x128xf32, #tpu.memory_space<vmem>>
    %dma_wait3A_818 = arith.constant 0 : i32
    %dma_wait3A_819 = tpu.memref_slice %arg4[%add3A_811, %dma_wait3A_818] : memref<204800x128xf32, #tpu.memory_space<hbm>> -> memref<128x128xf32, #tpu.memory_space<hbm>>
    %dma_wait3A_820 = tpu.memref_slice %arg8[%dma_wait3A_813] : memref<7x!tpu.dma_semaphore, #tpu.memory_space<semaphore_mem>> -> memref<1x!tpu.dma_semaphore, #tpu.memory_space<semaphore_mem>>
    %dma_wait3A_821 = tpu.memref_squeeze %dma_wait3A_820 : memref<1x!tpu.dma_semaphore, #tpu.memory_space<semaphore_mem>> -> memref<!tpu.dma_semaphore, #tpu.memory_space<semaphore_mem>>
    %dma_wait3A_822 = arith.constant 0 : i32
    %dma_wait3A_823 = tpu.memref_slice %arg4[%add3A_811, %dma_wait3A_822] : memref<204800x128xf32, #tpu.memory_space<hbm>> -> memref<128x128xf32, #tpu.memory_space<hbm>>
    %dma_wait3A_824 = arith.constant 0 : i32
    %dma_wait3A_825 = arith.constant 0 : i32
    %dma_wait3A_826 = tpu.memref_slice %arg6[%dma_wait3A_812, %dma_wait3A_824, %dma_wait3A_825] : memref<7x128x128xf32, #tpu.memory_space<vmem>> -> memref<1x128x128xf32, #tpu.memory_space<vmem>>
    %dma_wait3A_827 = tpu.memref_squeeze %dma_wait3A_826 : memref<1x128x128xf32, #tpu.memory_space<vmem>> -> memref<128x128xf32, #tpu.memory_space<vmem>>
    tpu.wait_dma2 semaphore(%dma_wait3A_821 : memref<!tpu.dma_semaphore, #tpu.memory_space<semaphore_mem>>) src(%dma_wait3A_827 : memref<128x128xf32, #tpu.memory_space<vmem>>) dst(%dma_wait3A_823 : memref<128x128xf32, #tpu.memory_space<hbm>>)
    %add3A_828 = arith.constant 5632 : i32
    %add3A_829 = arith.addi %mul3A_2, %add3A_828 : i32
    %dma_wait3A_830 = arith.constant 2 : i32
    %dma_wait3A_831 = arith.constant 2 : i32
    %dma_wait3A_832 = arith.constant 0 : i32
    %dma_wait3A_833 = arith.constant 0 : i32
    %dma_wait3A_834 = tpu.memref_slice %arg6[%dma_wait3A_830, %dma_wait3A_832, %dma_wait3A_833] : memref<7x128x128xf32, #tpu.memory_space<vmem>> -> memref<1x128x128xf32, #tpu.memory_space<vmem>>
    %dma_wait3A_835 = tpu.memref_squeeze %dma_wait3A_834 : memref<1x128x128xf32, #tpu.memory_space<vmem>> -> memref<128x128xf32, #tpu.memory_space<vmem>>
    %dma_wait3A_836 = arith.constant 0 : i32
    %dma_wait3A_837 = tpu.memref_slice %arg4[%add3A_829, %dma_wait3A_836] : memref<204800x128xf32, #tpu.memory_space<hbm>> -> memref<128x128xf32, #tpu.memory_space<hbm>>
    %dma_wait3A_838 = tpu.memref_slice %arg8[%dma_wait3A_831] : memref<7x!tpu.dma_semaphore, #tpu.memory_space<semaphore_mem>> -> memref<1x!tpu.dma_semaphore, #tpu.memory_space<semaphore_mem>>
    %dma_wait3A_839 = tpu.memref_squeeze %dma_wait3A_838 : memref<1x!tpu.dma_semaphore, #tpu.memory_space<semaphore_mem>> -> memref<!tpu.dma_semaphore, #tpu.memory_space<semaphore_mem>>
    %dma_wait3A_840 = arith.constant 0 : i32
    %dma_wait3A_841 = tpu.memref_slice %arg4[%add3A_829, %dma_wait3A_840] : memref<204800x128xf32, #tpu.memory_space<hbm>> -> memref<128x128xf32, #tpu.memory_space<hbm>>
    %dma_wait3A_842 = arith.constant 0 : i32
    %dma_wait3A_843 = arith.constant 0 : i32
    %dma_wait3A_844 = tpu.memref_slice %arg6[%dma_wait3A_830, %dma_wait3A_842, %dma_wait3A_843] : memref<7x128x128xf32, #tpu.memory_space<vmem>> -> memref<1x128x128xf32, #tpu.memory_space<vmem>>
    %dma_wait3A_845 = tpu.memref_squeeze %dma_wait3A_844 : memref<1x128x128xf32, #tpu.memory_space<vmem>> -> memref<128x128xf32, #tpu.memory_space<vmem>>
    tpu.wait_dma2 semaphore(%dma_wait3A_839 : memref<!tpu.dma_semaphore, #tpu.memory_space<semaphore_mem>>) src(%dma_wait3A_845 : memref<128x128xf32, #tpu.memory_space<vmem>>) dst(%dma_wait3A_841 : memref<128x128xf32, #tpu.memory_space<hbm>>)
    %add3A_846 = arith.constant 5760 : i32
    %add3A_847 = arith.addi %mul3A_2, %add3A_846 : i32
    %dma_wait3A_848 = arith.constant 3 : i32
    %dma_wait3A_849 = arith.constant 3 : i32
    %dma_wait3A_850 = arith.constant 0 : i32
    %dma_wait3A_851 = arith.constant 0 : i32
    %dma_wait3A_852 = tpu.memref_slice %arg6[%dma_wait3A_848, %dma_wait3A_850, %dma_wait3A_851] : memref<7x128x128xf32, #tpu.memory_space<vmem>> -> memref<1x128x128xf32, #tpu.memory_space<vmem>>
    %dma_wait3A_853 = tpu.memref_squeeze %dma_wait3A_852 : memref<1x128x128xf32, #tpu.memory_space<vmem>> -> memref<128x128xf32, #tpu.memory_space<vmem>>
    %dma_wait3A_854 = arith.constant 0 : i32
    %dma_wait3A_855 = tpu.memref_slice %arg4[%add3A_847, %dma_wait3A_854] : memref<204800x128xf32, #tpu.memory_space<hbm>> -> memref<128x128xf32, #tpu.memory_space<hbm>>
    %dma_wait3A_856 = tpu.memref_slice %arg8[%dma_wait3A_849] : memref<7x!tpu.dma_semaphore, #tpu.memory_space<semaphore_mem>> -> memref<1x!tpu.dma_semaphore, #tpu.memory_space<semaphore_mem>>
    %dma_wait3A_857 = tpu.memref_squeeze %dma_wait3A_856 : memref<1x!tpu.dma_semaphore, #tpu.memory_space<semaphore_mem>> -> memref<!tpu.dma_semaphore, #tpu.memory_space<semaphore_mem>>
    %dma_wait3A_858 = arith.constant 0 : i32
    %dma_wait3A_859 = tpu.memref_slice %arg4[%add3A_847, %dma_wait3A_858] : memref<204800x128xf32, #tpu.memory_space<hbm>> -> memref<128x128xf32, #tpu.memory_space<hbm>>
    %dma_wait3A_860 = arith.constant 0 : i32
    %dma_wait3A_861 = arith.constant 0 : i32
    %dma_wait3A_862 = tpu.memref_slice %arg6[%dma_wait3A_848, %dma_wait3A_860, %dma_wait3A_861] : memref<7x128x128xf32, #tpu.memory_space<vmem>> -> memref<1x128x128xf32, #tpu.memory_space<vmem>>
    %dma_wait3A_863 = tpu.memref_squeeze %dma_wait3A_862 : memref<1x128x128xf32, #tpu.memory_space<vmem>> -> memref<128x128xf32, #tpu.memory_space<vmem>>
    tpu.wait_dma2 semaphore(%dma_wait3A_857 : memref<!tpu.dma_semaphore, #tpu.memory_space<semaphore_mem>>) src(%dma_wait3A_863 : memref<128x128xf32, #tpu.memory_space<vmem>>) dst(%dma_wait3A_859 : memref<128x128xf32, #tpu.memory_space<hbm>>)
    %add3A_864 = arith.constant 5888 : i32
    %add3A_865 = arith.addi %mul3A_2, %add3A_864 : i32
    %dma_wait3A_866 = arith.constant 4 : i32
    %dma_wait3A_867 = arith.constant 4 : i32
    %dma_wait3A_868 = arith.constant 0 : i32
    %dma_wait3A_869 = arith.constant 0 : i32
    %dma_wait3A_870 = tpu.memref_slice %arg6[%dma_wait3A_866, %dma_wait3A_868, %dma_wait3A_869] : memref<7x128x128xf32, #tpu.memory_space<vmem>> -> memref<1x128x128xf32, #tpu.memory_space<vmem>>
    %dma_wait3A_871 = tpu.memref_squeeze %dma_wait3A_870 : memref<1x128x128xf32, #tpu.memory_space<vmem>> -> memref<128x128xf32, #tpu.memory_space<vmem>>
    %dma_wait3A_872 = arith.constant 0 : i32
    %dma_wait3A_873 = tpu.memref_slice %arg4[%add3A_865, %dma_wait3A_872] : memref<204800x128xf32, #tpu.memory_space<hbm>> -> memref<128x128xf32, #tpu.memory_space<hbm>>
    %dma_wait3A_874 = tpu.memref_slice %arg8[%dma_wait3A_867] : memref<7x!tpu.dma_semaphore, #tpu.memory_space<semaphore_mem>> -> memref<1x!tpu.dma_semaphore, #tpu.memory_space<semaphore_mem>>
    %dma_wait3A_875 = tpu.memref_squeeze %dma_wait3A_874 : memref<1x!tpu.dma_semaphore, #tpu.memory_space<semaphore_mem>> -> memref<!tpu.dma_semaphore, #tpu.memory_space<semaphore_mem>>
    %dma_wait3A_876 = arith.constant 0 : i32
    %dma_wait3A_877 = tpu.memref_slice %arg4[%add3A_865, %dma_wait3A_876] : memref<204800x128xf32, #tpu.memory_space<hbm>> -> memref<128x128xf32, #tpu.memory_space<hbm>>
    %dma_wait3A_878 = arith.constant 0 : i32
    %dma_wait3A_879 = arith.constant 0 : i32
    %dma_wait3A_880 = tpu.memref_slice %arg6[%dma_wait3A_866, %dma_wait3A_878, %dma_wait3A_879] : memref<7x128x128xf32, #tpu.memory_space<vmem>> -> memref<1x128x128xf32, #tpu.memory_space<vmem>>
    %dma_wait3A_881 = tpu.memref_squeeze %dma_wait3A_880 : memref<1x128x128xf32, #tpu.memory_space<vmem>> -> memref<128x128xf32, #tpu.memory_space<vmem>>
    tpu.wait_dma2 semaphore(%dma_wait3A_875 : memref<!tpu.dma_semaphore, #tpu.memory_space<semaphore_mem>>) src(%dma_wait3A_881 : memref<128x128xf32, #tpu.memory_space<vmem>>) dst(%dma_wait3A_877 : memref<128x128xf32, #tpu.memory_space<hbm>>)
    %add3A_882 = arith.constant 6016 : i32
    %add3A_883 = arith.addi %mul3A_2, %add3A_882 : i32
    %dma_wait3A_884 = arith.constant 5 : i32
    %dma_wait3A_885 = arith.constant 5 : i32
    %dma_wait3A_886 = arith.constant 0 : i32
    %dma_wait3A_887 = arith.constant 0 : i32
    %dma_wait3A_888 = tpu.memref_slice %arg6[%dma_wait3A_884, %dma_wait3A_886, %dma_wait3A_887] : memref<7x128x128xf32, #tpu.memory_space<vmem>> -> memref<1x128x128xf32, #tpu.memory_space<vmem>>
    %dma_wait3A_889 = tpu.memref_squeeze %dma_wait3A_888 : memref<1x128x128xf32, #tpu.memory_space<vmem>> -> memref<128x128xf32, #tpu.memory_space<vmem>>
    %dma_wait3A_890 = arith.constant 0 : i32
    %dma_wait3A_891 = tpu.memref_slice %arg4[%add3A_883, %dma_wait3A_890] : memref<204800x128xf32, #tpu.memory_space<hbm>> -> memref<128x128xf32, #tpu.memory_space<hbm>>
    %dma_wait3A_892 = tpu.memref_slice %arg8[%dma_wait3A_885] : memref<7x!tpu.dma_semaphore, #tpu.memory_space<semaphore_mem>> -> memref<1x!tpu.dma_semaphore, #tpu.memory_space<semaphore_mem>>
    %dma_wait3A_893 = tpu.memref_squeeze %dma_wait3A_892 : memref<1x!tpu.dma_semaphore, #tpu.memory_space<semaphore_mem>> -> memref<!tpu.dma_semaphore, #tpu.memory_space<semaphore_mem>>
    %dma_wait3A_894 = arith.constant 0 : i32
    %dma_wait3A_895 = tpu.memref_slice %arg4[%add3A_883, %dma_wait3A_894] : memref<204800x128xf32, #tpu.memory_space<hbm>> -> memref<128x128xf32, #tpu.memory_space<hbm>>
    %dma_wait3A_896 = arith.constant 0 : i32
    %dma_wait3A_897 = arith.constant 0 : i32
    %dma_wait3A_898 = tpu.memref_slice %arg6[%dma_wait3A_884, %dma_wait3A_896, %dma_wait3A_897] : memref<7x128x128xf32, #tpu.memory_space<vmem>> -> memref<1x128x128xf32, #tpu.memory_space<vmem>>
    %dma_wait3A_899 = tpu.memref_squeeze %dma_wait3A_898 : memref<1x128x128xf32, #tpu.memory_space<vmem>> -> memref<128x128xf32, #tpu.memory_space<vmem>>
    tpu.wait_dma2 semaphore(%dma_wait3A_893 : memref<!tpu.dma_semaphore, #tpu.memory_space<semaphore_mem>>) src(%dma_wait3A_899 : memref<128x128xf32, #tpu.memory_space<vmem>>) dst(%dma_wait3A_895 : memref<128x128xf32, #tpu.memory_space<hbm>>)
    %add3A_900 = arith.constant 6144 : i32
    %add3A_901 = arith.addi %mul3A_2, %add3A_900 : i32
    %dma_wait3A_902 = arith.constant 6 : i32
    %dma_wait3A_903 = arith.constant 6 : i32
    %dma_wait3A_904 = arith.constant 0 : i32
    %dma_wait3A_905 = arith.constant 0 : i32
    %dma_wait3A_906 = tpu.memref_slice %arg6[%dma_wait3A_902, %dma_wait3A_904, %dma_wait3A_905] : memref<7x128x128xf32, #tpu.memory_space<vmem>> -> memref<1x128x128xf32, #tpu.memory_space<vmem>>
    %dma_wait3A_907 = tpu.memref_squeeze %dma_wait3A_906 : memref<1x128x128xf32, #tpu.memory_space<vmem>> -> memref<128x128xf32, #tpu.memory_space<vmem>>
    %dma_wait3A_908 = arith.constant 0 : i32
    %dma_wait3A_909 = tpu.memref_slice %arg4[%add3A_901, %dma_wait3A_908] : memref<204800x128xf32, #tpu.memory_space<hbm>> -> memref<128x128xf32, #tpu.memory_space<hbm>>
    %dma_wait3A_910 = tpu.memref_slice %arg8[%dma_wait3A_903] : memref<7x!tpu.dma_semaphore, #tpu.memory_space<semaphore_mem>> -> memref<1x!tpu.dma_semaphore, #tpu.memory_space<semaphore_mem>>
    %dma_wait3A_911 = tpu.memref_squeeze %dma_wait3A_910 : memref<1x!tpu.dma_semaphore, #tpu.memory_space<semaphore_mem>> -> memref<!tpu.dma_semaphore, #tpu.memory_space<semaphore_mem>>
    %dma_wait3A_912 = arith.constant 0 : i32
    %dma_wait3A_913 = tpu.memref_slice %arg4[%add3A_901, %dma_wait3A_912] : memref<204800x128xf32, #tpu.memory_space<hbm>> -> memref<128x128xf32, #tpu.memory_space<hbm>>
    %dma_wait3A_914 = arith.constant 0 : i32
    %dma_wait3A_915 = arith.constant 0 : i32
    %dma_wait3A_916 = tpu.memref_slice %arg6[%dma_wait3A_902, %dma_wait3A_914, %dma_wait3A_915] : memref<7x128x128xf32, #tpu.memory_space<vmem>> -> memref<1x128x128xf32, #tpu.memory_space<vmem>>
    %dma_wait3A_917 = tpu.memref_squeeze %dma_wait3A_916 : memref<1x128x128xf32, #tpu.memory_space<vmem>> -> memref<128x128xf32, #tpu.memory_space<vmem>>
    tpu.wait_dma2 semaphore(%dma_wait3A_911 : memref<!tpu.dma_semaphore, #tpu.memory_space<semaphore_mem>>) src(%dma_wait3A_917 : memref<128x128xf32, #tpu.memory_space<vmem>>) dst(%dma_wait3A_913 : memref<128x128xf32, #tpu.memory_space<hbm>>)
    %add3A_918 = arith.constant 6272 : i32
    %add3A_919 = arith.addi %mul3A_2, %add3A_918 : i32
    %dma_wait3A_920 = arith.constant 0 : i32
    %dma_wait3A_921 = arith.constant 0 : i32
    %dma_wait3A_922 = arith.constant 0 : i32
    %dma_wait3A_923 = arith.constant 0 : i32
    %dma_wait3A_924 = tpu.memref_slice %arg6[%dma_wait3A_920, %dma_wait3A_922, %dma_wait3A_923] : memref<7x128x128xf32, #tpu.memory_space<vmem>> -> memref<1x128x128xf32, #tpu.memory_space<vmem>>
    %dma_wait3A_925 = tpu.memref_squeeze %dma_wait3A_924 : memref<1x128x128xf32, #tpu.memory_space<vmem>> -> memref<128x128xf32, #tpu.memory_space<vmem>>
    %dma_wait3A_926 = arith.constant 0 : i32
    %dma_wait3A_927 = tpu.memref_slice %arg4[%add3A_919, %dma_wait3A_926] : memref<204800x128xf32, #tpu.memory_space<hbm>> -> memref<128x128xf32, #tpu.memory_space<hbm>>
    %dma_wait3A_928 = tpu.memref_slice %arg8[%dma_wait3A_921] : memref<7x!tpu.dma_semaphore, #tpu.memory_space<semaphore_mem>> -> memref<1x!tpu.dma_semaphore, #tpu.memory_space<semaphore_mem>>
    %dma_wait3A_929 = tpu.memref_squeeze %dma_wait3A_928 : memref<1x!tpu.dma_semaphore, #tpu.memory_space<semaphore_mem>> -> memref<!tpu.dma_semaphore, #tpu.memory_space<semaphore_mem>>
    %dma_wait3A_930 = arith.constant 0 : i32
    %dma_wait3A_931 = tpu.memref_slice %arg4[%add3A_919, %dma_wait3A_930] : memref<204800x128xf32, #tpu.memory_space<hbm>> -> memref<128x128xf32, #tpu.memory_space<hbm>>
    %dma_wait3A_932 = arith.constant 0 : i32
    %dma_wait3A_933 = arith.constant 0 : i32
    %dma_wait3A_934 = tpu.memref_slice %arg6[%dma_wait3A_920, %dma_wait3A_932, %dma_wait3A_933] : memref<7x128x128xf32, #tpu.memory_space<vmem>> -> memref<1x128x128xf32, #tpu.memory_space<vmem>>
    %dma_wait3A_935 = tpu.memref_squeeze %dma_wait3A_934 : memref<1x128x128xf32, #tpu.memory_space<vmem>> -> memref<128x128xf32, #tpu.memory_space<vmem>>
    tpu.wait_dma2 semaphore(%dma_wait3A_929 : memref<!tpu.dma_semaphore, #tpu.memory_space<semaphore_mem>>) src(%dma_wait3A_935 : memref<128x128xf32, #tpu.memory_space<vmem>>) dst(%dma_wait3A_931 : memref<128x128xf32, #tpu.memory_space<hbm>>)
    return
  }
}

</mosaic_0001>

<sc_bundles>
// kernel: kernel.3.cloned.1.call-start
scs
__scs_entry_jumppad:
0x0: {  	(pc) =	sbr.rel $0x88, $3  }
0x1: {  	(tag) =	ssettag $0x0;
	lr =	simm.s32 $0x1  }
0x2: {  	[smem:$0x3F9F] =	sst lr;
	_ =	strace $0xD0000000  }
0x3: {  	_ = 	snop  }
0x4: {  	_ = 	snop  }
0x5: {  	_ = 	snop  }
0x6: {  	_ = 	snop  }
0x7: {  	_ = 	snop  }
__scs_overlays_trampoline_lowered:
0x8: {  	[smem:$0x3FAE] =	sst s0  }
0x9: {  	[smem:$0x3FAF] =	sst s1  }
0xa: {  	[smem:$0x3FB0] =	sst s2  }
0xb: {  	[smem:$0x3FB1] =	sst s3  }
0xc: {  	[smem:$0x3FB2] =	sst s4  }
0xd: {  	[smem:$0x3FB3] =	sst s5  }
0xe: {  	[smem:$0x3FB4] =	sst s6  }
0xf: {  	[smem:$0x3FB5] =	sst s7  }
0x10: {  	[smem:$0x3FB6] =	sst s8  }
0x11: {  	[smem:$0x3FB7] =	sst s9;
	s0 =	simm.s32 @!p0 $0x0  }
0x12: {  	s1 =	sld [smem:$0x3F9D];
	s0 =	simm.s32 @p0 $0x1  }
0x13: {  	[smem:$0x3FB8] =	sst s0;
	s0 =	simm.s32 @!p1 $0x0  }
0x14: {  	s2 =	sld [smem:$0x3F9C];
	s0 =	simm.s32 @p1 $0x1  }
0x15: {  	[smem:$0x3FB9] =	sst s0;
	s0 =	simm.s32 @!p2 $0x0  }
0x16: {  	s3 =	sld [smem:$0x3FDB];
	s0 =	simm.s32 @p2 $0x1  }
0x17: {  	s4 =	simm.s32 $0x1BF5;
	[smem:$0x3FBB] =	sst s0  }
0x18: {  	s0 =	sld [smem:$0x3F9E];
	_ =	swait.ge [sflag:s4], $0x0  }
0x19: {  	s7 =	sld [smem:$0x3F9F]  }
0x1a: {  	s8 =	sadd.s32 $0xFFFFE003, lr  }
0x1b: {  	s9 =	sadd.s32 $0xFFFFFEF7, lr;
	s5 =	simm.s32 $0xFFFFFFFF;
	p2 =	slt.u32 s8, $0xFFFFF086  }
0x1c: {  	p1 =	slt.u32 s9, $0xF7A;
	s5 =	simm.s32 @!p2 $0x0  }
0x1d: {  	s5 =	simm.s32 @p1 $0x1;
	p0 =	seq.s32 s7, s2  }
0x1e: {  	s7 =	smul.u32 @!p0 $0xF7A, s2;
	p2 =	seq.s32 @!p0 s5, $0x0  }
0x1f: {  	s9 =	smul.u32 $0xF7A, s1;
	s8 =	simm.s32 @!p0 $0x1BF5;
	p2 =	por !p2, p0  }
0x20: {  	[sflag:s8] =	ssyncset.s32 @!p0 $0xFFFFF086;
	s6 =	sadd.s32 @!p0 s3, s7;
	s7 =	simm.s32 @!p0 $0x108  }
0x21: {  	s3 =	sadd.s32 s3, s9;
	s6 =	sadd.s32 @!p0 $0x88, s6;
	s7 =	simm.s32 @p2 $0x1082  }
0x22: {  	[simem:s7], [sflag:s8] =	dma.local @!p0 [hbm:s6], $0xF7A  }
0x23: {  	s9 =	sor.u32 $0xD0000000, s2;
	s6 =	simm.s32 $0x108;
	_ =	swait.ge @!p0 [sflag:s8], $0x0  }
0x24: {  	s3 =	sadd.s32 $0x88, s3;
	s6 =	simm.s32 @!p1 $0x1082;
	[sflag:s4] =	ssyncset.s32 $0xFFFFF086  }
0x25: {  	[simem:s6], [sflag:s4] =	dma.local [hbm:s3], $0xF7A  }
0x26: {  	[smem:$0x3F9F] =	sst s1;
	(tag) =	ssettag s2;
	_ =	strace s9  }
0x27: {  	s1 =	sld [smem:$0x3FAF]  }
0x28: {  	s2 =	sld [smem:$0x3FB0]  }
0x29: {  	s4 =	sld [smem:$0x3FB2]  }
0x2a: {  	p0 =	seq.s32 s5, $0x0;
	s5 =	sld [smem:$0x3FB3]  }
0x2b: {  	s6 =	sld [smem:$0x3FB4]  }
0x2c: {  	s7 =	sld [smem:$0x3FB5]  }
0x2d: {  	s3 =	simm.s32 $0x108;
	s8 =	sld [smem:$0x3FB6]  }
0x2e: {  	s3 =	simm.s32 @!p0 $0x1082;
	s9 =	sld [smem:$0x3FB7]  }
0x2f: {  	lr =	sadd.s32 s0, s3;
	s0 =	sld [smem:$0x3FAE]  }
0x30: {  	s3 =	sld [smem:$0x3FB1]  }
0x31: {  	[smem:$0x3FBA] =	sst s10  }
0x32: {  	s10 =	sld [smem:$0x3FB8];
	_ =	sdelay $0x3  }
0x33: {  	p0 =	seq.s32 s10, $0x1;
	s10 =	sld [smem:$0x3FBA];
	_ =	sdelay $0x3  }
0x34: {  	[smem:$0x3FBA] =	sst s10  }
0x35: {  	s10 =	sld [smem:$0x3FB9];
	_ =	sdelay $0x3  }
0x36: {  	p1 =	seq.s32 s10, $0x1;
	s10 =	sld [smem:$0x3FBA];
	_ =	sdelay $0x3  }
0x37: {  	[smem:$0x3FBA] =	sst s10  }
0x38: {  	s10 =	sld [smem:$0x3FBB]  }
0x39: {  	_ = 	snop;
	(pc) =	sbr.ind lr, $3  }
0x3a: {  	_ = 	snop  }
0x3b: {  	_ = 	snop  }
0x3c: {  	p2 =	seq.s32 s10, $0x1;
	s10 =	sld [smem:$0x3FBA]  }
0x3d: {  	_ =	shalt  }
0x3e: {  	_ =	shalt  }
0x3f: {  	_ =	shalt  }
0x40: {  	_ =	shalt  }
0x41: {  	_ =	shalt  }
0x42: {  	_ =	shalt  }
0x43: {  	_ =	shalt  }
0x44: {  	_ =	shalt  }
0x45: {  	_ =	shalt  }
0x46: {  	_ =	shalt  }
0x47: {  	_ =	shalt  }
0x48: {  	_ =	shalt  }
0x49: {  	_ =	shalt  }
0x4a: {  	_ =	shalt  }
0x4b: {  	_ =	shalt  }
0x4c: {  	_ =	shalt  }
0x4d: {  	_ =	shalt  }
0x4e: {  	_ =	shalt  }
0x4f: {  	_ =	shalt  }
0x50: {  	_ =	shalt  }
0x51: {  	_ =	shalt  }
0x52: {  	_ =	shalt  }
0x53: {  	_ =	shalt  }
0x54: {  	_ =	shalt  }
0x55: {  	_ =	shalt  }
0x56: {  	_ =	shalt  }
0x57: {  	_ =	shalt  }
0x58: {  	_ =	shalt  }
0x59: {  	_ =	shalt  }
0x5a: {  	_ =	shalt  }
0x5b: {  	_ =	shalt  }
0x5c: {  	_ =	shalt  }
0x5d: {  	_ =	shalt  }
0x5e: {  	_ =	shalt  }
0x5f: {  	_ =	shalt  }
0x60: {  	_ =	shalt  }
0x61: {  	_ =	shalt  }
0x62: {  	_ =	shalt  }
0x63: {  	_ =	shalt  }
0x64: {  	_ =	shalt  }
0x65: {  	_ =	shalt  }
0x66: {  	_ =	shalt  }
0x67: {  	_ =	shalt  }
0x68: {  	_ =	shalt  }
0x69: {  	_ =	shalt  }
0x6a: {  	_ =	shalt  }
0x6b: {  	_ =	shalt  }
0x6c: {  	_ =	shalt  }
0x6d: {  	_ =	shalt  }
0x6e: {  	_ =	shalt  }
0x6f: {  	_ =	shalt  }
0x70: {  	_ =	shalt  }
0x71: {  	_ =	shalt  }
0x72: {  	_ =	shalt  }
0x73: {  	_ =	shalt  }
0x74: {  	_ =	shalt  }
0x75: {  	_ =	shalt  }
0x76: {  	_ =	shalt  }
0x77: {  	_ =	shalt  }
0x78: {  	_ =	shalt  }
0x79: {  	_ =	shalt  }
0x7a: {  	_ =	shalt  }
0x7b: {  	_ =	shalt  }
0x7c: {  	_ =	shalt  }
0x7d: {  	_ =	shalt  }
0x7e: {  	_ =	shalt  }
0x7f: {  	_ =	shalt  }
0x80: {  	_ =	shalt  }
0x81: {  	_ =	shalt  }
0x82: {  	_ =	shalt  }
0x83: {  	_ =	shalt  }
0x84: {  	_ =	shalt  }
0x85: {  	_ =	shalt  }
0x86: {  	_ =	shalt  }
0x87: {  	_ =	shalt  }
.Lfunc_end0:
.L_simem_size_0:
called_computation_lowered:
.L_overlay_start_0:
0x88: {  	s2 =	sld [smem:$0x3FD9]  }
0x89: {  	s3 =	sld [smem:$0x3FFE];
	_ =	sdelay $0x1  }
0x8a: {  	s1 =	srdreg.scid  }
0x8b: {  	s0 =	sand.u32 $0x1, s1  }
0x8c: {  	s17 =	sshll.u32 s0, $0xA;
	s2 =	sadd.s32 s3, s2  }
0x8d: {  	s2 =	sadd.s32 s2, s17  }
0x8e: {  	[smem:$0x3FC6] =	sst s2  }
0x8f: {  	_ = 	snop  }
0x90: {  	s2 =	sld [smem:$0x3FC8]  }
0x91: {  	s18 =	sld [smem:$0x3FD0];
	(tm) =	ssettm $0x1  }
0x92: {  	s4 =	sld [smem:$0x3FFB];
	_ =	sdelay $0x3  }
0x93: {  	_ =	strace s4  }
0x94: {  	s4 =	sld [smem:$0x3FFC];
	_ =	sdelay $0x3  }
0x95: {  	_ =	strace s4  }
0x96: {  	s4 =	sld [smem:$0x3FFD];
	_ =	sdelay $0x3  }
0x97: {  	_ =	strace s4  }
0x98: {  	_ =	strace $0x8FFFFFFF  }
0x99: {  	s19 =	sld [smem:$0x3FDB];
	_ =	sdelay $0x1  }
0x9a: {  	s5 =	simm.s32 $_scs_section_size  }
0x9b: {  	s6 =	simm.s32 $_size__tile_overlayer_lowered;
	s7 =	simm.s32 $_tile_overlayer_lowered  }
0x9c: {  	s22 =	simm.s32 $0x1BFF;
	s21 =	sshll.u32 s7, $0x1;
	s4 =	sadd.s32 s5, s19  }
0x9d: {  	s8 =	simm.s32 $0x0;
	s20 =	sshll.u32 s6, $0x1;
	s6 =	sadd.s32 s21, s4  }
0x9e: {  	[timem:s8], [sflag:s22] =	dma.local [hbm:s6], s20  }
0x9f: {  	_ =	swait.ge [sflag:s22], s20  }
0xa0: {  	s5 =	ssub.s32 $0x0, s20;
	[sflag:s22] =	ssyncset.done $0x0  }
0xa1: {  	[sflag:s22] =	ssyncadd.s32 s5;
	_ =	sdelay $0x1  }
0xa2: {  	s23 =	simm.s32 $0x1B8B  }
0xa3: {  	_ =	swait.ge [sflag:s23], $0x1  }
0xa4: {  	[sflag:s23] =	ssyncset.done $0x0  }
0xa5: {  	s25 =	simm.s32 $0x1B8E;
	s24 =	sld [smem:$0x3FFE];
	[sflag:s23] =	ssyncadd.s32 $0xFFFFFFFF  }
0xa6: {  	s26 =	simm.s32 $execute0_lowered;
	[smem:$0x3FD2] =	sst s25  }
0xa7: {  	s6 =	sshll.u32 s26, $0x1;
	_ =	strace $0x80000046;
	[dreg:$0x1] =	wrdreg $0xFFFFFFFF  }
0xa8: {  	s28 =	simm.s32 $_size_execute0_lowered;
	s4 =	sadd.s32 s4, s6;
	[dreg:$0x0] =	wrdreg $0x0  }
0xa9: {  	s6 =	sshll.u32 s28, $0x1;
	[dreg:$0x2] =	wrdreg s4  }
0xaa: {  	[dreg:$0x3] =	wrdreg s6  }
0xab: {  	[dreg:$0x4] =	wrdreg $0xC0  }
0xac: {  	_ =	task [dreg:s8], $0x5FFFF  }
0xad: {  	[dreg:$0x1] =	wrdreg $0xFFFFFFFF  }
0xae: {  	[dreg:$0x0] =	wrdreg $0x60  }
0xaf: {  	[dreg:$0x2] =	wrdreg s24  }
0xb0: {  	[dreg:$0x3] =	wrdreg s2  }
0xb1: {  	[dreg:$0x4] =	wrdreg s18  }
0xb2: {  	[dreg:$0x5] =	wrdreg $0x9  }
0xb3: {  	_ =	task.clear_ibuf [dreg:s8], $0x6FFFF;
	_ =	strace $0x90000046  }
0xb4: {  	s29 =	simm.s32 $0x9;
	_ =	strace $0x80000048  }
0xb5: {  	_ =	swait.ge [sflag:s29], $0x1  }
0xb6: {  	[sflag:s29] =	ssyncadd.s32 $0xFFFFFFFF  }
0xb7: {  	_ =	strace $0x90000048  }
0xb8: {  	_ =	sfence  }
0xb9: {  	s30 =	sld [smem:$0x0];
	_ =	sdelay $0x2  }
0xba: {  	s31 =	sshll.u32 s1, $0xD;
	s1 =	sshrl.u32 s1, $0x2  }
0xbb: {  	s3 =	sand.u32 $0x4000, s31;
	s1 =	sadd.s32 s1, s30  }
0xbc: {  	s0 =	sor.u32 s3, s0;
	s1 =	sshll.u32 s1, $0x11  }
0xbd: {  	s0 =	sor.u32 s1, s0  }
0xbe: {  	s0 =	sadd.s32 $0x8F2B, s0  }
0xbf: {  	[sflag:s0] =	ssyncadd.remote.s32 $0x1  }
0xc0: {  	_ =	sfence.sel $0xFFFF  }
0xc1: {  	[dreg:$0x0] =	wrdreg $0xFFFFFFFF;
	(pc) =	sbr.abs _section_cstart, $3  }
0xc2: {  	[dreg:$0x1] =	wrdreg $0xFFFFFFFF  }
0xc3: {  	_ =	task.clear_ibuf [dreg:s8], $0x2FFFF;
	_ =	strace $0x9FFFFFFF  }
0xc4: {  	(tm) =	ssettm $0x7FFFFFFF  }
0xc5: {  	_ =	shalt  }
tec
execute0_lowered:
.L_overlay_start_1:
0x0: {  	(tag) =	ssettag $0x1  }
0x1: {  	s0 =	rddreg [dreg:$0x0]  }
0x2: {  	s2 =	rddreg [dreg:$0x1]  }
0x3: {  	s1 =	rddreg [dreg:$0x2];
	s3 =	srdreg.scid  }
0x4: {  	s10 =	stileid.u32;
	s29 =	simm.s32 $0x9900;
	s31 =	simm.s32 $0xD900  }
0x5: {  	s30 =	simm.s32 $0x15900;
	s28 =	simm.s32 $0x19900;
	s4 =	sand.u32 $0x1, s3  }
0x6: {  	s5 =	sshll.u32 s10, $0x1;
	s6 =	sshrl.u32 s10, $0x2;
	s20 =	smul.u32 $0x32000, s10  }
0x7: {  	s3 =	simm.s32 $0x0;
	s5 =	sor.u32 s4, s5;
	s6 =	smul.u32 $0xC800, s6  }
0x8: {  	s10 =	simm.s32 $0x4;
	[smem:$0x7FF] =	sst s3;
	s8 =	smul.u32 $0xC8000, s5  }
0x9: {  	s26 =	ssub.s32 $0x2, s4;
	s7 =	sshll.u32 s5, $0x7;
	s5 =	smul.u32 $0x19000, s5  }
0xa: {  	s4 =	smul.u32 $0x19000, s4;
	_ =	strace $0x80000047;
	s9 =	sshrl.u32 s26, $0x1  }
0xb: {  	s7 =	sand.u32 $0x380, s7;
	s9 =	ssub.s32 s26, s9;
	s5 =	sadd.s32 s1, s5  }
0xc: {  	s11 =	sshrl.u32 s8, $0x3;
	s26 =	smax.u32 s9, $0x1;
	[dreg:$0x5] =	wrdreg s5  }
0xd: {  	s12 =	sadd.s32 s1, s11;
	s5 =	sadd.s32 $0x800, s5;
	[dreg:$0x14] =	wrdreg s26  }
0xe: {  	s6 =	sor.u32 s6, s7;
	[dreg:$0x6] =	wrdreg s5;
	s13 =	sadd.s32 $0x1000, s12  }
0xf: {  	s8 =	simm.s32 $0x3;
	s14 =	sadd.s32 $0x1800, s12;
	[dreg:$0x7] =	wrdreg s13  }
0x10: {  	s9 =	simm.s32 $0xA;
	s15 =	sadd.s32 $0x2000, s12;
	[dreg:$0x8] =	wrdreg s14  }
0x11: {  	s6 =	sshrl.u32 s6, $0x3;
	s16 =	sadd.s32 $0x2800, s12;
	[dreg:$0x9] =	wrdreg s15  }
0x12: {  	s1 =	sadd.s32 s20, s1;
	s17 =	sadd.s32 $0x3000, s12;
	[dreg:$0xa] =	wrdreg s16  }
0x13: {  	s26 =	simm.s32 $0x5900;
	s18 =	sadd.s32 $0x15000, s12;
	[dreg:$0xb] =	wrdreg s17  }
0x14: {  	s11 =	simm.s32 $0xB;
	s19 =	sadd.s32 $0x15800, s12;
	[dreg:$0xc] =	wrdreg s18  }
0x15: {  	s0 =	sadd.s32 s6, s0;
	s7 =	sadd.s32 $0x16000, s12;
	[dreg:$0xd] =	wrdreg s19  }
0x16: {  	s21 =	sadd.s32 $0x16800, s12;
	s22 =	sadd.s32 $0x17000, s12;
	[dreg:$0xe] =	wrdreg s7  }
0x17: {  	s23 =	sadd.s32 $0x17800, s12;
	s24 =	sadd.s32 $0x18000, s12;
	[dreg:$0xf] =	wrdreg s21  }
0x18: {  	s25 =	sadd.s32 s4, s1;
	s1 =	simm.s32 $0x11900;
	[dreg:$0x10] =	wrdreg s22  }
0x19: {  	s4 =	simm.s32 $0x8;
	s6 =	simm.s32 $0x2;
	[dreg:$0x11] =	wrdreg s23  }
0x1a: {  	s5 =	simm.s32 $0x7;
	s0 =	sadd.s32 $0x400, s0;
	[dreg:$0x12] =	wrdreg s24  }
0x1b: {  	s21 =	sadd.s32 $0x3800, s25;
	s22 =	simm.s32 $0x80;
	s24 =	simm.s32 $0xF  }
0x1c: {  	s25 =	simm.s32 $0x1900;
	s7 =	simm.s32 $0x9;
	s13 =	simm.s32 $0xC  }
0x1d: {  	s14 =	simm.s32 $0x6;
	s15 =	simm.s32 $0xD;
	s16 =	simm.s32 $0xE  }
0x1e: {  	s17 =	simm.s32 $0x0;
	[dreg:$0x4] =	wrdreg s0;
	s0 =	sadd.s32 $0x18800, s12  }
0x1f: {  	s12 =	simm.s32 $0x5;
	[dreg:$0x13] =	wrdreg s0;
	s0 =	simm.s32 $0x1  }
.LBB2_1:
0x20: {  	s18 =	rddreg [dreg:$0x4];
	s19 =	simm.s32 $0x400  }
0x21: {  	[tilespmem:s3], [sflag:$0xF] =	stream.strided.gather [hbm4b:s18+s22], $0x1900, s19, s22, $0x38;
	[tilespmem:$0x1D900] =	vst v63  }
0x22: {  	_ =	swait.ge [sflag:s24], $0x1900  }
0x23: {  	[sflag:s24] =	ssyncset.done $0x0  }
0x24: {  	[sflag:s24] =	ssyncadd.s32 $0xFFFFE700  }
0x25: {  	[tilespmem:s25], [sflag:$0x1] =	stream.indirect.gather [hbm4b:s2+s22], $0x80, s3, s22, $0xb8;
	[tilespmem:$0x1D900] =	vst v63  }
0x26: {  	_ = 	snop  }
0x27: {  	[tilespmem:s26], [sflag:$0x2] =	stream.indirect.gather [hbm4b:s2+s22], $0x80, s22, s22, $0xb8;
	[tilespmem:$0x1D900] =	vst v63  }
0x28: {  	s20 =	simm.s32 $0x100  }
0x29: {  	[tilespmem:s29], [sflag:$0x3] =	stream.indirect.gather [hbm4b:s2+s22], $0x80, s20, s22, $0xb8;
	[tilespmem:$0x1D900] =	vst v63  }
0x2a: {  	s23 =	simm.s32 $0x180  }
0x2b: {  	[tilespmem:s31], [sflag:$0x4] =	stream.indirect.gather [hbm4b:s2+s22], $0x80, s23, s22, $0xb8;
	[tilespmem:$0x1D900] =	vst v63  }
0x2c: {  	s20 =	simm.s32 $0x200  }
0x2d: {  	[tilespmem:s1], [sflag:$0x5] =	stream.indirect.gather [hbm4b:s2+s22], $0x80, s20, s22, $0xb8;
	[tilespmem:$0x1D900] =	vst v63  }
0x2e: {  	s23 =	simm.s32 $0x280  }
0x2f: {  	[tilespmem:s30], [sflag:$0x6] =	stream.indirect.gather [hbm4b:s2+s22], $0x80, s23, s22, $0xb8;
	[tilespmem:$0x1D900] =	vst v63  }
0x30: {  	s20 =	simm.s32 $0x300  }
0x31: {  	[tilespmem:s28], [sflag:$0x7] =	stream.indirect.gather [hbm4b:s2+s22], $0x80, s20, s22, $0xb8;
	[tilespmem:$0x1D900] =	vst v63  }
0x32: {  	_ =	swait.ge [sflag:s0], $0x4000  }
0x33: {  	[sflag:s0] =	ssyncset.done $0x0  }
0x34: {  	s23 =	rddreg [dreg:$0x5];
	[sflag:s0] =	ssyncadd.s32 $0xFFFFC000  }
0x35: {  	[hbm4b:s23+s3] =	stream.linear.scatter [tilespmem:s25], [sflag:$0x8], $0x4000, $0x38;
	[tilespmem:$0x1D900] =	vst v63  }
0x36: {  	_ =	swait.ge [sflag:s4], $0x4000  }
0x37: {  	[sflag:s4] =	ssyncset.done $0x0  }
0x38: {  	s20 =	simm.s32 $0x380;
	[sflag:s4] =	ssyncadd.s32 $0xFFFFC000  }
0x39: {  	[tilespmem:s25], [sflag:$0x1] =	stream.indirect.gather [hbm4b:s2+s22], $0x80, s20, s22, $0xb8;
	[tilespmem:$0x1D900] =	vst v63  }
0x3a: {  	_ =	swait.ge [sflag:s6], $0x4000  }
0x3b: {  	[sflag:s6] =	ssyncset.done $0x0  }
0x3c: {  	s23 =	rddreg [dreg:$0x6];
	[sflag:s6] =	ssyncadd.s32 $0xFFFFC000  }
0x3d: {  	[hbm4b:s23+s3] =	stream.linear.scatter [tilespmem:s26], [sflag:$0x9], $0x4000, $0x38;
	[tilespmem:$0x1D900] =	vst v63  }
0x3e: {  	_ =	swait.ge [sflag:s7], $0x4000  }
0x3f: {  	[sflag:s7] =	ssyncset.done $0x0  }
0x40: {  	[sflag:s7] =	ssyncadd.s32 $0xFFFFC000  }
0x41: {  	[tilespmem:s26], [sflag:$0x2] =	stream.indirect.gather [hbm4b:s2+s22], $0x80, s19, s22, $0xb8;
	[tilespmem:$0x1D900] =	vst v63  }
0x42: {  	_ =	swait.ge [sflag:s8], $0x4000  }
0x43: {  	[sflag:s8] =	ssyncset.done $0x0  }
0x44: {  	s19 =	rddreg [dreg:$0x7];
	[sflag:s8] =	ssyncadd.s32 $0xFFFFC000  }
0x45: {  	[hbm4b:s19+s3] =	stream.linear.scatter [tilespmem:s29], [sflag:$0xA], $0x4000, $0x38;
	[tilespmem:$0x1D900] =	vst v63  }
0x46: {  	_ =	swait.ge [sflag:s9], $0x4000  }
0x47: {  	[sflag:s9] =	ssyncset.done $0x0  }
0x48: {  	s20 =	simm.s32 $0x480;
	[sflag:s9] =	ssyncadd.s32 $0xFFFFC000  }
0x49: {  	[tilespmem:s29], [sflag:$0x3] =	stream.indirect.gather [hbm4b:s2+s22], $0x80, s20, s22, $0xb8;
	[tilespmem:$0x1D900] =	vst v63  }
0x4a: {  	_ =	swait.ge [sflag:s10], $0x4000  }
0x4b: {  	[sflag:s10] =	ssyncset.done $0x0  }
0x4c: {  	s23 =	rddreg [dreg:$0x8];
	[sflag:s10] =	ssyncadd.s32 $0xFFFFC000  }
0x4d: {  	[hbm4b:s23+s3] =	stream.linear.scatter [tilespmem:s31], [sflag:$0xB], $0x4000, $0x38;
	[tilespmem:$0x1D900] =	vst v63  }
0x4e: {  	_ =	swait.ge [sflag:s11], $0x4000  }
0x4f: {  	[sflag:s11] =	ssyncset.done $0x0  }
0x50: {  	s19 =	simm.s32 $0x500;
	[sflag:s11] =	ssyncadd.s32 $0xFFFFC000  }
0x51: {  	[tilespmem:s31], [sflag:$0x4] =	stream.indirect.gather [hbm4b:s2+s22], $0x80, s19, s22, $0xb8;
	[tilespmem:$0x1D900] =	vst v63  }
0x52: {  	_ =	swait.ge [sflag:s12], $0x4000  }
0x53: {  	[sflag:s12] =	ssyncset.done $0x0  }
0x54: {  	s20 =	rddreg [dreg:$0x9];
	[sflag:s12] =	ssyncadd.s32 $0xFFFFC000  }
0x55: {  	[hbm4b:s20+s3] =	stream.linear.scatter [tilespmem:s1], [sflag:$0xC], $0x4000, $0x38;
	[tilespmem:$0x1D900] =	vst v63  }
0x56: {  	_ =	swait.ge [sflag:s13], $0x4000  }
0x57: {  	[sflag:s13] =	ssyncset.done $0x0  }
0x58: {  	s23 =	simm.s32 $0x580;
	[sflag:s13] =	ssyncadd.s32 $0xFFFFC000  }
0x59: {  	[tilespmem:s1], [sflag:$0x5] =	stream.indirect.gather [hbm4b:s2+s22], $0x80, s23, s22, $0xb8;
	[tilespmem:$0x1D900] =	vst v63  }
0x5a: {  	_ =	swait.ge [sflag:s14], $0x4000  }
0x5b: {  	[sflag:s14] =	ssyncset.done $0x0  }
0x5c: {  	s19 =	rddreg [dreg:$0xa];
	[sflag:s14] =	ssyncadd.s32 $0xFFFFC000  }
0x5d: {  	[hbm4b:s19+s3] =	stream.linear.scatter [tilespmem:s30], [sflag:$0xD], $0x4000, $0x38;
	[tilespmem:$0x1D900] =	vst v63  }
0x5e: {  	_ =	swait.ge [sflag:s15], $0x4000  }
0x5f: {  	[sflag:s15] =	ssyncset.done $0x0  }
0x60: {  	s20 =	simm.s32 $0x600;
	[sflag:s15] =	ssyncadd.s32 $0xFFFFC000  }
0x61: {  	[tilespmem:s30], [sflag:$0x6] =	stream.indirect.gather [hbm4b:s2+s22], $0x80, s20, s22, $0xb8;
	[tilespmem:$0x1D900] =	vst v63  }
0x62: {  	_ =	swait.ge [sflag:s5], $0x4000  }
0x63: {  	[sflag:s5] =	ssyncset.done $0x0  }
0x64: {  	s23 =	rddreg [dreg:$0xb];
	[sflag:s5] =	ssyncadd.s32 $0xFFFFC000  }
0x65: {  	[hbm4b:s23+s3] =	stream.linear.scatter [tilespmem:s28], [sflag:$0xE], $0x4000, $0x38;
	[tilespmem:$0x1D900] =	vst v63  }
0x66: {  	_ =	swait.ge [sflag:s16], $0x4000  }
0x67: {  	[sflag:s16] =	ssyncset.done $0x0  }
0x68: {  	s19 =	simm.s32 $0x680;
	[sflag:s16] =	ssyncadd.s32 $0xFFFFC000  }
0x69: {  	[tilespmem:s28], [sflag:$0x7] =	stream.indirect.gather [hbm4b:s2+s22], $0x80, s19, s22, $0xb8;
	[tilespmem:$0x1D900] =	vst v63  }
0x6a: {  	_ =	swait.ge [sflag:s0], $0x4000  }
0x6b: {  	[sflag:s0] =	ssyncset.done $0x0  }
0x6c: {  	[sflag:s0] =	ssyncadd.s32 $0xFFFFC000  }
0x6d: {  	[hbm4b:s21+s3] =	stream.linear.scatter [tilespmem:s25], [sflag:$0x8], $0x4000, $0x38;
	[tilespmem:$0x1D900] =	vst v63  }
0x6e: {  	_ =	swait.ge [sflag:s4], $0x4000  }
0x6f: {  	[sflag:s4] =	ssyncset.done $0x0  }
0x70: {  	s20 =	simm.s32 $0x700;
	[sflag:s4] =	ssyncadd.s32 $0xFFFFC000  }
0x71: {  	[tilespmem:s25], [sflag:$0x1] =	stream.indirect.gather [hbm4b:s2+s22], $0x80, s20, s22, $0xb8;
	[tilespmem:$0x1D900] =	vst v63  }
0x72: {  	_ =	swait.ge [sflag:s6], $0x4000  }
0x73: {  	[sflag:s6] =	ssyncset.done $0x0  }
0x74: {  	s23 =	sadd.s32 $0x800, s21;
	[sflag:s6] =	ssyncadd.s32 $0xFFFFC000  }
0x75: {  	[hbm4b:s23+s3] =	stream.linear.scatter [tilespmem:s26], [sflag:$0x9], $0x4000, $0x38;
	[tilespmem:$0x1D900] =	vst v63  }
0x76: {  	_ =	swait.ge [sflag:s7], $0x4000  }
0x77: {  	[sflag:s7] =	ssyncset.done $0x0  }
0x78: {  	s19 =	simm.s32 $0x780;
	[sflag:s7] =	ssyncadd.s32 $0xFFFFC000  }
0x79: {  	[tilespmem:s26], [sflag:$0x2] =	stream.indirect.gather [hbm4b:s2+s22], $0x80, s19, s22, $0xb8;
	[tilespmem:$0x1D900] =	vst v63  }
0x7a: {  	_ =	swait.ge [sflag:s8], $0x4000  }
0x7b: {  	[sflag:s8] =	ssyncset.done $0x0  }
0x7c: {  	s20 =	sadd.s32 $0x1000, s21;
	[sflag:s8] =	ssyncadd.s32 $0xFFFFC000  }
0x7d: {  	[hbm4b:s20+s3] =	stream.linear.scatter [tilespmem:s29], [sflag:$0xA], $0x4000, $0x38;
	[tilespmem:$0x1D900] =	vst v63  }
0x7e: {  	_ =	swait.ge [sflag:s9], $0x4000  }
0x7f: {  	[sflag:s9] =	ssyncset.done $0x0  }
0x80: {  	s23 =	simm.s32 $0x800;
	[sflag:s9] =	ssyncadd.s32 $0xFFFFC000  }
0x81: {  	[tilespmem:s29], [sflag:$0x3] =	stream.indirect.gather [hbm4b:s2+s22], $0x80, s23, s22, $0xb8;
	[tilespmem:$0x1D900] =	vst v63  }
0x82: {  	_ =	swait.ge [sflag:s10], $0x4000  }
0x83: {  	[sflag:s10] =	ssyncset.done $0x0  }
0x84: {  	s19 =	sadd.s32 $0x1800, s21;
	[sflag:s10] =	ssyncadd.s32 $0xFFFFC000  }
0x85: {  	[hbm4b:s19+s3] =	stream.linear.scatter [tilespmem:s31], [sflag:$0xB], $0x4000, $0x38;
	[tilespmem:$0x1D900] =	vst v63  }
0x86: {  	_ =	swait.ge [sflag:s11], $0x4000  }
0x87: {  	[sflag:s11] =	ssyncset.done $0x0  }
0x88: {  	s20 =	simm.s32 $0x880;
	[sflag:s11] =	ssyncadd.s32 $0xFFFFC000  }
0x89: {  	[tilespmem:s31], [sflag:$0x4] =	stream.indirect.gather [hbm4b:s2+s22], $0x80, s20, s22, $0xb8;
	[tilespmem:$0x1D900] =	vst v63  }
0x8a: {  	_ =	swait.ge [sflag:s12], $0x4000  }
0x8b: {  	[sflag:s12] =	ssyncset.done $0x0  }
0x8c: {  	s23 =	sadd.s32 $0x2000, s21;
	[sflag:s12] =	ssyncadd.s32 $0xFFFFC000  }
0x8d: {  	[hbm4b:s23+s3] =	stream.linear.scatter [tilespmem:s1], [sflag:$0xC], $0x4000, $0x38;
	[tilespmem:$0x1D900] =	vst v63  }
0x8e: {  	_ =	swait.ge [sflag:s13], $0x4000  }
0x8f: {  	[sflag:s13] =	ssyncset.done $0x0  }
0x90: {  	s19 =	simm.s32 $0x900;
	[sflag:s13] =	ssyncadd.s32 $0xFFFFC000  }
0x91: {  	[tilespmem:s1], [sflag:$0x5] =	stream.indirect.gather [hbm4b:s2+s22], $0x80, s19, s22, $0xb8;
	[tilespmem:$0x1D900] =	vst v63  }
0x92: {  	_ =	swait.ge [sflag:s14], $0x4000  }
0x93: {  	[sflag:s14] =	ssyncset.done $0x0  }
0x94: {  	s20 =	sadd.s32 $0x2800, s21;
	[sflag:s14] =	ssyncadd.s32 $0xFFFFC000  }
0x95: {  	[hbm4b:s20+s3] =	stream.linear.scatter [tilespmem:s30], [sflag:$0xD], $0x4000, $0x38;
	[tilespmem:$0x1D900] =	vst v63  }
0x96: {  	_ =	swait.ge [sflag:s15], $0x4000  }
0x97: {  	[sflag:s15] =	ssyncset.done $0x0  }
0x98: {  	s23 =	simm.s32 $0x980;
	[sflag:s15] =	ssyncadd.s32 $0xFFFFC000  }
0x99: {  	[tilespmem:s30], [sflag:$0x6] =	stream.indirect.gather [hbm4b:s2+s22], $0x80, s23, s22, $0xb8;
	[tilespmem:$0x1D900] =	vst v63  }
0x9a: {  	_ =	swait.ge [sflag:s5], $0x4000  }
0x9b: {  	s18 =	sadd.s32 $0x3800, s21;
	[sflag:s5] =	ssyncset.done $0x0  }
0x9c: {  	s19 =	sadd.s32 $0x3000, s21;
	s23 =	simm.s32 $0xE00;
	[sflag:s5] =	ssyncadd.s32 $0xFFFFC000  }
.LBB2_2:
0x9d: {  	[hbm4b:s19+s3] =	stream.linear.scatter [tilespmem:s28], [sflag:$0xE], $0x4000, $0x38;
	[tilespmem:$0x1D900] =	vst v63  }
0x9e: {  	s19 =	smov.u32 s23  }
0x9f: {  	p0 =	sne.s32 s23, $0x3800;
	s23 =	sadd.s32 $0xE00, s23;
	_ =	swait.ge [sflag:s16], $0x4000  }
0xa0: {  	s19 =	sshra.s32 s19, $0x2;
	[sflag:s16] =	ssyncset.done $0x0  }
0xa1: {  	s20 =	sadd.s32 $0x680, s19;
	[sflag:s16] =	ssyncadd.s32 $0xFFFFC000  }
0xa2: {  	[tilespmem:s28], [sflag:$0x7] =	stream.indirect.gather [hbm4b:s2+s22], $0x80, s20, s22, $0xb8;
	[tilespmem:$0x1D900] =	vst v63  }
0xa3: {  	_ =	swait.ge [sflag:s0], $0x4000  }
0xa4: {  	[sflag:s0] =	ssyncset.done $0x0  }
0xa5: {  	[sflag:s0] =	ssyncadd.s32 $0xFFFFC000  }
0xa6: {  	[hbm4b:s18+s3] =	stream.linear.scatter [tilespmem:s25], [sflag:$0x8], $0x4000, $0x38;
	[tilespmem:$0x1D900] =	vst v63  }
0xa7: {  	_ =	swait.ge [sflag:s4], $0x4000  }
0xa8: {  	[sflag:s4] =	ssyncset.done $0x0  }
0xa9: {  	s20 =	sadd.s32 $0x700, s19;
	[sflag:s4] =	ssyncadd.s32 $0xFFFFC000  }
0xaa: {  	[tilespmem:s25], [sflag:$0x1] =	stream.indirect.gather [hbm4b:s2+s22], $0x80, s20, s22, $0xb8;
	[tilespmem:$0x1D900] =	vst v63  }
0xab: {  	_ =	swait.ge [sflag:s6], $0x4000  }
0xac: {  	[sflag:s6] =	ssyncset.done $0x0  }
0xad: {  	s20 =	sadd.s32 $0x800, s18;
	[sflag:s6] =	ssyncadd.s32 $0xFFFFC000  }
0xae: {  	[hbm4b:s20+s3] =	stream.linear.scatter [tilespmem:s26], [sflag:$0x9], $0x4000, $0x38;
	[tilespmem:$0x1D900] =	vst v63  }
0xaf: {  	_ =	swait.ge [sflag:s7], $0x4000  }
0xb0: {  	[sflag:s7] =	ssyncset.done $0x0  }
0xb1: {  	s20 =	sadd.s32 $0x780, s19;
	[sflag:s7] =	ssyncadd.s32 $0xFFFFC000  }
0xb2: {  	[tilespmem:s26], [sflag:$0x2] =	stream.indirect.gather [hbm4b:s2+s22], $0x80, s20, s22, $0xb8;
	[tilespmem:$0x1D900] =	vst v63  }
0xb3: {  	_ =	swait.ge [sflag:s8], $0x4000  }
0xb4: {  	[sflag:s8] =	ssyncset.done $0x0  }
0xb5: {  	s20 =	sadd.s32 $0x1000, s18;
	[sflag:s8] =	ssyncadd.s32 $0xFFFFC000  }
0xb6: {  	[hbm4b:s20+s3] =	stream.linear.scatter [tilespmem:s29], [sflag:$0xA], $0x4000, $0x38;
	[tilespmem:$0x1D900] =	vst v63  }
0xb7: {  	_ =	swait.ge [sflag:s9], $0x4000  }
0xb8: {  	[sflag:s9] =	ssyncset.done $0x0  }
0xb9: {  	s20 =	sadd.s32 $0x800, s19;
	[sflag:s9] =	ssyncadd.s32 $0xFFFFC000  }
0xba: {  	[tilespmem:s29], [sflag:$0x3] =	stream.indirect.gather [hbm4b:s2+s22], $0x80, s20, s22, $0xb8;
	[tilespmem:$0x1D900] =	vst v63  }
0xbb: {  	_ =	swait.ge [sflag:s10], $0x4000  }
0xbc: {  	[sflag:s10] =	ssyncset.done $0x0  }
0xbd: {  	s20 =	sadd.s32 $0x1800, s18;
	[sflag:s10] =	ssyncadd.s32 $0xFFFFC000  }
0xbe: {  	[hbm4b:s20+s3] =	stream.linear.scatter [tilespmem:s31], [sflag:$0xB], $0x4000, $0x38;
	[tilespmem:$0x1D900] =	vst v63  }
0xbf: {  	_ =	swait.ge [sflag:s11], $0x4000  }
0xc0: {  	[sflag:s11] =	ssyncset.done $0x0  }
0xc1: {  	s20 =	sadd.s32 $0x880, s19;
	[sflag:s11] =	ssyncadd.s32 $0xFFFFC000  }
0xc2: {  	[tilespmem:s31], [sflag:$0x4] =	stream.indirect.gather [hbm4b:s2+s22], $0x80, s20, s22, $0xb8;
	[tilespmem:$0x1D900] =	vst v63  }
0xc3: {  	_ =	swait.ge [sflag:s12], $0x4000  }
0xc4: {  	[sflag:s12] =	ssyncset.done $0x0  }
0xc5: {  	s20 =	sadd.s32 $0x2000, s18;
	[sflag:s12] =	ssyncadd.s32 $0xFFFFC000  }
0xc6: {  	[hbm4b:s20+s3] =	stream.linear.scatter [tilespmem:s1], [sflag:$0xC], $0x4000, $0x38;
	[tilespmem:$0x1D900] =	vst v63  }
0xc7: {  	_ =	swait.ge [sflag:s13], $0x4000  }
0xc8: {  	[sflag:s13] =	ssyncset.done $0x0  }
0xc9: {  	s20 =	sadd.s32 $0x900, s19;
	[sflag:s13] =	ssyncadd.s32 $0xFFFFC000  }
0xca: {  	[tilespmem:s1], [sflag:$0x5] =	stream.indirect.gather [hbm4b:s2+s22], $0x80, s20, s22, $0xb8;
	[tilespmem:$0x1D900] =	vst v63  }
0xcb: {  	_ =	swait.ge [sflag:s14], $0x4000  }
0xcc: {  	[sflag:s14] =	ssyncset.done $0x0  }
0xcd: {  	s20 =	sadd.s32 $0x2800, s18;
	[sflag:s14] =	ssyncadd.s32 $0xFFFFC000  }
0xce: {  	[hbm4b:s20+s3] =	stream.linear.scatter [tilespmem:s30], [sflag:$0xD], $0x4000, $0x38;
	[tilespmem:$0x1D900] =	vst v63  }
0xcf: {  	_ =	swait.ge [sflag:s15], $0x4000  }
0xd0: {  	[sflag:s15] =	ssyncset.done $0x0  }
.Ltmp0:
0xd1: {  	s19 =	sadd.s32 $0x980, s19;
	[sflag:s15] =	ssyncadd.s32 $0xFFFFC000;
	(pc) =	sbr.rel @p0 .LBB2_2-.Ltmp0, $4  }
0xd2: {  	[tilespmem:s30], [sflag:$0x6] =	stream.indirect.gather [hbm4b:s2+s22], $0x80, s19, s22, $0xb8;
	[tilespmem:$0x1D900] =	vst v63  }
0xd3: {  	_ =	swait.ge [sflag:s5], $0x4000  }
0xd4: {  	[sflag:s5] =	ssyncset.done $0x0  }
0xd5: {  	s19 =	sadd.s32 $0x3000, s18;
	s18 =	sadd.s32 $0x3800, s18;
	[sflag:s5] =	ssyncadd.s32 $0xFFFFC000  }
0xd6: {  	[hbm4b:s19+s3] =	stream.linear.scatter [tilespmem:s28], [sflag:$0xE], $0x4000, $0x38;
	[tilespmem:$0x1D900] =	vst v63  }
0xd7: {  	_ =	swait.ge [sflag:s16], $0x4000  }
0xd8: {  	[sflag:s16] =	ssyncset.done $0x0  }
0xd9: {  	s18 =	simm.s32 $0x1800;
	[sflag:s16] =	ssyncadd.s32 $0xFFFFC000  }
0xda: {  	[tilespmem:s28], [sflag:$0x7] =	stream.indirect.gather [hbm4b:s2+s22], $0x80, s18, s22, $0xb8;
	[tilespmem:$0x1D900] =	vst v63  }
0xdb: {  	_ =	swait.ge [sflag:s0], $0x4000  }
0xdc: {  	[sflag:s0] =	ssyncset.done $0x0  }
0xdd: {  	s23 =	rddreg [dreg:$0xc];
	[sflag:s0] =	ssyncadd.s32 $0xFFFFC000  }
0xde: {  	[hbm4b:s23+s3] =	stream.linear.scatter [tilespmem:s25], [sflag:$0x8], $0x4000, $0x38;
	[tilespmem:$0x1D900] =	vst v63  }
0xdf: {  	_ =	swait.ge [sflag:s4], $0x4000  }
0xe0: {  	[sflag:s4] =	ssyncset.done $0x0  }
0xe1: {  	s19 =	simm.s32 $0x1880;
	[sflag:s4] =	ssyncadd.s32 $0xFFFFC000  }
0xe2: {  	[tilespmem:s25], [sflag:$0x1] =	stream.indirect.gather [hbm4b:s2+s22], $0x80, s19, s22, $0xb8;
	[tilespmem:$0x1D900] =	vst v63  }
0xe3: {  	_ =	swait.ge [sflag:s6], $0x4000  }
0xe4: {  	[sflag:s6] =	ssyncset.done $0x0  }
0xe5: {  	s20 =	rddreg [dreg:$0xd];
	[sflag:s6] =	ssyncadd.s32 $0xFFFFC000  }
0xe6: {  	[hbm4b:s20+s3] =	stream.linear.scatter [tilespmem:s26], [sflag:$0x9], $0x4000, $0x38;
	[tilespmem:$0x1D900] =	vst v63  }
0xe7: {  	_ =	swait.ge [sflag:s8], $0x4000  }
0xe8: {  	[sflag:s8] =	ssyncset.done $0x0  }
0xe9: {  	s23 =	rddreg [dreg:$0xe];
	[sflag:s8] =	ssyncadd.s32 $0xFFFFC000  }
0xea: {  	[hbm4b:s23+s3] =	stream.linear.scatter [tilespmem:s29], [sflag:$0xA], $0x4000, $0x38;
	[tilespmem:$0x1D900] =	vst v63  }
0xeb: {  	_ =	swait.ge [sflag:s10], $0x4000  }
0xec: {  	[sflag:s10] =	ssyncset.done $0x0  }
0xed: {  	s19 =	rddreg [dreg:$0xf];
	[sflag:s10] =	ssyncadd.s32 $0xFFFFC000  }
0xee: {  	[hbm4b:s19+s3] =	stream.linear.scatter [tilespmem:s31], [sflag:$0xB], $0x4000, $0x38;
	[tilespmem:$0x1D900] =	vst v63  }
0xef: {  	_ =	swait.ge [sflag:s12], $0x4000  }
0xf0: {  	[sflag:s12] =	ssyncset.done $0x0  }
0xf1: {  	s20 =	rddreg [dreg:$0x10];
	[sflag:s12] =	ssyncadd.s32 $0xFFFFC000  }
0xf2: {  	[hbm4b:s20+s3] =	stream.linear.scatter [tilespmem:s1], [sflag:$0xC], $0x4000, $0x38;
	[tilespmem:$0x1D900] =	vst v63  }
0xf3: {  	_ =	swait.ge [sflag:s14], $0x4000  }
0xf4: {  	[sflag:s14] =	ssyncset.done $0x0  }
0xf5: {  	s23 =	rddreg [dreg:$0x11];
	[sflag:s14] =	ssyncadd.s32 $0xFFFFC000  }
0xf6: {  	[hbm4b:s23+s3] =	stream.linear.scatter [tilespmem:s30], [sflag:$0xD], $0x4000, $0x38;
	[tilespmem:$0x1D900] =	vst v63  }
0xf7: {  	_ =	swait.ge [sflag:s5], $0x4000  }
0xf8: {  	[sflag:s5] =	ssyncset.done $0x0  }
0xf9: {  	s19 =	rddreg [dreg:$0x12];
	[sflag:s5] =	ssyncadd.s32 $0xFFFFC000  }
0xfa: {  	[hbm4b:s19+s3] =	stream.linear.scatter [tilespmem:s28], [sflag:$0xE], $0x4000, $0x38;
	[tilespmem:$0x1D900] =	vst v63  }
0xfb: {  	_ =	swait.ge [sflag:s0], $0x4000  }
0xfc: {  	[sflag:s0] =	ssyncset.done $0x0  }
0xfd: {  	s20 =	rddreg [dreg:$0x13];
	[sflag:s0] =	ssyncadd.s32 $0xFFFFC000  }
0xfe: {  	[hbm4b:s20+s3] =	stream.linear.scatter [tilespmem:s25], [sflag:$0x8], $0x4000, $0x38;
	[tilespmem:$0x1D900] =	vst v63  }
0xff: {  	_ =	swait.ge [sflag:s7], $0x4000  }
0x100: {  	[sflag:s7] =	ssyncset.done $0x0  }
0x101: {  	[sflag:s7] =	ssyncadd.s32 $0xFFFFC000  }
0x102: {  	_ =	swait.ge [sflag:s9], $0x4000  }
0x103: {  	[sflag:s9] =	ssyncset.done $0x0  }
0x104: {  	[sflag:s9] =	ssyncadd.s32 $0xFFFFC000  }
0x105: {  	_ =	swait.ge [sflag:s11], $0x4000  }
0x106: {  	[sflag:s11] =	ssyncset.done $0x0  }
0x107: {  	[sflag:s11] =	ssyncadd.s32 $0xFFFFC000  }
0x108: {  	_ =	swait.ge [sflag:s13], $0x4000  }
0x109: {  	[sflag:s13] =	ssyncset.done $0x0  }
0x10a: {  	[sflag:s13] =	ssyncadd.s32 $0xFFFFC000  }
0x10b: {  	_ =	swait.ge [sflag:s15], $0x4000  }
0x10c: {  	[sflag:s15] =	ssyncset.done $0x0  }
0x10d: {  	[sflag:s15] =	ssyncadd.s32 $0xFFFFC000  }
0x10e: {  	_ =	swait.ge [sflag:s16], $0x4000  }
0x10f: {  	[sflag:s16] =	ssyncset.done $0x0  }
0x110: {  	[sflag:s16] =	ssyncadd.s32 $0xFFFFC000  }
0x111: {  	_ =	swait.ge [sflag:s4], $0x4000  }
0x112: {  	s17 =	sadd.s32 $0x1, s17;
	s23 =	rddreg [dreg:$0x14]  }
0x113: {  	p0 =	sne.s32 s17, s23  }
.Ltmp1:
0x114: {  	_ = 	snop;
	(pc) =	sbr.rel @p0 .LBB2_1-.Ltmp1, $3  }
0x115: {  	_ =	sdelay $0x1  }
0x116: {  	[sflag:s4] =	ssyncset.done $0x0  }
0x117: {  	[sflag:s4] =	ssyncadd.s32 $0xFFFFC000  }
0x118: {  	_ =	sfence.sel $0x180000  }
0x119: {  	[bflag:$0x0] =	sbarrier.arrive $0xFFFF  }
0x11a: {  	_ =	strace $0x90000047  }
0x11b: {  	s0 =	stileid.u32;
	[bflag:$0x2] =	sbarrier.arrive $0xFFFF  }
0x11c: {  	p0 =	sne.s32 s0, $0x0;
	s0 =	rddreg [dreg:$0x3]  }
0x11d: {  	s0 =	sadd.s32 @!p0 $0x100000, s0  }
0x11e: {  	[sflag:s0] =	ssyncadd.tile.s32 @!p0 $0x1;
	_ =	shalt  }
.Lfunc_end2:
_tile_overlayer_lowered:
.L_overlay_start_2:
0x11f: {  	(tag) =	ssettag $0x2  }
0x120: {  	s0 =	rddreg [dreg:$0x0];
	s2 =	stileid.u32  }
0x121: {  	s1 =	rddreg [dreg:$0x1];
	p0 =	sne.s32 s2, $0x0  }
0x122: {  	s3 =	rddreg [dreg:$0x2];
	[bflag:$0x3] =	sbarrier.arrive $0xFFFF;
	s2 =	simm.s32 @!p0 $0x1C0F  }
0x123: {  	[timem:s3], [sflag:s2] =	dma.local @!p0 [hbm:s0], s1  }
0x124: {  	s0 =	simm.s32 @!p0 $0xF  }
0x125: {  	_ =	swait.ge @!p0 [sflag:s0], s1  }
0x126: {  	s1 =	ssub.s32 @!p0 $0x0, s1;
	[sflag:s0] =	ssyncset.done @!p0 $0x0  }
0x127: {  	[sflag:s0] =	ssyncadd.s32 @!p0 s1  }
0x128: {  	[bflag:$0x3] =	sbarrier.arrive $0xFFFF  }
0x129: {  	_ =	shalt  }

</sc_bundles>
